<compile_context>
chip_gen: v7x
topology: tpu7x:2x2x1
jax: 0.10.2.dev20260603
libtpu: 0.0.44.dev20260713+nightly
codegen_flags: <defaults>
</compile_context>

<pallas_src>
import dataclasses
import functools

import jax
import jax.numpy as jnp
from jax import lax
from jax.experimental import pallas as pl
from jax.experimental.pallas import tpu as pltpu
from jax.experimental.pallas import tpu_sc as plsc

N = 10000
E = 320000
D = 128
G = 512
D_OUT = 16

NC = 2
NS = 16
NW = NC * NS
EW = E // NW
CH = 80
NCH = EW // CH
NBUF = 5
ECH = 40
ENCH = EW // ECH
SB = 50
NSB = ENCH // SB
NP = 10240
RW = NP // NS

def _deg_body(dst_hbm, zeros_hbm, out_hbm, dst_v, deg_v):
    c = lax.axis_index("c")
    s = lax.axis_index("s")
    wid = c * NS + s
    pltpu.sync_copy(dst_hbm.at[wid], dst_v)
    pltpu.sync_copy(zeros_hbm, deg_v)
    ones = jnp.full((16,), 1.0, jnp.float32)

    @pl.loop(0, NCH)
    def _(i):
        for j in range(CH // 16):
            idx = dst_v[i, pl.ds(j * 16, 16)]
            plsc.addupdate_scatter(deg_v, [idx], ones)

    pltpu.sync_copy(deg_v, out_hbm.at[pl.ds(wid * N, N)])


def _sc_compiler_params():
    cp = pltpu.CompilerParams()
    if "needs_layout_passes" in pltpu.CompilerParams.__dataclass_fields__:
        cp = dataclasses.replace(cp, needs_layout_passes=False)
    return cp


@functools.cache
def _deg_kernel():
    mesh = plsc.VectorSubcoreMesh(core_axis_name="c", subcore_axis_name="s",
                                  num_cores=NC, num_subcores=NS)
    return pl.kernel(
        _deg_body,
        out_type=jax.ShapeDtypeStruct((NW * N,), jnp.float32),
        mesh=mesh,
        compiler_params=_sc_compiler_params(),
        scratch_types=[
            pltpu.VMEM((NCH, CH), jnp.int32),
            pltpu.VMEM((N,), jnp.float32),
        ],
    )


def _edge_body(h_hbm, src_hbm, dst_hbm, zeros_hbm,
               out0_hbm, out1_hbm, src_v, dst_v, bufs, acc, sems):
    c = lax.axis_index("c")
    s = lax.axis_index("s")
    wid = c * NS + s
    pltpu.sync_copy(zeros_hbm, acc.at[pl.ds(s * RW, RW)])
    plsc.subcore_barrier()

    def _gather(chunk, b):
        return pltpu.async_copy(
            h_hbm.at[src_v.at[chunk]], bufs[b], sems[b])

    def _gather_wait(chunk, b):
        pltpu.make_async_copy(
            h_hbm.at[src_v.at[chunk]], bufs[b], sems[b]).wait()

    def _scatter(p, b):
        return pltpu.async_copy(
            bufs[b], acc.at[dst_v.at[p]], sems[NBUF + b], add=True)

    def _scatter_wait(p, b):
        pltpu.make_async_copy(
            bufs[b], acc.at[dst_v.at[p]], sems[NBUF + b]).wait()

    @pl.loop(0, NSB)
    def _(o):
        pltpu.sync_copy(src_hbm.at[wid, o], src_v)
        pltpu.sync_copy(dst_hbm.at[wid, o], dst_v)
        for b in range(NBUF):
            _gather(b, b)

        @pl.loop(0, SB - NBUF, step=NBUF)
        def _(p):
            for b in range(NBUF):
                _gather_wait(p + b, b)
                _scatter(p + b, b)
            for b in range(NBUF):
                _scatter_wait(p + b, b)
                _gather(p + NBUF + b, b)

        for b in range(NBUF):
            _gather_wait(SB - NBUF + b, b)
            _scatter(SB - NBUF + b, b)
        for b in range(NBUF):
            _scatter_wait(SB - NBUF + b, b)

    plsc.subcore_barrier()
    rows = pl.ds(s * RW, RW)

    @pl.when(c == 0)
    def _():
        pltpu.sync_copy(acc.at[rows], out0_hbm.at[rows])

    @pl.when(c == 1)
    def _():
        pltpu.sync_copy(acc.at[rows], out1_hbm.at[rows])


@functools.cache
def _edge_kernel():
    mesh = plsc.VectorSubcoreMesh(core_axis_name="c", subcore_axis_name="s",
                                  num_cores=NC, num_subcores=NS)
    return pl.kernel(
        _edge_body,
        out_type=[
            jax.ShapeDtypeStruct((NP, D), jnp.float32),
            jax.ShapeDtypeStruct((NP, D), jnp.float32),
        ],
        mesh=mesh,
        scratch_types=[
            pltpu.VMEM((SB, ECH), jnp.int32),
            pltpu.VMEM((SB, ECH), jnp.int32),
            [pltpu.VMEM((ECH, D), jnp.float32) for _ in range(NBUF)],
            pltpu.VMEM_SHARED((NP, D), jnp.float32),
            [pltpu.SemaphoreType.DMA for _ in range(2 * NBUF)],
        ],
    )


def _mm_scale_body(x_ref, w_ref, degt_ref, out_ref, dinv_ref):
    d = jnp.sum(degt_ref[...], axis=1, keepdims=True) + 1.0
    dinv = jnp.broadcast_to(lax.rsqrt(d), out_ref.shape)
    dinv_ref[...] = dinv
    h = jnp.dot(x_ref[...], w_ref[...], preferred_element_type=jnp.float32)
    out_ref[...] = h * dinv


def _mm_scale_tc(x, w, deg_t):
    blk = 1000
    return pl.pallas_call(
        _mm_scale_body,
        grid=(N // blk,),
        in_specs=[
            pl.BlockSpec((blk, D), lambda i: (i, 0)),
            pl.BlockSpec((D, D), lambda i: (0, 0)),
            pl.BlockSpec((blk, NW), lambda i: (i, 0)),
        ],
        out_specs=[
            pl.BlockSpec((blk, D), lambda i: (i, 0)),
            pl.BlockSpec((blk, D), lambda i: (i, 0)),
        ],
        out_shape=[
            jax.ShapeDtypeStruct((N, D), jnp.float32),
            jax.ShapeDtypeStruct((N, D), jnp.float32),
        ],
    )(x, w, deg_t)


def _combine_body(sa_ref, sb_ref, hp_ref, dinv_ref, b_ref, w_ref, out_ref):
    pre = (sa_ref[...] + sb_ref[...] + hp_ref[...]) * dinv_ref[...] + b_ref[...]
    h = jnp.maximum(pre, 0.0)
    out_ref[...] = (
        jnp.dot(h, w_ref[...], preferred_element_type=jnp.float32)
        * dinv_ref[...])


def _combine_tc(sa, sb, hp, dinv_b, b1, w2):
    blk = 1000
    return pl.pallas_call(
        _combine_body,
        grid=(N // blk,),
        in_specs=[
            pl.BlockSpec((blk, D), lambda i: (i, 0)),
            pl.BlockSpec((blk, D), lambda i: (i, 0)),
            pl.BlockSpec((blk, D), lambda i: (i, 0)),
            pl.BlockSpec((blk, D), lambda i: (i, 0)),
            pl.BlockSpec((1, D), lambda i: (0, 0)),
            pl.BlockSpec((D, D), lambda i: (0, 0)),
        ],
        out_specs=pl.BlockSpec((blk, D), lambda i: (i, 0)),
        out_shape=jax.ShapeDtypeStruct((N, D), jnp.float32),
    )(sa, sb, hp, dinv_b, b1, w2)


_PBLK = 1000


def _pool_body(sa_ref, sb_ref, hp_ref, dinv_ref, b_ref, batch_ref,
               w1_ref, b1_ref, w2_ref, b2_ref, out_ref, sums_ref, cnt_ref):
    pre = (sa_ref[...] + sb_ref[...] + hp_ref[...]) * dinv_ref[...] + b_ref[...]
    h2 = jnp.maximum(pre, 0.0)
    bids = batch_ref[0]
    gids = lax.broadcasted_iota(jnp.int32, (G, _PBLK), 0)
    onehot_t = (gids == bids).astype(jnp.float32)
    psums = jnp.dot(onehot_t, h2, preferred_element_type=jnp.float32)
    pcnt = jnp.broadcast_to(
        jnp.sum(onehot_t, axis=1, keepdims=True), (G, D))

    @pl.when(pl.program_id(0) == 0)
    def _():
        sums_ref[...] = psums
        cnt_ref[...] = pcnt

    @pl.when(pl.program_id(0) != 0)
    def _():
        sums_ref[...] += psums
        cnt_ref[...] += pcnt

    @pl.when(pl.program_id(0) == N // _PBLK - 1)
    def _():
        g = sums_ref[...] / jnp.maximum(cnt_ref[...], 1.0)
        a = jnp.maximum(
            jnp.dot(g, w1_ref[...], preferred_element_type=jnp.float32)
            + b1_ref[...], 0.0)
        z = (jnp.dot(a, w2_ref[...], preferred_element_type=jnp.float32)
             + b2_ref[...])
        m = jnp.max(z, axis=1, keepdims=True)
        ez = jnp.exp(z - m)
        out_ref[...] = (z - m) - jnp.log(jnp.sum(ez, axis=1, keepdims=True))


def _pool_tc(sa, sb, hp, dinv_b, b2, batch3, fc1_w, fc1_b, fc2_w, fc2_b):
    return pl.pallas_call(
        _pool_body,
        grid=(N // _PBLK,),
        in_specs=[
            pl.BlockSpec((_PBLK, D), lambda i: (i, 0)),
            pl.BlockSpec((_PBLK, D), lambda i: (i, 0)),
            pl.BlockSpec((_PBLK, D), lambda i: (i, 0)),
            pl.BlockSpec((_PBLK, D), lambda i: (i, 0)),
            pl.BlockSpec((1, D), lambda i: (0, 0)),
            pl.BlockSpec((1, 1, _PBLK), lambda i: (i, 0, 0)),
            pl.BlockSpec((D, D), lambda i: (0, 0)),
            pl.BlockSpec((1, D), lambda i: (0, 0)),
            pl.BlockSpec((D, D_OUT), lambda i: (0, 0)),
            pl.BlockSpec((1, D_OUT), lambda i: (0, 0)),
        ],
        out_specs=pl.BlockSpec((G, D_OUT), lambda i: (0, 0)),
        out_shape=jax.ShapeDtypeStruct((G, D_OUT), jnp.float32),
        scratch_shapes=[
            pltpu.VMEM((G, D), jnp.float32),
            pltpu.VMEM((G, D), jnp.float32),
        ],
    )(sa, sb, hp, dinv_b, b2, batch3, fc1_w, fc1_b, fc2_w, fc2_b)


def kernel(x, edge_index, batch, W1, b1, W2, b2, fc1_W, fc1_b, fc2_W, fc2_b):
    srcE = edge_index[0].astype(jnp.int32).reshape(NW, NSB, SB, ECH)
    dstE = edge_index[1].astype(jnp.int32).reshape(NW, NSB, SB, ECH)
    dst3 = edge_index[1].astype(jnp.int32).reshape(NW, NCH, CH)
    batch3 = batch.astype(jnp.int32).reshape(N // _PBLK, 1, _PBLK)
    zrows = jnp.zeros((RW, D), jnp.float32)
    zdeg = jnp.zeros((N,), jnp.float32)

    deg_parts = _deg_kernel()(dst3, zdeg)
    deg_t = deg_parts.reshape(NW, N).T

    h1p, dinv_b = _mm_scale_tc(x, W1, deg_t)
    s1a, s1b = _edge_kernel()(h1p, srcE, dstE, zrows)
    h2p = _combine_tc(s1a, s1b, h1p, dinv_b, b1.reshape(1, D), W2)
    s2a, s2b = _edge_kernel()(h2p, srcE, dstE, zrows)
    return _pool_tc(s2a, s2b, h2p, dinv_b, b2.reshape(1, D), batch3,
                    fc1_W, fc1_b.reshape(1, D),
                    fc2_W, fc2_b.reshape(1, D_OUT))

# --- scband reference (transcript-rebuilt; emitter-appended) ---
"""Pipeline reference for scband-cultural-classification-gnn-14199161880832 (READ-ONLY COPY).

The authoritative reference and input builder live on the scoring server;
editing this copy changes nothing except your own understanding.
"""

import jax, jax.numpy as jnp
import numpy as np

N = 10000
E = 320000
D_IN = 128
D_HID = 128
D_OUT = 16
N_GRAPHS = 512


def setup_inputs(seed: int = 0) -> dict:
    key = jax.random.key(seed)
    ks = jax.random.split(key, 12)
    x = jax.random.normal(ks[0], (N, D_IN), dtype=jnp.float32)
    edge_index = jax.random.randint(ks[1], (2, E), 0, N, dtype=jnp.int64)
    batch = jnp.sort(jax.random.randint(ks[2], (N,), 0, N_GRAPHS, dtype=jnp.int64))
    W1 = jax.random.normal(ks[3], (D_IN, D_HID), dtype=jnp.float32) * 0.05
    b1 = jnp.zeros((D_HID,), dtype=jnp.float32)
    W2 = jax.random.normal(ks[4], (D_HID, D_HID), dtype=jnp.float32) * 0.05
    b2 = jnp.zeros((D_HID,), dtype=jnp.float32)
    fc1_W = jax.random.normal(ks[5], (D_HID, D_HID), dtype=jnp.float32) * 0.05
    fc1_b = jnp.zeros((D_HID,), dtype=jnp.float32)
    fc2_W = jax.random.normal(ks[6], (D_HID, D_OUT), dtype=jnp.float32) * 0.05
    fc2_b = jnp.zeros((D_OUT,), dtype=jnp.float32)
    return {"x": x, "edge_index": edge_index, "batch": batch,
            "W1": W1, "b1": b1, "W2": W2, "b2": b2,
            "fc1_W": fc1_W, "fc1_b": fc1_b, "fc2_W": fc2_W, "fc2_b": fc2_b}


def _gcn_conv(x, src, dst, W, b, n_nodes):
    # PyG GCNConv: linear transform, then symmetric-normalized propagation with self loops
    h = x @ W
    loop = jnp.arange(n_nodes, dtype=src.dtype)
    src2 = jnp.concatenate([src, loop])
    dst2 = jnp.concatenate([dst, loop])
    deg = jnp.zeros((n_nodes,), dtype=h.dtype).at[dst2].add(1.0)
    dinv = jnp.where(deg > 0, 1.0 / jnp.sqrt(deg), 0.0)
    norm = dinv[src2] * dinv[dst2]
    msg = h[src2] * norm[:, None]
    out = jnp.zeros((n_nodes, h.shape[1]), dtype=h.dtype).at[dst2].add(msg)
    return out + b


def _global_mean_pool(x, batch, n_graphs):
    sums = jax.ops.segment_sum(x, batch, num_segments=n_graphs)
    cnt = jax.ops.segment_sum(jnp.ones((x.shape[0],), dtype=x.dtype), batch, num_segments=n_graphs)
    return sums / jnp.clip(cnt, 1.0)[:, None]


def reference(x, edge_index, batch, W1, b1, W2, b2, fc1_W, fc1_b, fc2_W, fc2_b):
    src, dst = edge_index[0], edge_index[1]
    h = jax.nn.relu(_gcn_conv(x, src, dst, W1, b1, N))
    # dropout is identity at inference
    h = jax.nn.relu(_gcn_conv(h, src, dst, W2, b2, N))
    g = _global_mean_pool(h, batch, N_GRAPHS)
    g = jax.nn.relu(g @ fc1_W + fc1_b)
    g = g @ fc2_W + fc2_b
    return jax.nn.log_softmax(g, axis=1)

if __name__ == "__main__":
    import jax
    _d = setup_inputs()
    print(jax.jit(kernel)(*tuple(_d.values())))

</pallas_src>

<mosaic_0001>
#map = affine_map<(d0, d1) -> (0, 0, 0)>
#map1 = affine_map<(d0, d1) -> (0)>
module attributes {stable_mosaic.version = 14 : i64} {
  func.func @_deg_body(%arg0: i32, %arg1: i32, %arg2: memref<32x125x80xi32, #tpu.memory_space<hbm>>, %arg3: memref<10000xf32, #tpu.memory_space<hbm>>, %arg4: memref<320000xf32, #tpu.memory_space<hbm>>, %arg5: memref<125x80xi32, #tpu.memory_space<vmem>>, %arg6: memref<10000xf32, #tpu.memory_space<vmem>>) attributes {dimension_semantics = [#tpu.dimension_semantics<core_parallel>, #tpu.dimension_semantics<subcore_parallel>], iteration_bounds = array<i64: 2, 16>, scalar_prefetch = 0 : i64, scratch_operands = 2 : i64, tpu.core_type = #tpu.core_type<sc_vector_subcore>, window_params = [{transform_indices = #map}, {transform_indices = #map1}, {transform_indices = #map1}]} {
    %mul3A = arith.constant 16 : i32
    %mul3A_0 = arith.muli %arg0, %mul3A : i32
    %add3A = arith.addi %mul3A_0, %arg1 : i32
    "tpu.region"() ({
      %run_scoped3A = tpu.sem_alloc : memref<!tpu.dma_semaphore, #tpu.memory_space<semaphore_mem>>
      %dma_start3A = arith.constant 0 : i32
      %dma_start3A_8 = arith.constant 0 : i32
      %dma_start3A_9 = tpu.memref_slice %arg2[%add3A, %dma_start3A, %dma_start3A_8] : memref<32x125x80xi32, #tpu.memory_space<hbm>> -> memref<1x125x80xi32, #tpu.memory_space<hbm>>
      %dma_start3A_10 = tpu.memref_squeeze %dma_start3A_9 : memref<1x125x80xi32, #tpu.memory_space<hbm>> -> memref<125x80xi32, #tpu.memory_space<hbm>>
      %dma_start3A_11 = arith.constant 0 : i32
      %dma_start3A_12 = arith.constant 0 : i32
      %dma_start3A_13 = tpu.memref_slice %arg2[%add3A, %dma_start3A_11, %dma_start3A_12] : memref<32x125x80xi32, #tpu.memory_space<hbm>> -> memref<1x125x80xi32, #tpu.memory_space<hbm>>
      %dma_start3A_14 = tpu.memref_squeeze %dma_start3A_13 : memref<1x125x80xi32, #tpu.memory_space<hbm>> -> memref<125x80xi32, #tpu.memory_space<hbm>>
      tpu.enqueue_dma source(%dma_start3A_14 : memref<125x80xi32, #tpu.memory_space<hbm>>) target(%arg5 : memref<125x80xi32, #tpu.memory_space<vmem>>) target_semaphore(%run_scoped3A : memref<!tpu.dma_semaphore, #tpu.memory_space<semaphore_mem>>)
      %dma_wait3A = arith.constant 0 : i32
      %dma_wait3A_15 = arith.constant 0 : i32
      %dma_wait3A_16 = tpu.memref_slice %arg2[%add3A, %dma_wait3A, %dma_wait3A_15] : memref<32x125x80xi32, #tpu.memory_space<hbm>> -> memref<1x125x80xi32, #tpu.memory_space<hbm>>
      %dma_wait3A_17 = tpu.memref_squeeze %dma_wait3A_16 : memref<1x125x80xi32, #tpu.memory_space<hbm>> -> memref<125x80xi32, #tpu.memory_space<hbm>>
      %dma_wait3A_18 = arith.constant 0 : i32
      %dma_wait3A_19 = arith.constant 0 : i32
      %dma_wait3A_20 = tpu.memref_slice %arg2[%add3A, %dma_wait3A_18, %dma_wait3A_19] : memref<32x125x80xi32, #tpu.memory_space<hbm>> -> memref<1x125x80xi32, #tpu.memory_space<hbm>>
      %dma_wait3A_21 = tpu.memref_squeeze %dma_wait3A_20 : memref<1x125x80xi32, #tpu.memory_space<hbm>> -> memref<125x80xi32, #tpu.memory_space<hbm>>
      tpu.wait_dma2 semaphore(%run_scoped3A : memref<!tpu.dma_semaphore, #tpu.memory_space<semaphore_mem>>) src(%dma_wait3A_21 : memref<125x80xi32, #tpu.memory_space<hbm>>) dst(%arg5 : memref<125x80xi32, #tpu.memory_space<vmem>>)
      tpu.yield
    }) : () -> ()
    "tpu.region"() ({
      %run_scoped3A = tpu.sem_alloc : memref<!tpu.dma_semaphore, #tpu.memory_space<semaphore_mem>>
      tpu.enqueue_dma source(%arg3 : memref<10000xf32, #tpu.memory_space<hbm>>) target(%arg6 : memref<10000xf32, #tpu.memory_space<vmem>>) target_semaphore(%run_scoped3A : memref<!tpu.dma_semaphore, #tpu.memory_space<semaphore_mem>>)
      tpu.wait_dma2 semaphore(%run_scoped3A : memref<!tpu.dma_semaphore, #tpu.memory_space<semaphore_mem>>) src(%arg3 : memref<10000xf32, #tpu.memory_space<hbm>>) dst(%arg6 : memref<10000xf32, #tpu.memory_space<vmem>>)
      tpu.yield
    }) : () -> ()
    %broadcast_in_dim3A = arith.constant 1.000000e+00 : f32
    %broadcast_in_dim3A_1 = vector.broadcast %broadcast_in_dim3A : f32 to vector<16xf32>
    %scan3A = arith.constant 0 : i32
    %scan3A_2 = arith.constant 125 : i32
    %scan3A_3 = arith.addi %scan3A, %scan3A_2 : i32
    %scan3A_4 = arith.constant 1 : i32
    scf.for %scan3A_8 = %scan3A to %scan3A_3 step %scan3A_4  : i32 {
      %mul3A_9 = arith.constant 1 : i32
      %mul3A_10 = arith.muli %scan3A_8, %mul3A_9 : i32
      %add3A_11 = arith.constant 0 : i32
      %add3A_12 = arith.addi %add3A_11, %mul3A_10 : i32
      %get3A = arith.index_cast %add3A_12 : i32 to index
      %get3A_13 = arith.constant 0 : index
      %get3A_14 = tpu.vector_load %arg5[%get3A, %get3A_13] {strides = array<i32>} : memref<125x80xi32, #tpu.memory_space<vmem>>, vector<16xi32>,
      tpu.vector_store_idx %arg6[%get3A_14], %broadcast_in_dim3A_1 {add = true} : memref<10000xf32, #tpu.memory_space<vmem>>[vector<16xi32>], vector<16xf32>,
      %get3A_15 = arith.index_cast %add3A_12 : i32 to index
      %get3A_16 = arith.constant 16 : index
      %get3A_17 = tpu.vector_load %arg5[%get3A_15, %get3A_16] {strides = array<i32>} : memref<125x80xi32, #tpu.memory_space<vmem>>, vector<16xi32>,
      tpu.vector_store_idx %arg6[%get3A_17], %broadcast_in_dim3A_1 {add = true} : memref<10000xf32, #tpu.memory_space<vmem>>[vector<16xi32>], vector<16xf32>,
      %get3A_18 = arith.index_cast %add3A_12 : i32 to index
      %get3A_19 = arith.constant 32 : index
      %get3A_20 = tpu.vector_load %arg5[%get3A_18, %get3A_19] {strides = array<i32>} : memref<125x80xi32, #tpu.memory_space<vmem>>, vector<16xi32>,
      tpu.vector_store_idx %arg6[%get3A_20], %broadcast_in_dim3A_1 {add = true} : memref<10000xf32, #tpu.memory_space<vmem>>[vector<16xi32>], vector<16xf32>,
      %get3A_21 = arith.index_cast %add3A_12 : i32 to index
      %get3A_22 = arith.constant 48 : index
      %get3A_23 = tpu.vector_load %arg5[%get3A_21, %get3A_22] {strides = array<i32>} : memref<125x80xi32, #tpu.memory_space<vmem>>, vector<16xi32>,
      tpu.vector_store_idx %arg6[%get3A_23], %broadcast_in_dim3A_1 {add = true} : memref<10000xf32, #tpu.memory_space<vmem>>[vector<16xi32>], vector<16xf32>,
      %get3A_24 = arith.index_cast %add3A_12 : i32 to index
      %get3A_25 = arith.constant 64 : index
      %get3A_26 = tpu.vector_load %arg5[%get3A_24, %get3A_25] {strides = array<i32>} : memref<125x80xi32, #tpu.memory_space<vmem>>, vector<16xi32>,
      tpu.vector_store_idx %arg6[%get3A_26], %broadcast_in_dim3A_1 {add = true} : memref<10000xf32, #tpu.memory_space<vmem>>[vector<16xi32>], vector<16xf32>,
    }
    %scan3A_5 = arith.constant 125 : i32
    %mul3A_6 = arith.constant 10000 : i32
    %mul3A_7 = arith.muli %add3A, %mul3A_6 : i32
    "tpu.region"() ({
      %run_scoped3A = tpu.sem_alloc : memref<!tpu.dma_semaphore, #tpu.memory_space<semaphore_mem>>
      %dma_start3A = tpu.memref_slice %arg4[%mul3A_7] : memref<320000xf32, #tpu.memory_space<hbm>> -> memref<10000xf32, #tpu.memory_space<hbm>>
      %dma_start3A_8 = tpu.memref_slice %arg4[%mul3A_7] : memref<320000xf32, #tpu.memory_space<hbm>> -> memref<10000xf32, #tpu.memory_space<hbm>>
      tpu.enqueue_dma source(%arg6 : memref<10000xf32, #tpu.memory_space<vmem>>) target(%dma_start3A_8 : memref<10000xf32, #tpu.memory_space<hbm>>) target_semaphore(%run_scoped3A : memref<!tpu.dma_semaphore, #tpu.memory_space<semaphore_mem>>)
      %dma_wait3A = tpu.memref_slice %arg4[%mul3A_7] : memref<320000xf32, #tpu.memory_space<hbm>> -> memref<10000xf32, #tpu.memory_space<hbm>>
      %dma_wait3A_9 = tpu.memref_slice %arg4[%mul3A_7] : memref<320000xf32, #tpu.memory_space<hbm>> -> memref<10000xf32, #tpu.memory_space<hbm>>
      tpu.wait_dma2 semaphore(%run_scoped3A : memref<!tpu.dma_semaphore, #tpu.memory_space<semaphore_mem>>) src(%arg6 : memref<10000xf32, #tpu.memory_space<vmem>>) dst(%dma_wait3A_9 : memref<10000xf32, #tpu.memory_space<hbm>>)
      tpu.yield
    }) : () -> ()
    return
  }
}

#map = affine_map<(d0, d1) -> (0, 0)>
#map1 = affine_map<(d0, d1) -> (0, 0, 0, 0)>
module attributes {stable_mosaic.version = 14 : i64} {
  func.func @_edge_body(%arg0: i32, %arg1: i32, %arg2: memref<10000x128xf32, #tpu.memory_space<hbm>>, %arg3: memref<32x5x50x40xi32, #tpu.memory_space<hbm>>, %arg4: memref<32x5x50x40xi32, #tpu.memory_space<hbm>>, %arg5: memref<640x128xf32, #tpu.memory_space<hbm>>, %arg6: memref<10240x128xf32, #tpu.memory_space<hbm>>, %arg7: memref<10240x128xf32, #tpu.memory_space<hbm>>, %arg8: memref<50x40xi32, #tpu.memory_space<vmem>>, %arg9: memref<50x40xi32, #tpu.memory_space<vmem>>, %arg10: memref<40x128xf32, #tpu.memory_space<vmem>>, %arg11: memref<40x128xf32, #tpu.memory_space<vmem>>, %arg12: memref<40x128xf32, #tpu.memory_space<vmem>>, %arg13: memref<40x128xf32, #tpu.memory_space<vmem>>, %arg14: memref<40x128xf32, #tpu.memory_space<vmem>>, %arg15: memref<10240x128xf32, #tpu.memory_space<vmem_shared>>, %arg16: memref<!tpu.dma_semaphore, #tpu.memory_space<semaphore_mem>>, %arg17: memref<!tpu.dma_semaphore, #tpu.memory_space<semaphore_mem>>, %arg18: memref<!tpu.dma_semaphore, #tpu.memory_space<semaphore_mem>>, %arg19: memref<!tpu.dma_semaphore, #tpu.memory_space<semaphore_mem>>, %arg20: memref<!tpu.dma_semaphore, #tpu.memory_space<semaphore_mem>>, %arg21: memref<!tpu.dma_semaphore, #tpu.memory_space<semaphore_mem>>, %arg22: memref<!tpu.dma_semaphore, #tpu.memory_space<semaphore_mem>>, %arg23: memref<!tpu.dma_semaphore, #tpu.memory_space<semaphore_mem>>, %arg24: memref<!tpu.dma_semaphore, #tpu.memory_space<semaphore_mem>>, %arg25: memref<!tpu.dma_semaphore, #tpu.memory_space<semaphore_mem>>) attributes {dimension_semantics = [#tpu.dimension_semantics<core_parallel>, #tpu.dimension_semantics<subcore_parallel>], iteration_bounds = array<i64: 2, 16>, scalar_prefetch = 0 : i64, scratch_operands = 18 : i64, tpu.core_type = #tpu.core_type<sc_vector_subcore>, window_params = [{transform_indices = #map}, {transform_indices = #map1}, {transform_indices = #map1}, {transform_indices = #map}, {transform_indices = #map}, {transform_indices = #map}]} {
    %mul3A = arith.constant 16 : i32
    %mul3A_0 = arith.muli %arg0, %mul3A : i32
    %add3A = arith.addi %mul3A_0, %arg1 : i32
    %mul3A_1 = arith.constant 640 : i32
    %mul3A_2 = arith.muli %arg1, %mul3A_1 : i32
    "tpu.region"() ({
      %run_scoped3A = tpu.sem_alloc : memref<!tpu.dma_semaphore, #tpu.memory_space<semaphore_mem>>
      %dma_start3A = arith.constant 0 : i32
      %dma_start3A_17 = tpu.memref_slice %arg15[%mul3A_2, %dma_start3A] : memref<10240x128xf32, #tpu.memory_space<vmem_shared>> -> memref<640x128xf32, #tpu.memory_space<vmem_shared>>
      tpu.enqueue_dma source(%arg5 : memref<640x128xf32, #tpu.memory_space<hbm>>) target(%dma_start3A_17 : memref<640x128xf32, #tpu.memory_space<vmem_shared>>) target_semaphore(%run_scoped3A : memref<!tpu.dma_semaphore, #tpu.memory_space<semaphore_mem>>)
      %dma_wait3A = arith.constant 0 : i32
      %dma_wait3A_18 = tpu.memref_slice %arg15[%mul3A_2, %dma_wait3A] : memref<10240x128xf32, #tpu.memory_space<vmem_shared>> -> memref<640x128xf32, #tpu.memory_space<vmem_shared>>
      tpu.wait_dma2 semaphore(%run_scoped3A : memref<!tpu.dma_semaphore, #tpu.memory_space<semaphore_mem>>) src(%arg5 : memref<640x128xf32, #tpu.memory_space<hbm>>) dst(%dma_wait3A_18 : memref<640x128xf32, #tpu.memory_space<vmem_shared>>)
      tpu.yield
    }) : () -> ()
    %barrier3A = arith.constant 0 : index
    tpu.barrier barrier_id(%barrier3A)
    %scan3A = arith.constant 0 : i32
    %scan3A_3 = arith.constant 5 : i32
    %scan3A_4 = arith.addi %scan3A, %scan3A_3 : i32
    %scan3A_5 = arith.constant 1 : i32
    scf.for %scan3A_17 = %scan3A to %scan3A_4 step %scan3A_5  : i32 {
      %mul3A_18 = arith.constant 1 : i32
      %mul3A_19 = arith.muli %scan3A_17, %mul3A_18 : i32
      %add3A_20 = arith.constant 0 : i32
      %add3A_21 = arith.addi %add3A_20, %mul3A_19 : i32
      "tpu.region"() ({
        %run_scoped3A = tpu.sem_alloc : memref<!tpu.dma_semaphore, #tpu.memory_space<semaphore_mem>>
        %dma_start3A_165 = arith.constant 0 : i32
        %dma_start3A_166 = arith.constant 0 : i32
        %dma_start3A_167 = tpu.memref_slice %arg3[%add3A, %add3A_21, %dma_start3A_165, %dma_start3A_166] : memref<32x5x50x40xi32, #tpu.memory_space<hbm>> -> memref<1x1x50x40xi32, #tpu.memory_space<hbm>>
        %dma_start3A_168 = tpu.memref_squeeze %dma_start3A_167 : memref<1x1x50x40xi32, #tpu.memory_space<hbm>> -> memref<50x40xi32, #tpu.memory_space<hbm>>
        %dma_start3A_169 = arith.constant 0 : i32
        %dma_start3A_170 = arith.constant 0 : i32
        %dma_start3A_171 = tpu.memref_slice %arg3[%add3A, %add3A_21, %dma_start3A_169, %dma_start3A_170] : memref<32x5x50x40xi32, #tpu.memory_space<hbm>> -> memref<1x1x50x40xi32, #tpu.memory_space<hbm>>
        %dma_start3A_172 = tpu.memref_squeeze %dma_start3A_171 : memref<1x1x50x40xi32, #tpu.memory_space<hbm>> -> memref<50x40xi32, #tpu.memory_space<hbm>>
        tpu.enqueue_dma source(%dma_start3A_172 : memref<50x40xi32, #tpu.memory_space<hbm>>) target(%arg8 : memref<50x40xi32, #tpu.memory_space<vmem>>) target_semaphore(%run_scoped3A : memref<!tpu.dma_semaphore, #tpu.memory_space<semaphore_mem>>)
        %dma_wait3A_173 = arith.constant 0 : i32
        %dma_wait3A_174 = arith.constant 0 : i32
        %dma_wait3A_175 = tpu.memref_slice %arg3[%add3A, %add3A_21, %dma_wait3A_173, %dma_wait3A_174] : memref<32x5x50x40xi32, #tpu.memory_space<hbm>> -> memref<1x1x50x40xi32, #tpu.memory_space<hbm>>
        %dma_wait3A_176 = tpu.memref_squeeze %dma_wait3A_175 : memref<1x1x50x40xi32, #tpu.memory_space<hbm>> -> memref<50x40xi32, #tpu.memory_space<hbm>>
        %dma_wait3A_177 = arith.constant 0 : i32
        %dma_wait3A_178 = arith.constant 0 : i32
        %dma_wait3A_179 = tpu.memref_slice %arg3[%add3A, %add3A_21, %dma_wait3A_177, %dma_wait3A_178] : memref<32x5x50x40xi32, #tpu.memory_space<hbm>> -> memref<1x1x50x40xi32, #tpu.memory_space<hbm>>
        %dma_wait3A_180 = tpu.memref_squeeze %dma_wait3A_179 : memref<1x1x50x40xi32, #tpu.memory_space<hbm>> -> memref<50x40xi32, #tpu.memory_space<hbm>>
        tpu.wait_dma2 semaphore(%run_scoped3A : memref<!tpu.dma_semaphore, #tpu.memory_space<semaphore_mem>>) src(%dma_wait3A_180 : memref<50x40xi32, #tpu.memory_space<hbm>>) dst(%arg8 : memref<50x40xi32, #tpu.memory_space<vmem>>)
        tpu.yield
      }) : () -> ()
      "tpu.region"() ({
        %run_scoped3A = tpu.sem_alloc : memref<!tpu.dma_semaphore, #tpu.memory_space<semaphore_mem>>
        %dma_start3A_165 = arith.constant 0 : i32
        %dma_start3A_166 = arith.constant 0 : i32
        %dma_start3A_167 = tpu.memref_slice %arg4[%add3A, %add3A_21, %dma_start3A_165, %dma_start3A_166] : memref<32x5x50x40xi32, #tpu.memory_space<hbm>> -> memref<1x1x50x40xi32, #tpu.memory_space<hbm>>
        %dma_start3A_168 = tpu.memref_squeeze %dma_start3A_167 : memref<1x1x50x40xi32, #tpu.memory_space<hbm>> -> memref<50x40xi32, #tpu.memory_space<hbm>>
        %dma_start3A_169 = arith.constant 0 : i32
        %dma_start3A_170 = arith.constant 0 : i32
        %dma_start3A_171 = tpu.memref_slice %arg4[%add3A, %add3A_21, %dma_start3A_169, %dma_start3A_170] : memref<32x5x50x40xi32, #tpu.memory_space<hbm>> -> memref<1x1x50x40xi32, #tpu.memory_space<hbm>>
        %dma_start3A_172 = tpu.memref_squeeze %dma_start3A_171 : memref<1x1x50x40xi32, #tpu.memory_space<hbm>> -> memref<50x40xi32, #tpu.memory_space<hbm>>
        tpu.enqueue_dma source(%dma_start3A_172 : memref<50x40xi32, #tpu.memory_space<hbm>>) target(%arg9 : memref<50x40xi32, #tpu.memory_space<vmem>>) target_semaphore(%run_scoped3A : memref<!tpu.dma_semaphore, #tpu.memory_space<semaphore_mem>>)
        %dma_wait3A_173 = arith.constant 0 : i32
        %dma_wait3A_174 = arith.constant 0 : i32
        %dma_wait3A_175 = tpu.memref_slice %arg4[%add3A, %add3A_21, %dma_wait3A_173, %dma_wait3A_174] : memref<32x5x50x40xi32, #tpu.memory_space<hbm>> -> memref<1x1x50x40xi32, #tpu.memory_space<hbm>>
        %dma_wait3A_176 = tpu.memref_squeeze %dma_wait3A_175 : memref<1x1x50x40xi32, #tpu.memory_space<hbm>> -> memref<50x40xi32, #tpu.memory_space<hbm>>
        %dma_wait3A_177 = arith.constant 0 : i32
        %dma_wait3A_178 = arith.constant 0 : i32
        %dma_wait3A_179 = tpu.memref_slice %arg4[%add3A, %add3A_21, %dma_wait3A_177, %dma_wait3A_178] : memref<32x5x50x40xi32, #tpu.memory_space<hbm>> -> memref<1x1x50x40xi32, #tpu.memory_space<hbm>>
        %dma_wait3A_180 = tpu.memref_squeeze %dma_wait3A_179 : memref<1x1x50x40xi32, #tpu.memory_space<hbm>> -> memref<50x40xi32, #tpu.memory_space<hbm>>
        tpu.wait_dma2 semaphore(%run_scoped3A : memref<!tpu.dma_semaphore, #tpu.memory_space<semaphore_mem>>) src(%dma_wait3A_180 : memref<50x40xi32, #tpu.memory_space<hbm>>) dst(%arg9 : memref<50x40xi32, #tpu.memory_space<vmem>>)
        tpu.yield
      }) : () -> ()
      %dma_start3A = arith.constant 0 : i32
      %dma_start3A_22 = arith.constant 0 : i32
      %dma_start3A_23 = tpu.memref_slice %arg8[%dma_start3A, %dma_start3A_22] : memref<50x40xi32, #tpu.memory_space<vmem>> -> memref<1x40xi32, #tpu.memory_space<vmem>>
      %dma_start3A_24 = tpu.memref_squeeze %dma_start3A_23 : memref<1x40xi32, #tpu.memory_space<vmem>> -> memref<40xi32, #tpu.memory_space<vmem>>
      %dma_start3A_25 = arith.constant 0 : i32
      %dma_start3A_26 = arith.constant 0 : i32
      %dma_start3A_27 = tpu.memref_slice %arg2[%dma_start3A_25, %dma_start3A_26] : memref<10000x128xf32, #tpu.memory_space<hbm>> -> memref<10000x128xf32, #tpu.memory_space<hbm>>
      tpu.enqueue_indirect_dma source(%dma_start3A_27 : memref<10000x128xf32, #tpu.memory_space<hbm>>) target(%arg10 : memref<40x128xf32, #tpu.memory_space<vmem>>) offsets(%dma_start3A_24 : memref<40xi32, #tpu.memory_space<vmem>>) semaphore(%arg16 : memref<!tpu.dma_semaphore, #tpu.memory_space<semaphore_mem>>)
      %dma_start3A_28 = arith.constant 1 : i32
      %dma_start3A_29 = arith.constant 0 : i32
      %dma_start3A_30 = tpu.memref_slice %arg8[%dma_start3A_28, %dma_start3A_29] : memref<50x40xi32, #tpu.memory_space<vmem>> -> memref<1x40xi32, #tpu.memory_space<vmem>>
      %dma_start3A_31 = tpu.memref_squeeze %dma_start3A_30 : memref<1x40xi32, #tpu.memory_space<vmem>> -> memref<40xi32, #tpu.memory_space<vmem>>
      %dma_start3A_32 = arith.constant 0 : i32
      %dma_start3A_33 = arith.constant 0 : i32
      %dma_start3A_34 = tpu.memref_slice %arg2[%dma_start3A_32, %dma_start3A_33] : memref<10000x128xf32, #tpu.memory_space<hbm>> -> memref<10000x128xf32, #tpu.memory_space<hbm>>
      tpu.enqueue_indirect_dma source(%dma_start3A_34 : memref<10000x128xf32, #tpu.memory_space<hbm>>) target(%arg11 : memref<40x128xf32, #tpu.memory_space<vmem>>) offsets(%dma_start3A_31 : memref<40xi32, #tpu.memory_space<vmem>>) semaphore(%arg17 : memref<!tpu.dma_semaphore, #tpu.memory_space<semaphore_mem>>)
      %dma_start3A_35 = arith.constant 2 : i32
      %dma_start3A_36 = arith.constant 0 : i32
      %dma_start3A_37 = tpu.memref_slice %arg8[%dma_start3A_35, %dma_start3A_36] : memref<50x40xi32, #tpu.memory_space<vmem>> -> memref<1x40xi32, #tpu.memory_space<vmem>>
      %dma_start3A_38 = tpu.memref_squeeze %dma_start3A_37 : memref<1x40xi32, #tpu.memory_space<vmem>> -> memref<40xi32, #tpu.memory_space<vmem>>
      %dma_start3A_39 = arith.constant 0 : i32
      %dma_start3A_40 = arith.constant 0 : i32
      %dma_start3A_41 = tpu.memref_slice %arg2[%dma_start3A_39, %dma_start3A_40] : memref<10000x128xf32, #tpu.memory_space<hbm>> -> memref<10000x128xf32, #tpu.memory_space<hbm>>
      tpu.enqueue_indirect_dma source(%dma_start3A_41 : memref<10000x128xf32, #tpu.memory_space<hbm>>) target(%arg12 : memref<40x128xf32, #tpu.memory_space<vmem>>) offsets(%dma_start3A_38 : memref<40xi32, #tpu.memory_space<vmem>>) semaphore(%arg18 : memref<!tpu.dma_semaphore, #tpu.memory_space<semaphore_mem>>)
      %dma_start3A_42 = arith.constant 3 : i32
      %dma_start3A_43 = arith.constant 0 : i32
      %dma_start3A_44 = tpu.memref_slice %arg8[%dma_start3A_42, %dma_start3A_43] : memref<50x40xi32, #tpu.memory_space<vmem>> -> memref<1x40xi32, #tpu.memory_space<vmem>>
      %dma_start3A_45 = tpu.memref_squeeze %dma_start3A_44 : memref<1x40xi32, #tpu.memory_space<vmem>> -> memref<40xi32, #tpu.memory_space<vmem>>
      %dma_start3A_46 = arith.constant 0 : i32
      %dma_start3A_47 = arith.constant 0 : i32
      %dma_start3A_48 = tpu.memref_slice %arg2[%dma_start3A_46, %dma_start3A_47] : memref<10000x128xf32, #tpu.memory_space<hbm>> -> memref<10000x128xf32, #tpu.memory_space<hbm>>
      tpu.enqueue_indirect_dma source(%dma_start3A_48 : memref<10000x128xf32, #tpu.memory_space<hbm>>) target(%arg13 : memref<40x128xf32, #tpu.memory_space<vmem>>) offsets(%dma_start3A_45 : memref<40xi32, #tpu.memory_space<vmem>>) semaphore(%arg19 : memref<!tpu.dma_semaphore, #tpu.memory_space<semaphore_mem>>)
      %dma_start3A_49 = arith.constant 4 : i32
      %dma_start3A_50 = arith.constant 0 : i32
      %dma_start3A_51 = tpu.memref_slice %arg8[%dma_start3A_49, %dma_start3A_50] : memref<50x40xi32, #tpu.memory_space<vmem>> -> memref<1x40xi32, #tpu.memory_space<vmem>>
      %dma_start3A_52 = tpu.memref_squeeze %dma_start3A_51 : memref<1x40xi32, #tpu.memory_space<vmem>> -> memref<40xi32, #tpu.memory_space<vmem>>
      %dma_start3A_53 = arith.constant 0 : i32
      %dma_start3A_54 = arith.constant 0 : i32
      %dma_start3A_55 = tpu.memref_slice %arg2[%dma_start3A_53, %dma_start3A_54] : memref<10000x128xf32, #tpu.memory_space<hbm>> -> memref<10000x128xf32, #tpu.memory_space<hbm>>
      tpu.enqueue_indirect_dma source(%dma_start3A_55 : memref<10000x128xf32, #tpu.memory_space<hbm>>) target(%arg14 : memref<40x128xf32, #tpu.memory_space<vmem>>) offsets(%dma_start3A_52 : memref<40xi32, #tpu.memory_space<vmem>>) semaphore(%arg20 : memref<!tpu.dma_semaphore, #tpu.memory_space<semaphore_mem>>)
      %scan3A_56 = arith.constant 0 : i32
      %scan3A_57 = arith.constant 9 : i32
      %scan3A_58 = arith.addi %scan3A_56, %scan3A_57 : i32
      %scan3A_59 = arith.constant 1 : i32
      scf.for %scan3A_165 = %scan3A_56 to %scan3A_58 step %scan3A_59  : i32 {
        %mul3A_166 = arith.constant 5 : i32
        %mul3A_167 = arith.muli %scan3A_165, %mul3A_166 : i32
        %add3A_168 = arith.constant 0 : i32
        %add3A_169 = arith.addi %add3A_168, %mul3A_167 : i32
        %add3A_170 = arith.constant 0 : i32
        %add3A_171 = arith.addi %add3A_169, %add3A_170 : i32
        %dma_wait3A_172 = arith.constant 0 : i32
        %dma_wait3A_173 = tpu.memref_slice %arg8[%add3A_171, %dma_wait3A_172] : memref<50x40xi32, #tpu.memory_space<vmem>> -> memref<1x40xi32, #tpu.memory_space<vmem>>
        %dma_wait3A_174 = tpu.memref_squeeze %dma_wait3A_173 : memref<1x40xi32, #tpu.memory_space<vmem>> -> memref<40xi32, #tpu.memory_space<vmem>>
        %dma_wait3A_175 = arith.constant 0 : i32
        %dma_wait3A_176 = arith.constant 0 : i32
        %dma_wait3A_177 = tpu.memref_slice %arg2[%dma_wait3A_175, %dma_wait3A_176] : memref<10000x128xf32, #tpu.memory_space<hbm>> -> memref<10000x128xf32, #tpu.memory_space<hbm>>
        tpu.wait_indirect_dma semaphore(%arg16 : memref<!tpu.dma_semaphore, #tpu.memory_space<semaphore_mem>>) src(%dma_wait3A_177 : memref<10000x128xf32, #tpu.memory_space<hbm>>) dst(%arg10 : memref<40x128xf32, #tpu.memory_space<vmem>>)
        %add3A_178 = arith.constant 0 : i32
        %add3A_179 = arith.addi %add3A_169, %add3A_178 : i32
        %dma_start3A_180 = arith.constant 0 : i32
        %dma_start3A_181 = tpu.memref_slice %arg9[%add3A_179, %dma_start3A_180] : memref<50x40xi32, #tpu.memory_space<vmem>> -> memref<1x40xi32, #tpu.memory_space<vmem>>
        %dma_start3A_182 = tpu.memref_squeeze %dma_start3A_181 : memref<1x40xi32, #tpu.memory_space<vmem>> -> memref<40xi32, #tpu.memory_space<vmem>>
        %dma_start3A_183 = arith.constant 0 : i32
        %dma_start3A_184 = arith.constant 0 : i32
        %dma_start3A_185 = tpu.memref_slice %arg15[%dma_start3A_183, %dma_start3A_184] : memref<10240x128xf32, #tpu.memory_space<vmem_shared>> -> memref<10240x128xf32, #tpu.memory_space<vmem_shared>>
        tpu.enqueue_indirect_dma source(%arg10 : memref<40x128xf32, #tpu.memory_space<vmem>>) target(%dma_start3A_185 : memref<10240x128xf32, #tpu.memory_space<vmem_shared>>) offsets(%dma_start3A_182 : memref<40xi32, #tpu.memory_space<vmem>>) semaphore(%arg21 : memref<!tpu.dma_semaphore, #tpu.memory_space<semaphore_mem>>) {add = true}
        %add3A_186 = arith.constant 1 : i32
        %add3A_187 = arith.addi %add3A_169, %add3A_186 : i32
        %dma_wait3A_188 = arith.constant 0 : i32
        %dma_wait3A_189 = tpu.memref_slice %arg8[%add3A_187, %dma_wait3A_188] : memref<50x40xi32, #tpu.memory_space<vmem>> -> memref<1x40xi32, #tpu.memory_space<vmem>>
        %dma_wait3A_190 = tpu.memref_squeeze %dma_wait3A_189 : memref<1x40xi32, #tpu.memory_space<vmem>> -> memref<40xi32, #tpu.memory_space<vmem>>
        %dma_wait3A_191 = arith.constant 0 : i32
        %dma_wait3A_192 = arith.constant 0 : i32
        %dma_wait3A_193 = tpu.memref_slice %arg2[%dma_wait3A_191, %dma_wait3A_192] : memref<10000x128xf32, #tpu.memory_space<hbm>> -> memref<10000x128xf32, #tpu.memory_space<hbm>>
        tpu.wait_indirect_dma semaphore(%arg17 : memref<!tpu.dma_semaphore, #tpu.memory_space<semaphore_mem>>) src(%dma_wait3A_193 : memref<10000x128xf32, #tpu.memory_space<hbm>>) dst(%arg11 : memref<40x128xf32, #tpu.memory_space<vmem>>)
        %add3A_194 = arith.constant 1 : i32
        %add3A_195 = arith.addi %add3A_169, %add3A_194 : i32
        %dma_start3A_196 = arith.constant 0 : i32
        %dma_start3A_197 = tpu.memref_slice %arg9[%add3A_195, %dma_start3A_196] : memref<50x40xi32, #tpu.memory_space<vmem>> -> memref<1x40xi32, #tpu.memory_space<vmem>>
        %dma_start3A_198 = tpu.memref_squeeze %dma_start3A_197 : memref<1x40xi32, #tpu.memory_space<vmem>> -> memref<40xi32, #tpu.memory_space<vmem>>
        %dma_start3A_199 = arith.constant 0 : i32
        %dma_start3A_200 = arith.constant 0 : i32
        %dma_start3A_201 = tpu.memref_slice %arg15[%dma_start3A_199, %dma_start3A_200] : memref<10240x128xf32, #tpu.memory_space<vmem_shared>> -> memref<10240x128xf32, #tpu.memory_space<vmem_shared>>
        tpu.enqueue_indirect_dma source(%arg11 : memref<40x128xf32, #tpu.memory_space<vmem>>) target(%dma_start3A_201 : memref<10240x128xf32, #tpu.memory_space<vmem_shared>>) offsets(%dma_start3A_198 : memref<40xi32, #tpu.memory_space<vmem>>) semaphore(%arg22 : memref<!tpu.dma_semaphore, #tpu.memory_space<semaphore_mem>>) {add = true}
        %add3A_202 = arith.constant 2 : i32
        %add3A_203 = arith.addi %add3A_169, %add3A_202 : i32
        %dma_wait3A_204 = arith.constant 0 : i32
        %dma_wait3A_205 = tpu.memref_slice %arg8[%add3A_203, %dma_wait3A_204] : memref<50x40xi32, #tpu.memory_space<vmem>> -> memref<1x40xi32, #tpu.memory_space<vmem>>
        %dma_wait3A_206 = tpu.memref_squeeze %dma_wait3A_205 : memref<1x40xi32, #tpu.memory_space<vmem>> -> memref<40xi32, #tpu.memory_space<vmem>>
        %dma_wait3A_207 = arith.constant 0 : i32
        %dma_wait3A_208 = arith.constant 0 : i32
        %dma_wait3A_209 = tpu.memref_slice %arg2[%dma_wait3A_207, %dma_wait3A_208] : memref<10000x128xf32, #tpu.memory_space<hbm>> -> memref<10000x128xf32, #tpu.memory_space<hbm>>
        tpu.wait_indirect_dma semaphore(%arg18 : memref<!tpu.dma_semaphore, #tpu.memory_space<semaphore_mem>>) src(%dma_wait3A_209 : memref<10000x128xf32, #tpu.memory_space<hbm>>) dst(%arg12 : memref<40x128xf32, #tpu.memory_space<vmem>>)
        %add3A_210 = arith.constant 2 : i32
        %add3A_211 = arith.addi %add3A_169, %add3A_210 : i32
        %dma_start3A_212 = arith.constant 0 : i32
        %dma_start3A_213 = tpu.memref_slice %arg9[%add3A_211, %dma_start3A_212] : memref<50x40xi32, #tpu.memory_space<vmem>> -> memref<1x40xi32, #tpu.memory_space<vmem>>
        %dma_start3A_214 = tpu.memref_squeeze %dma_start3A_213 : memref<1x40xi32, #tpu.memory_space<vmem>> -> memref<40xi32, #tpu.memory_space<vmem>>
        %dma_start3A_215 = arith.constant 0 : i32
        %dma_start3A_216 = arith.constant 0 : i32
        %dma_start3A_217 = tpu.memref_slice %arg15[%dma_start3A_215, %dma_start3A_216] : memref<10240x128xf32, #tpu.memory_space<vmem_shared>> -> memref<10240x128xf32, #tpu.memory_space<vmem_shared>>
        tpu.enqueue_indirect_dma source(%arg12 : memref<40x128xf32, #tpu.memory_space<vmem>>) target(%dma_start3A_217 : memref<10240x128xf32, #tpu.memory_space<vmem_shared>>) offsets(%dma_start3A_214 : memref<40xi32, #tpu.memory_space<vmem>>) semaphore(%arg23 : memref<!tpu.dma_semaphore, #tpu.memory_space<semaphore_mem>>) {add = true}
        %add3A_218 = arith.constant 3 : i32
        %add3A_219 = arith.addi %add3A_169, %add3A_218 : i32
        %dma_wait3A_220 = arith.constant 0 : i32
        %dma_wait3A_221 = tpu.memref_slice %arg8[%add3A_219, %dma_wait3A_220] : memref<50x40xi32, #tpu.memory_space<vmem>> -> memref<1x40xi32, #tpu.memory_space<vmem>>
        %dma_wait3A_222 = tpu.memref_squeeze %dma_wait3A_221 : memref<1x40xi32, #tpu.memory_space<vmem>> -> memref<40xi32, #tpu.memory_space<vmem>>
        %dma_wait3A_223 = arith.constant 0 : i32
        %dma_wait3A_224 = arith.constant 0 : i32
        %dma_wait3A_225 = tpu.memref_slice %arg2[%dma_wait3A_223, %dma_wait3A_224] : memref<10000x128xf32, #tpu.memory_space<hbm>> -> memref<10000x128xf32, #tpu.memory_space<hbm>>
        tpu.wait_indirect_dma semaphore(%arg19 : memref<!tpu.dma_semaphore, #tpu.memory_space<semaphore_mem>>) src(%dma_wait3A_225 : memref<10000x128xf32, #tpu.memory_space<hbm>>) dst(%arg13 : memref<40x128xf32, #tpu.memory_space<vmem>>)
        %add3A_226 = arith.constant 3 : i32
        %add3A_227 = arith.addi %add3A_169, %add3A_226 : i32
        %dma_start3A_228 = arith.constant 0 : i32
        %dma_start3A_229 = tpu.memref_slice %arg9[%add3A_227, %dma_start3A_228] : memref<50x40xi32, #tpu.memory_space<vmem>> -> memref<1x40xi32, #tpu.memory_space<vmem>>
        %dma_start3A_230 = tpu.memref_squeeze %dma_start3A_229 : memref<1x40xi32, #tpu.memory_space<vmem>> -> memref<40xi32, #tpu.memory_space<vmem>>
        %dma_start3A_231 = arith.constant 0 : i32
        %dma_start3A_232 = arith.constant 0 : i32
        %dma_start3A_233 = tpu.memref_slice %arg15[%dma_start3A_231, %dma_start3A_232] : memref<10240x128xf32, #tpu.memory_space<vmem_shared>> -> memref<10240x128xf32, #tpu.memory_space<vmem_shared>>
        tpu.enqueue_indirect_dma source(%arg13 : memref<40x128xf32, #tpu.memory_space<vmem>>) target(%dma_start3A_233 : memref<10240x128xf32, #tpu.memory_space<vmem_shared>>) offsets(%dma_start3A_230 : memref<40xi32, #tpu.memory_space<vmem>>) semaphore(%arg24 : memref<!tpu.dma_semaphore, #tpu.memory_space<semaphore_mem>>) {add = true}
        %add3A_234 = arith.constant 4 : i32
        %add3A_235 = arith.addi %add3A_169, %add3A_234 : i32
        %dma_wait3A_236 = arith.constant 0 : i32
        %dma_wait3A_237 = tpu.memref_slice %arg8[%add3A_235, %dma_wait3A_236] : memref<50x40xi32, #tpu.memory_space<vmem>> -> memref<1x40xi32, #tpu.memory_space<vmem>>
        %dma_wait3A_238 = tpu.memref_squeeze %dma_wait3A_237 : memref<1x40xi32, #tpu.memory_space<vmem>> -> memref<40xi32, #tpu.memory_space<vmem>>
        %dma_wait3A_239 = arith.constant 0 : i32
        %dma_wait3A_240 = arith.constant 0 : i32
        %dma_wait3A_241 = tpu.memref_slice %arg2[%dma_wait3A_239, %dma_wait3A_240] : memref<10000x128xf32, #tpu.memory_space<hbm>> -> memref<10000x128xf32, #tpu.memory_space<hbm>>
        tpu.wait_indirect_dma semaphore(%arg20 : memref<!tpu.dma_semaphore, #tpu.memory_space<semaphore_mem>>) src(%dma_wait3A_241 : memref<10000x128xf32, #tpu.memory_space<hbm>>) dst(%arg14 : memref<40x128xf32, #tpu.memory_space<vmem>>)
        %add3A_242 = arith.constant 4 : i32
        %add3A_243 = arith.addi %add3A_169, %add3A_242 : i32
        %dma_start3A_244 = arith.constant 0 : i32
        %dma_start3A_245 = tpu.memref_slice %arg9[%add3A_243, %dma_start3A_244] : memref<50x40xi32, #tpu.memory_space<vmem>> -> memref<1x40xi32, #tpu.memory_space<vmem>>
        %dma_start3A_246 = tpu.memref_squeeze %dma_start3A_245 : memref<1x40xi32, #tpu.memory_space<vmem>> -> memref<40xi32, #tpu.memory_space<vmem>>
        %dma_start3A_247 = arith.constant 0 : i32
        %dma_start3A_248 = arith.constant 0 : i32
        %dma_start3A_249 = tpu.memref_slice %arg15[%dma_start3A_247, %dma_start3A_248] : memref<10240x128xf32, #tpu.memory_space<vmem_shared>> -> memref<10240x128xf32, #tpu.memory_space<vmem_shared>>
        tpu.enqueue_indirect_dma source(%arg14 : memref<40x128xf32, #tpu.memory_space<vmem>>) target(%dma_start3A_249 : memref<10240x128xf32, #tpu.memory_space<vmem_shared>>) offsets(%dma_start3A_246 : memref<40xi32, #tpu.memory_space<vmem>>) semaphore(%arg25 : memref<!tpu.dma_semaphore, #tpu.memory_space<semaphore_mem>>) {add = true}
        %add3A_250 = arith.constant 0 : i32
        %add3A_251 = arith.addi %add3A_169, %add3A_250 : i32
        %dma_wait3A_252 = arith.constant 0 : i32
        %dma_wait3A_253 = tpu.memref_slice %arg9[%add3A_251, %dma_wait3A_252] : memref<50x40xi32, #tpu.memory_space<vmem>> -> memref<1x40xi32, #tpu.memory_space<vmem>>
        %dma_wait3A_254 = tpu.memref_squeeze %dma_wait3A_253 : memref<1x40xi32, #tpu.memory_space<vmem>> -> memref<40xi32, #tpu.memory_space<vmem>>
        %dma_wait3A_255 = arith.constant 0 : i32
        %dma_wait3A_256 = arith.constant 0 : i32
        %dma_wait3A_257 = tpu.memref_slice %arg15[%dma_wait3A_255, %dma_wait3A_256] : memref<10240x128xf32, #tpu.memory_space<vmem_shared>> -> memref<10240x128xf32, #tpu.memory_space<vmem_shared>>
        tpu.wait_indirect_dma semaphore(%arg21 : memref<!tpu.dma_semaphore, #tpu.memory_space<semaphore_mem>>) src(%arg10 : memref<40x128xf32, #tpu.memory_space<vmem>>) dst(%dma_wait3A_257 : memref<10240x128xf32, #tpu.memory_space<vmem_shared>>)
        %add3A_258 = arith.constant 5 : i32
        %add3A_259 = arith.addi %add3A_169, %add3A_258 : i32
        %add3A_260 = arith.constant 0 : i32
        %add3A_261 = arith.addi %add3A_259, %add3A_260 : i32
        %dma_start3A_262 = arith.constant 0 : i32
        %dma_start3A_263 = tpu.memref_slice %arg8[%add3A_261, %dma_start3A_262] : memref<50x40xi32, #tpu.memory_space<vmem>> -> memref<1x40xi32, #tpu.memory_space<vmem>>
        %dma_start3A_264 = tpu.memref_squeeze %dma_start3A_263 : memref<1x40xi32, #tpu.memory_space<vmem>> -> memref<40xi32, #tpu.memory_space<vmem>>
        %dma_start3A_265 = arith.constant 0 : i32
        %dma_start3A_266 = arith.constant 0 : i32
        %dma_start3A_267 = tpu.memref_slice %arg2[%dma_start3A_265, %dma_start3A_266] : memref<10000x128xf32, #tpu.memory_space<hbm>> -> memref<10000x128xf32, #tpu.memory_space<hbm>>
        tpu.enqueue_indirect_dma source(%dma_start3A_267 : memref<10000x128xf32, #tpu.memory_space<hbm>>) target(%arg10 : memref<40x128xf32, #tpu.memory_space<vmem>>) offsets(%dma_start3A_264 : memref<40xi32, #tpu.memory_space<vmem>>) semaphore(%arg16 : memref<!tpu.dma_semaphore, #tpu.memory_space<semaphore_mem>>)
        %add3A_268 = arith.constant 1 : i32
        %add3A_269 = arith.addi %add3A_169, %add3A_268 : i32
        %dma_wait3A_270 = arith.constant 0 : i32
        %dma_wait3A_271 = tpu.memref_slice %arg9[%add3A_269, %dma_wait3A_270] : memref<50x40xi32, #tpu.memory_space<vmem>> -> memref<1x40xi32, #tpu.memory_space<vmem>>
        %dma_wait3A_272 = tpu.memref_squeeze %dma_wait3A_271 : memref<1x40xi32, #tpu.memory_space<vmem>> -> memref<40xi32, #tpu.memory_space<vmem>>
        %dma_wait3A_273 = arith.constant 0 : i32
        %dma_wait3A_274 = arith.constant 0 : i32
        %dma_wait3A_275 = tpu.memref_slice %arg15[%dma_wait3A_273, %dma_wait3A_274] : memref<10240x128xf32, #tpu.memory_space<vmem_shared>> -> memref<10240x128xf32, #tpu.memory_space<vmem_shared>>
        tpu.wait_indirect_dma semaphore(%arg22 : memref<!tpu.dma_semaphore, #tpu.memory_space<semaphore_mem>>) src(%arg11 : memref<40x128xf32, #tpu.memory_space<vmem>>) dst(%dma_wait3A_275 : memref<10240x128xf32, #tpu.memory_space<vmem_shared>>)
        %add3A_276 = arith.constant 5 : i32
        %add3A_277 = arith.addi %add3A_169, %add3A_276 : i32
        %add3A_278 = arith.constant 1 : i32
        %add3A_279 = arith.addi %add3A_277, %add3A_278 : i32
        %dma_start3A_280 = arith.constant 0 : i32
        %dma_start3A_281 = tpu.memref_slice %arg8[%add3A_279, %dma_start3A_280] : memref<50x40xi32, #tpu.memory_space<vmem>> -> memref<1x40xi32, #tpu.memory_space<vmem>>
        %dma_start3A_282 = tpu.memref_squeeze %dma_start3A_281 : memref<1x40xi32, #tpu.memory_space<vmem>> -> memref<40xi32, #tpu.memory_space<vmem>>
        %dma_start3A_283 = arith.constant 0 : i32
        %dma_start3A_284 = arith.constant 0 : i32
        %dma_start3A_285 = tpu.memref_slice %arg2[%dma_start3A_283, %dma_start3A_284] : memref<10000x128xf32, #tpu.memory_space<hbm>> -> memref<10000x128xf32, #tpu.memory_space<hbm>>
        tpu.enqueue_indirect_dma source(%dma_start3A_285 : memref<10000x128xf32, #tpu.memory_space<hbm>>) target(%arg11 : memref<40x128xf32, #tpu.memory_space<vmem>>) offsets(%dma_start3A_282 : memref<40xi32, #tpu.memory_space<vmem>>) semaphore(%arg17 : memref<!tpu.dma_semaphore, #tpu.memory_space<semaphore_mem>>)
        %add3A_286 = arith.constant 2 : i32
        %add3A_287 = arith.addi %add3A_169, %add3A_286 : i32
        %dma_wait3A_288 = arith.constant 0 : i32
        %dma_wait3A_289 = tpu.memref_slice %arg9[%add3A_287, %dma_wait3A_288] : memref<50x40xi32, #tpu.memory_space<vmem>> -> memref<1x40xi32, #tpu.memory_space<vmem>>
        %dma_wait3A_290 = tpu.memref_squeeze %dma_wait3A_289 : memref<1x40xi32, #tpu.memory_space<vmem>> -> memref<40xi32, #tpu.memory_space<vmem>>
        %dma_wait3A_291 = arith.constant 0 : i32
        %dma_wait3A_292 = arith.constant 0 : i32
        %dma_wait3A_293 = tpu.memref_slice %arg15[%dma_wait3A_291, %dma_wait3A_292] : memref<10240x128xf32, #tpu.memory_space<vmem_shared>> -> memref<10240x128xf32, #tpu.memory_space<vmem_shared>>
        tpu.wait_indirect_dma semaphore(%arg23 : memref<!tpu.dma_semaphore, #tpu.memory_space<semaphore_mem>>) src(%arg12 : memref<40x128xf32, #tpu.memory_space<vmem>>) dst(%dma_wait3A_293 : memref<10240x128xf32, #tpu.memory_space<vmem_shared>>)
        %add3A_294 = arith.constant 5 : i32
        %add3A_295 = arith.addi %add3A_169, %add3A_294 : i32
        %add3A_296 = arith.constant 2 : i32
        %add3A_297 = arith.addi %add3A_295, %add3A_296 : i32
        %dma_start3A_298 = arith.constant 0 : i32
        %dma_start3A_299 = tpu.memref_slice %arg8[%add3A_297, %dma_start3A_298] : memref<50x40xi32, #tpu.memory_space<vmem>> -> memref<1x40xi32, #tpu.memory_space<vmem>>
        %dma_start3A_300 = tpu.memref_squeeze %dma_start3A_299 : memref<1x40xi32, #tpu.memory_space<vmem>> -> memref<40xi32, #tpu.memory_space<vmem>>
        %dma_start3A_301 = arith.constant 0 : i32
        %dma_start3A_302 = arith.constant 0 : i32
        %dma_start3A_303 = tpu.memref_slice %arg2[%dma_start3A_301, %dma_start3A_302] : memref<10000x128xf32, #tpu.memory_space<hbm>> -> memref<10000x128xf32, #tpu.memory_space<hbm>>
        tpu.enqueue_indirect_dma source(%dma_start3A_303 : memref<10000x128xf32, #tpu.memory_space<hbm>>) target(%arg12 : memref<40x128xf32, #tpu.memory_space<vmem>>) offsets(%dma_start3A_300 : memref<40xi32, #tpu.memory_space<vmem>>) semaphore(%arg18 : memref<!tpu.dma_semaphore, #tpu.memory_space<semaphore_mem>>)
        %add3A_304 = arith.constant 3 : i32
        %add3A_305 = arith.addi %add3A_169, %add3A_304 : i32
        %dma_wait3A_306 = arith.constant 0 : i32
        %dma_wait3A_307 = tpu.memref_slice %arg9[%add3A_305, %dma_wait3A_306] : memref<50x40xi32, #tpu.memory_space<vmem>> -> memref<1x40xi32, #tpu.memory_space<vmem>>
        %dma_wait3A_308 = tpu.memref_squeeze %dma_wait3A_307 : memref<1x40xi32, #tpu.memory_space<vmem>> -> memref<40xi32, #tpu.memory_space<vmem>>
        %dma_wait3A_309 = arith.constant 0 : i32
        %dma_wait3A_310 = arith.constant 0 : i32
        %dma_wait3A_311 = tpu.memref_slice %arg15[%dma_wait3A_309, %dma_wait3A_310] : memref<10240x128xf32, #tpu.memory_space<vmem_shared>> -> memref<10240x128xf32, #tpu.memory_space<vmem_shared>>
        tpu.wait_indirect_dma semaphore(%arg24 : memref<!tpu.dma_semaphore, #tpu.memory_space<semaphore_mem>>) src(%arg13 : memref<40x128xf32, #tpu.memory_space<vmem>>) dst(%dma_wait3A_311 : memref<10240x128xf32, #tpu.memory_space<vmem_shared>>)
        %add3A_312 = arith.constant 5 : i32
        %add3A_313 = arith.addi %add3A_169, %add3A_312 : i32
        %add3A_314 = arith.constant 3 : i32
        %add3A_315 = arith.addi %add3A_313, %add3A_314 : i32
        %dma_start3A_316 = arith.constant 0 : i32
        %dma_start3A_317 = tpu.memref_slice %arg8[%add3A_315, %dma_start3A_316] : memref<50x40xi32, #tpu.memory_space<vmem>> -> memref<1x40xi32, #tpu.memory_space<vmem>>
        %dma_start3A_318 = tpu.memref_squeeze %dma_start3A_317 : memref<1x40xi32, #tpu.memory_space<vmem>> -> memref<40xi32, #tpu.memory_space<vmem>>
        %dma_start3A_319 = arith.constant 0 : i32
        %dma_start3A_320 = arith.constant 0 : i32
        %dma_start3A_321 = tpu.memref_slice %arg2[%dma_start3A_319, %dma_start3A_320] : memref<10000x128xf32, #tpu.memory_space<hbm>> -> memref<10000x128xf32, #tpu.memory_space<hbm>>
        tpu.enqueue_indirect_dma source(%dma_start3A_321 : memref<10000x128xf32, #tpu.memory_space<hbm>>) target(%arg13 : memref<40x128xf32, #tpu.memory_space<vmem>>) offsets(%dma_start3A_318 : memref<40xi32, #tpu.memory_space<vmem>>) semaphore(%arg19 : memref<!tpu.dma_semaphore, #tpu.memory_space<semaphore_mem>>)
        %add3A_322 = arith.constant 4 : i32
        %add3A_323 = arith.addi %add3A_169, %add3A_322 : i32
        %dma_wait3A_324 = arith.constant 0 : i32
        %dma_wait3A_325 = tpu.memref_slice %arg9[%add3A_323, %dma_wait3A_324] : memref<50x40xi32, #tpu.memory_space<vmem>> -> memref<1x40xi32, #tpu.memory_space<vmem>>
        %dma_wait3A_326 = tpu.memref_squeeze %dma_wait3A_325 : memref<1x40xi32, #tpu.memory_space<vmem>> -> memref<40xi32, #tpu.memory_space<vmem>>
        %dma_wait3A_327 = arith.constant 0 : i32
        %dma_wait3A_328 = arith.constant 0 : i32
        %dma_wait3A_329 = tpu.memref_slice %arg15[%dma_wait3A_327, %dma_wait3A_328] : memref<10240x128xf32, #tpu.memory_space<vmem_shared>> -> memref<10240x128xf32, #tpu.memory_space<vmem_shared>>
        tpu.wait_indirect_dma semaphore(%arg25 : memref<!tpu.dma_semaphore, #tpu.memory_space<semaphore_mem>>) src(%arg14 : memref<40x128xf32, #tpu.memory_space<vmem>>) dst(%dma_wait3A_329 : memref<10240x128xf32, #tpu.memory_space<vmem_shared>>)
        %add3A_330 = arith.constant 5 : i32
        %add3A_331 = arith.addi %add3A_169, %add3A_330 : i32
        %add3A_332 = arith.constant 4 : i32
        %add3A_333 = arith.addi %add3A_331, %add3A_332 : i32
        %dma_start3A_334 = arith.constant 0 : i32
        %dma_start3A_335 = tpu.memref_slice %arg8[%add3A_333, %dma_start3A_334] : memref<50x40xi32, #tpu.memory_space<vmem>> -> memref<1x40xi32, #tpu.memory_space<vmem>>
        %dma_start3A_336 = tpu.memref_squeeze %dma_start3A_335 : memref<1x40xi32, #tpu.memory_space<vmem>> -> memref<40xi32, #tpu.memory_space<vmem>>
        %dma_start3A_337 = arith.constant 0 : i32
        %dma_start3A_338 = arith.constant 0 : i32
        %dma_start3A_339 = tpu.memref_slice %arg2[%dma_start3A_337, %dma_start3A_338] : memref<10000x128xf32, #tpu.memory_space<hbm>> -> memref<10000x128xf32, #tpu.memory_space<hbm>>
        tpu.enqueue_indirect_dma source(%dma_start3A_339 : memref<10000x128xf32, #tpu.memory_space<hbm>>) target(%arg14 : memref<40x128xf32, #tpu.memory_space<vmem>>) offsets(%dma_start3A_336 : memref<40xi32, #tpu.memory_space<vmem>>) semaphore(%arg20 : memref<!tpu.dma_semaphore, #tpu.memory_space<semaphore_mem>>)
      }
      %scan3A_60 = arith.constant 9 : i32
      %dma_wait3A = arith.constant 45 : i32
      %dma_wait3A_61 = arith.constant 0 : i32
      %dma_wait3A_62 = tpu.memref_slice %arg8[%dma_wait3A, %dma_wait3A_61] : memref<50x40xi32, #tpu.memory_space<vmem>> -> memref<1x40xi32, #tpu.memory_space<vmem>>
      %dma_wait3A_63 = tpu.memref_squeeze %dma_wait3A_62 : memref<1x40xi32, #tpu.memory_space<vmem>> -> memref<40xi32, #tpu.memory_space<vmem>>
      %dma_wait3A_64 = arith.constant 0 : i32
      %dma_wait3A_65 = arith.constant 0 : i32
      %dma_wait3A_66 = tpu.memref_slice %arg2[%dma_wait3A_64, %dma_wait3A_65] : memref<10000x128xf32, #tpu.memory_space<hbm>> -> memref<10000x128xf32, #tpu.memory_space<hbm>>
      tpu.wait_indirect_dma semaphore(%arg16 : memref<!tpu.dma_semaphore, #tpu.memory_space<semaphore_mem>>) src(%dma_wait3A_66 : memref<10000x128xf32, #tpu.memory_space<hbm>>) dst(%arg10 : memref<40x128xf32, #tpu.memory_space<vmem>>)
      %dma_start3A_67 = arith.constant 45 : i32
      %dma_start3A_68 = arith.constant 0 : i32
      %dma_start3A_69 = tpu.memref_slice %arg9[%dma_start3A_67, %dma_start3A_68] : memref<50x40xi32, #tpu.memory_space<vmem>> -> memref<1x40xi32, #tpu.memory_space<vmem>>
      %dma_start3A_70 = tpu.memref_squeeze %dma_start3A_69 : memref<1x40xi32, #tpu.memory_space<vmem>> -> memref<40xi32, #tpu.memory_space<vmem>>
      %dma_start3A_71 = arith.constant 0 : i32
      %dma_start3A_72 = arith.constant 0 : i32
      %dma_start3A_73 = tpu.memref_slice %arg15[%dma_start3A_71, %dma_start3A_72] : memref<10240x128xf32, #tpu.memory_space<vmem_shared>> -> memref<10240x128xf32, #tpu.memory_space<vmem_shared>>
      tpu.enqueue_indirect_dma source(%arg10 : memref<40x128xf32, #tpu.memory_space<vmem>>) target(%dma_start3A_73 : memref<10240x128xf32, #tpu.memory_space<vmem_shared>>) offsets(%dma_start3A_70 : memref<40xi32, #tpu.memory_space<vmem>>) semaphore(%arg21 : memref<!tpu.dma_semaphore, #tpu.memory_space<semaphore_mem>>) {add = true}
      %dma_wait3A_74 = arith.constant 46 : i32
      %dma_wait3A_75 = arith.constant 0 : i32
      %dma_wait3A_76 = tpu.memref_slice %arg8[%dma_wait3A_74, %dma_wait3A_75] : memref<50x40xi32, #tpu.memory_space<vmem>> -> memref<1x40xi32, #tpu.memory_space<vmem>>
      %dma_wait3A_77 = tpu.memref_squeeze %dma_wait3A_76 : memref<1x40xi32, #tpu.memory_space<vmem>> -> memref<40xi32, #tpu.memory_space<vmem>>
      %dma_wait3A_78 = arith.constant 0 : i32
      %dma_wait3A_79 = arith.constant 0 : i32
      %dma_wait3A_80 = tpu.memref_slice %arg2[%dma_wait3A_78, %dma_wait3A_79] : memref<10000x128xf32, #tpu.memory_space<hbm>> -> memref<10000x128xf32, #tpu.memory_space<hbm>>
      tpu.wait_indirect_dma semaphore(%arg17 : memref<!tpu.dma_semaphore, #tpu.memory_space<semaphore_mem>>) src(%dma_wait3A_80 : memref<10000x128xf32, #tpu.memory_space<hbm>>) dst(%arg11 : memref<40x128xf32, #tpu.memory_space<vmem>>)
      %dma_start3A_81 = arith.constant 46 : i32
      %dma_start3A_82 = arith.constant 0 : i32
      %dma_start3A_83 = tpu.memref_slice %arg9[%dma_start3A_81, %dma_start3A_82] : memref<50x40xi32, #tpu.memory_space<vmem>> -> memref<1x40xi32, #tpu.memory_space<vmem>>
      %dma_start3A_84 = tpu.memref_squeeze %dma_start3A_83 : memref<1x40xi32, #tpu.memory_space<vmem>> -> memref<40xi32, #tpu.memory_space<vmem>>
      %dma_start3A_85 = arith.constant 0 : i32
      %dma_start3A_86 = arith.constant 0 : i32
      %dma_start3A_87 = tpu.memref_slice %arg15[%dma_start3A_85, %dma_start3A_86] : memref<10240x128xf32, #tpu.memory_space<vmem_shared>> -> memref<10240x128xf32, #tpu.memory_space<vmem_shared>>
      tpu.enqueue_indirect_dma source(%arg11 : memref<40x128xf32, #tpu.memory_space<vmem>>) target(%dma_start3A_87 : memref<10240x128xf32, #tpu.memory_space<vmem_shared>>) offsets(%dma_start3A_84 : memref<40xi32, #tpu.memory_space<vmem>>) semaphore(%arg22 : memref<!tpu.dma_semaphore, #tpu.memory_space<semaphore_mem>>) {add = true}
      %dma_wait3A_88 = arith.constant 47 : i32
      %dma_wait3A_89 = arith.constant 0 : i32
      %dma_wait3A_90 = tpu.memref_slice %arg8[%dma_wait3A_88, %dma_wait3A_89] : memref<50x40xi32, #tpu.memory_space<vmem>> -> memref<1x40xi32, #tpu.memory_space<vmem>>
      %dma_wait3A_91 = tpu.memref_squeeze %dma_wait3A_90 : memref<1x40xi32, #tpu.memory_space<vmem>> -> memref<40xi32, #tpu.memory_space<vmem>>
      %dma_wait3A_92 = arith.constant 0 : i32
      %dma_wait3A_93 = arith.constant 0 : i32
      %dma_wait3A_94 = tpu.memref_slice %arg2[%dma_wait3A_92, %dma_wait3A_93] : memref<10000x128xf32, #tpu.memory_space<hbm>> -> memref<10000x128xf32, #tpu.memory_space<hbm>>
      tpu.wait_indirect_dma semaphore(%arg18 : memref<!tpu.dma_semaphore, #tpu.memory_space<semaphore_mem>>) src(%dma_wait3A_94 : memref<10000x128xf32, #tpu.memory_space<hbm>>) dst(%arg12 : memref<40x128xf32, #tpu.memory_space<vmem>>)
      %dma_start3A_95 = arith.constant 47 : i32
      %dma_start3A_96 = arith.constant 0 : i32
      %dma_start3A_97 = tpu.memref_slice %arg9[%dma_start3A_95, %dma_start3A_96] : memref<50x40xi32, #tpu.memory_space<vmem>> -> memref<1x40xi32, #tpu.memory_space<vmem>>
      %dma_start3A_98 = tpu.memref_squeeze %dma_start3A_97 : memref<1x40xi32, #tpu.memory_space<vmem>> -> memref<40xi32, #tpu.memory_space<vmem>>
      %dma_start3A_99 = arith.constant 0 : i32
      %dma_start3A_100 = arith.constant 0 : i32
      %dma_start3A_101 = tpu.memref_slice %arg15[%dma_start3A_99, %dma_start3A_100] : memref<10240x128xf32, #tpu.memory_space<vmem_shared>> -> memref<10240x128xf32, #tpu.memory_space<vmem_shared>>
      tpu.enqueue_indirect_dma source(%arg12 : memref<40x128xf32, #tpu.memory_space<vmem>>) target(%dma_start3A_101 : memref<10240x128xf32, #tpu.memory_space<vmem_shared>>) offsets(%dma_start3A_98 : memref<40xi32, #tpu.memory_space<vmem>>) semaphore(%arg23 : memref<!tpu.dma_semaphore, #tpu.memory_space<semaphore_mem>>) {add = true}
      %dma_wait3A_102 = arith.constant 48 : i32
      %dma_wait3A_103 = arith.constant 0 : i32
      %dma_wait3A_104 = tpu.memref_slice %arg8[%dma_wait3A_102, %dma_wait3A_103] : memref<50x40xi32, #tpu.memory_space<vmem>> -> memref<1x40xi32, #tpu.memory_space<vmem>>
      %dma_wait3A_105 = tpu.memref_squeeze %dma_wait3A_104 : memref<1x40xi32, #tpu.memory_space<vmem>> -> memref<40xi32, #tpu.memory_space<vmem>>
      %dma_wait3A_106 = arith.constant 0 : i32
      %dma_wait3A_107 = arith.constant 0 : i32
      %dma_wait3A_108 = tpu.memref_slice %arg2[%dma_wait3A_106, %dma_wait3A_107] : memref<10000x128xf32, #tpu.memory_space<hbm>> -> memref<10000x128xf32, #tpu.memory_space<hbm>>
      tpu.wait_indirect_dma semaphore(%arg19 : memref<!tpu.dma_semaphore, #tpu.memory_space<semaphore_mem>>) src(%dma_wait3A_108 : memref<10000x128xf32, #tpu.memory_space<hbm>>) dst(%arg13 : memref<40x128xf32, #tpu.memory_space<vmem>>)
      %dma_start3A_109 = arith.constant 48 : i32
      %dma_start3A_110 = arith.constant 0 : i32
      %dma_start3A_111 = tpu.memref_slice %arg9[%dma_start3A_109, %dma_start3A_110] : memref<50x40xi32, #tpu.memory_space<vmem>> -> memref<1x40xi32, #tpu.memory_space<vmem>>
      %dma_start3A_112 = tpu.memref_squeeze %dma_start3A_111 : memref<1x40xi32, #tpu.memory_space<vmem>> -> memref<40xi32, #tpu.memory_space<vmem>>
      %dma_start3A_113 = arith.constant 0 : i32
      %dma_start3A_114 = arith.constant 0 : i32
      %dma_start3A_115 = tpu.memref_slice %arg15[%dma_start3A_113, %dma_start3A_114] : memref<10240x128xf32, #tpu.memory_space<vmem_shared>> -> memref<10240x128xf32, #tpu.memory_space<vmem_shared>>
      tpu.enqueue_indirect_dma source(%arg13 : memref<40x128xf32, #tpu.memory_space<vmem>>) target(%dma_start3A_115 : memref<10240x128xf32, #tpu.memory_space<vmem_shared>>) offsets(%dma_start3A_112 : memref<40xi32, #tpu.memory_space<vmem>>) semaphore(%arg24 : memref<!tpu.dma_semaphore, #tpu.memory_space<semaphore_mem>>) {add = true}
      %dma_wait3A_116 = arith.constant 49 : i32
      %dma_wait3A_117 = arith.constant 0 : i32
      %dma_wait3A_118 = tpu.memref_slice %arg8[%dma_wait3A_116, %dma_wait3A_117] : memref<50x40xi32, #tpu.memory_space<vmem>> -> memref<1x40xi32, #tpu.memory_space<vmem>>
      %dma_wait3A_119 = tpu.memref_squeeze %dma_wait3A_118 : memref<1x40xi32, #tpu.memory_space<vmem>> -> memref<40xi32, #tpu.memory_space<vmem>>
      %dma_wait3A_120 = arith.constant 0 : i32
      %dma_wait3A_121 = arith.constant 0 : i32
      %dma_wait3A_122 = tpu.memref_slice %arg2[%dma_wait3A_120, %dma_wait3A_121] : memref<10000x128xf32, #tpu.memory_space<hbm>> -> memref<10000x128xf32, #tpu.memory_space<hbm>>
      tpu.wait_indirect_dma semaphore(%arg20 : memref<!tpu.dma_semaphore, #tpu.memory_space<semaphore_mem>>) src(%dma_wait3A_122 : memref<10000x128xf32, #tpu.memory_space<hbm>>) dst(%arg14 : memref<40x128xf32, #tpu.memory_space<vmem>>)
      %dma_start3A_123 = arith.constant 49 : i32
      %dma_start3A_124 = arith.constant 0 : i32
      %dma_start3A_125 = tpu.memref_slice %arg9[%dma_start3A_123, %dma_start3A_124] : memref<50x40xi32, #tpu.memory_space<vmem>> -> memref<1x40xi32, #tpu.memory_space<vmem>>
      %dma_start3A_126 = tpu.memref_squeeze %dma_start3A_125 : memref<1x40xi32, #tpu.memory_space<vmem>> -> memref<40xi32, #tpu.memory_space<vmem>>
      %dma_start3A_127 = arith.constant 0 : i32
      %dma_start3A_128 = arith.constant 0 : i32
      %dma_start3A_129 = tpu.memref_slice %arg15[%dma_start3A_127, %dma_start3A_128] : memref<10240x128xf32, #tpu.memory_space<vmem_shared>> -> memref<10240x128xf32, #tpu.memory_space<vmem_shared>>
      tpu.enqueue_indirect_dma source(%arg14 : memref<40x128xf32, #tpu.memory_space<vmem>>) target(%dma_start3A_129 : memref<10240x128xf32, #tpu.memory_space<vmem_shared>>) offsets(%dma_start3A_126 : memref<40xi32, #tpu.memory_space<vmem>>) semaphore(%arg25 : memref<!tpu.dma_semaphore, #tpu.memory_space<semaphore_mem>>) {add = true}
      %dma_wait3A_130 = arith.constant 45 : i32
      %dma_wait3A_131 = arith.constant 0 : i32
      %dma_wait3A_132 = tpu.memref_slice %arg9[%dma_wait3A_130, %dma_wait3A_131] : memref<50x40xi32, #tpu.memory_space<vmem>> -> memref<1x40xi32, #tpu.memory_space<vmem>>
      %dma_wait3A_133 = tpu.memref_squeeze %dma_wait3A_132 : memref<1x40xi32, #tpu.memory_space<vmem>> -> memref<40xi32, #tpu.memory_space<vmem>>
      %dma_wait3A_134 = arith.constant 0 : i32
      %dma_wait3A_135 = arith.constant 0 : i32
      %dma_wait3A_136 = tpu.memref_slice %arg15[%dma_wait3A_134, %dma_wait3A_135] : memref<10240x128xf32, #tpu.memory_space<vmem_shared>> -> memref<10240x128xf32, #tpu.memory_space<vmem_shared>>
      tpu.wait_indirect_dma semaphore(%arg21 : memref<!tpu.dma_semaphore, #tpu.memory_space<semaphore_mem>>) src(%arg10 : memref<40x128xf32, #tpu.memory_space<vmem>>) dst(%dma_wait3A_136 : memref<10240x128xf32, #tpu.memory_space<vmem_shared>>)
      %dma_wait3A_137 = arith.constant 46 : i32
      %dma_wait3A_138 = arith.constant 0 : i32
      %dma_wait3A_139 = tpu.memref_slice %arg9[%dma_wait3A_137, %dma_wait3A_138] : memref<50x40xi32, #tpu.memory_space<vmem>> -> memref<1x40xi32, #tpu.memory_space<vmem>>
      %dma_wait3A_140 = tpu.memref_squeeze %dma_wait3A_139 : memref<1x40xi32, #tpu.memory_space<vmem>> -> memref<40xi32, #tpu.memory_space<vmem>>
      %dma_wait3A_141 = arith.constant 0 : i32
      %dma_wait3A_142 = arith.constant 0 : i32
      %dma_wait3A_143 = tpu.memref_slice %arg15[%dma_wait3A_141, %dma_wait3A_142] : memref<10240x128xf32, #tpu.memory_space<vmem_shared>> -> memref<10240x128xf32, #tpu.memory_space<vmem_shared>>
      tpu.wait_indirect_dma semaphore(%arg22 : memref<!tpu.dma_semaphore, #tpu.memory_space<semaphore_mem>>) src(%arg11 : memref<40x128xf32, #tpu.memory_space<vmem>>) dst(%dma_wait3A_143 : memref<10240x128xf32, #tpu.memory_space<vmem_shared>>)
      %dma_wait3A_144 = arith.constant 47 : i32
      %dma_wait3A_145 = arith.constant 0 : i32
      %dma_wait3A_146 = tpu.memref_slice %arg9[%dma_wait3A_144, %dma_wait3A_145] : memref<50x40xi32, #tpu.memory_space<vmem>> -> memref<1x40xi32, #tpu.memory_space<vmem>>
      %dma_wait3A_147 = tpu.memref_squeeze %dma_wait3A_146 : memref<1x40xi32, #tpu.memory_space<vmem>> -> memref<40xi32, #tpu.memory_space<vmem>>
      %dma_wait3A_148 = arith.constant 0 : i32
      %dma_wait3A_149 = arith.constant 0 : i32
      %dma_wait3A_150 = tpu.memref_slice %arg15[%dma_wait3A_148, %dma_wait3A_149] : memref<10240x128xf32, #tpu.memory_space<vmem_shared>> -> memref<10240x128xf32, #tpu.memory_space<vmem_shared>>
      tpu.wait_indirect_dma semaphore(%arg23 : memref<!tpu.dma_semaphore, #tpu.memory_space<semaphore_mem>>) src(%arg12 : memref<40x128xf32, #tpu.memory_space<vmem>>) dst(%dma_wait3A_150 : memref<10240x128xf32, #tpu.memory_space<vmem_shared>>)
      %dma_wait3A_151 = arith.constant 48 : i32
      %dma_wait3A_152 = arith.constant 0 : i32
      %dma_wait3A_153 = tpu.memref_slice %arg9[%dma_wait3A_151, %dma_wait3A_152] : memref<50x40xi32, #tpu.memory_space<vmem>> -> memref<1x40xi32, #tpu.memory_space<vmem>>
      %dma_wait3A_154 = tpu.memref_squeeze %dma_wait3A_153 : memref<1x40xi32, #tpu.memory_space<vmem>> -> memref<40xi32, #tpu.memory_space<vmem>>
      %dma_wait3A_155 = arith.constant 0 : i32
      %dma_wait3A_156 = arith.constant 0 : i32
      %dma_wait3A_157 = tpu.memref_slice %arg15[%dma_wait3A_155, %dma_wait3A_156] : memref<10240x128xf32, #tpu.memory_space<vmem_shared>> -> memref<10240x128xf32, #tpu.memory_space<vmem_shared>>
      tpu.wait_indirect_dma semaphore(%arg24 : memref<!tpu.dma_semaphore, #tpu.memory_space<semaphore_mem>>) src(%arg13 : memref<40x128xf32, #tpu.memory_space<vmem>>) dst(%dma_wait3A_157 : memref<10240x128xf32, #tpu.memory_space<vmem_shared>>)
      %dma_wait3A_158 = arith.constant 49 : i32
      %dma_wait3A_159 = arith.constant 0 : i32
      %dma_wait3A_160 = tpu.memref_slice %arg9[%dma_wait3A_158, %dma_wait3A_159] : memref<50x40xi32, #tpu.memory_space<vmem>> -> memref<1x40xi32, #tpu.memory_space<vmem>>
      %dma_wait3A_161 = tpu.memref_squeeze %dma_wait3A_160 : memref<1x40xi32, #tpu.memory_space<vmem>> -> memref<40xi32, #tpu.memory_space<vmem>>
      %dma_wait3A_162 = arith.constant 0 : i32
      %dma_wait3A_163 = arith.constant 0 : i32
      %dma_wait3A_164 = tpu.memref_slice %arg15[%dma_wait3A_162, %dma_wait3A_163] : memref<10240x128xf32, #tpu.memory_space<vmem_shared>> -> memref<10240x128xf32, #tpu.memory_space<vmem_shared>>
      tpu.wait_indirect_dma semaphore(%arg25 : memref<!tpu.dma_semaphore, #tpu.memory_space<semaphore_mem>>) src(%arg14 : memref<40x128xf32, #tpu.memory_space<vmem>>) dst(%dma_wait3A_164 : memref<10240x128xf32, #tpu.memory_space<vmem_shared>>)
    }
    %scan3A_6 = arith.constant 5 : i32
    %barrier3A_7 = arith.constant 0 : index
    tpu.barrier barrier_id(%barrier3A_7)
    %mul3A_8 = arith.constant 640 : i32
    %mul3A_9 = arith.muli %arg1, %mul3A_8 : i32
    %eq3A = arith.constant 0 : i32
    %eq3A_10 = arith.cmpi eq, %arg0, %eq3A : i32
    %convert_element_type3A = arith.extui %eq3A_10 : i1 to i32
    %cond3A = arith.constant 0 : i32
    %cond3A_11 = arith.cmpi ne, %convert_element_type3A, %cond3A : i32
    scf.if %cond3A_11 {
      "tpu.region"() ({
        %run_scoped3A = tpu.sem_alloc : memref<!tpu.dma_semaphore, #tpu.memory_space<semaphore_mem>>
        %dma_start3A = arith.constant 0 : i32
        %dma_start3A_17 = tpu.memref_slice %arg6[%mul3A_9, %dma_start3A] : memref<10240x128xf32, #tpu.memory_space<hbm>> -> memref<640x128xf32, #tpu.memory_space<hbm>>
        %dma_start3A_18 = arith.constant 0 : i32
        %dma_start3A_19 = tpu.memref_slice %arg15[%mul3A_9, %dma_start3A_18] : memref<10240x128xf32, #tpu.memory_space<vmem_shared>> -> memref<640x128xf32, #tpu.memory_space<vmem_shared>>
        tpu.enqueue_dma source(%dma_start3A_19 : memref<640x128xf32, #tpu.memory_space<vmem_shared>>) target(%dma_start3A_17 : memref<640x128xf32, #tpu.memory_space<hbm>>) target_semaphore(%run_scoped3A : memref<!tpu.dma_semaphore, #tpu.memory_space<semaphore_mem>>)
        %dma_wait3A = arith.constant 0 : i32
        %dma_wait3A_20 = tpu.memref_slice %arg6[%mul3A_9, %dma_wait3A] : memref<10240x128xf32, #tpu.memory_space<hbm>> -> memref<640x128xf32, #tpu.memory_space<hbm>>
        %dma_wait3A_21 = arith.constant 0 : i32
        %dma_wait3A_22 = tpu.memref_slice %arg15[%mul3A_9, %dma_wait3A_21] : memref<10240x128xf32, #tpu.memory_space<vmem_shared>> -> memref<640x128xf32, #tpu.memory_space<vmem_shared>>
        tpu.wait_dma2 semaphore(%run_scoped3A : memref<!tpu.dma_semaphore, #tpu.memory_space<semaphore_mem>>) src(%dma_wait3A_22 : memref<640x128xf32, #tpu.memory_space<vmem_shared>>) dst(%dma_wait3A_20 : memref<640x128xf32, #tpu.memory_space<hbm>>)
        tpu.yield
      }) : () -> ()
    } else {
    }
    %eq3A_12 = arith.constant 1 : i32
    %eq3A_13 = arith.cmpi eq, %arg0, %eq3A_12 : i32
    %convert_element_type3A_14 = arith.extui %eq3A_13 : i1 to i32
    %cond3A_15 = arith.constant 0 : i32
    %cond3A_16 = arith.cmpi ne, %convert_element_type3A_14, %cond3A_15 : i32
    scf.if %cond3A_16 {
      "tpu.region"() ({
        %run_scoped3A = tpu.sem_alloc : memref<!tpu.dma_semaphore, #tpu.memory_space<semaphore_mem>>
        %dma_start3A = arith.constant 0 : i32
        %dma_start3A_17 = tpu.memref_slice %arg7[%mul3A_9, %dma_start3A] : memref<10240x128xf32, #tpu.memory_space<hbm>> -> memref<640x128xf32, #tpu.memory_space<hbm>>
        %dma_start3A_18 = arith.constant 0 : i32
        %dma_start3A_19 = tpu.memref_slice %arg15[%mul3A_9, %dma_start3A_18] : memref<10240x128xf32, #tpu.memory_space<vmem_shared>> -> memref<640x128xf32, #tpu.memory_space<vmem_shared>>
        tpu.enqueue_dma source(%dma_start3A_19 : memref<640x128xf32, #tpu.memory_space<vmem_shared>>) target(%dma_start3A_17 : memref<640x128xf32, #tpu.memory_space<hbm>>) target_semaphore(%run_scoped3A : memref<!tpu.dma_semaphore, #tpu.memory_space<semaphore_mem>>)
        %dma_wait3A = arith.constant 0 : i32
        %dma_wait3A_20 = tpu.memref_slice %arg7[%mul3A_9, %dma_wait3A] : memref<10240x128xf32, #tpu.memory_space<hbm>> -> memref<640x128xf32, #tpu.memory_space<hbm>>
        %dma_wait3A_21 = arith.constant 0 : i32
        %dma_wait3A_22 = tpu.memref_slice %arg15[%mul3A_9, %dma_wait3A_21] : memref<10240x128xf32, #tpu.memory_space<vmem_shared>> -> memref<640x128xf32, #tpu.memory_space<vmem_shared>>
        tpu.wait_dma2 semaphore(%run_scoped3A : memref<!tpu.dma_semaphore, #tpu.memory_space<semaphore_mem>>) src(%dma_wait3A_22 : memref<640x128xf32, #tpu.memory_space<vmem_shared>>) dst(%dma_wait3A_20 : memref<640x128xf32, #tpu.memory_space<hbm>>)
        tpu.yield
      }) : () -> ()
    } else {
    }
    return
  }
}

#map = affine_map<(d0, d1) -> (0, 0)>
#map1 = affine_map<(d0, d1) -> (0, 0, 0, 0)>
module attributes {stable_mosaic.version = 14 : i64} {
  func.func @_edge_body(%arg0: i32, %arg1: i32, %arg2: memref<10000x128xf32, #tpu.memory_space<hbm>>, %arg3: memref<32x5x50x40xi32, #tpu.memory_space<hbm>>, %arg4: memref<32x5x50x40xi32, #tpu.memory_space<hbm>>, %arg5: memref<640x128xf32, #tpu.memory_space<hbm>>, %arg6: memref<10240x128xf32, #tpu.memory_space<hbm>>, %arg7: memref<10240x128xf32, #tpu.memory_space<hbm>>, %arg8: memref<50x40xi32, #tpu.memory_space<vmem>>, %arg9: memref<50x40xi32, #tpu.memory_space<vmem>>, %arg10: memref<40x128xf32, #tpu.memory_space<vmem>>, %arg11: memref<40x128xf32, #tpu.memory_space<vmem>>, %arg12: memref<40x128xf32, #tpu.memory_space<vmem>>, %arg13: memref<40x128xf32, #tpu.memory_space<vmem>>, %arg14: memref<40x128xf32, #tpu.memory_space<vmem>>, %arg15: memref<10240x128xf32, #tpu.memory_space<vmem_shared>>, %arg16: memref<!tpu.dma_semaphore, #tpu.memory_space<semaphore_mem>>, %arg17: memref<!tpu.dma_semaphore, #tpu.memory_space<semaphore_mem>>, %arg18: memref<!tpu.dma_semaphore, #tpu.memory_space<semaphore_mem>>, %arg19: memref<!tpu.dma_semaphore, #tpu.memory_space<semaphore_mem>>, %arg20: memref<!tpu.dma_semaphore, #tpu.memory_space<semaphore_mem>>, %arg21: memref<!tpu.dma_semaphore, #tpu.memory_space<semaphore_mem>>, %arg22: memref<!tpu.dma_semaphore, #tpu.memory_space<semaphore_mem>>, %arg23: memref<!tpu.dma_semaphore, #tpu.memory_space<semaphore_mem>>, %arg24: memref<!tpu.dma_semaphore, #tpu.memory_space<semaphore_mem>>, %arg25: memref<!tpu.dma_semaphore, #tpu.memory_space<semaphore_mem>>) attributes {dimension_semantics = [#tpu.dimension_semantics<core_parallel>, #tpu.dimension_semantics<subcore_parallel>], iteration_bounds = array<i64: 2, 16>, scalar_prefetch = 0 : i64, scratch_operands = 18 : i64, tpu.core_type = #tpu.core_type<sc_vector_subcore>, window_params = [{transform_indices = #map}, {transform_indices = #map1}, {transform_indices = #map1}, {transform_indices = #map}, {transform_indices = #map}, {transform_indices = #map}]} {
    %mul3A = arith.constant 16 : i32
    %mul3A_0 = arith.muli %arg0, %mul3A : i32
    %add3A = arith.addi %mul3A_0, %arg1 : i32
    %mul3A_1 = arith.constant 640 : i32
    %mul3A_2 = arith.muli %arg1, %mul3A_1 : i32
    "tpu.region"() ({
      %run_scoped3A = tpu.sem_alloc : memref<!tpu.dma_semaphore, #tpu.memory_space<semaphore_mem>>
      %dma_start3A = arith.constant 0 : i32
      %dma_start3A_17 = tpu.memref_slice %arg15[%mul3A_2, %dma_start3A] : memref<10240x128xf32, #tpu.memory_space<vmem_shared>> -> memref<640x128xf32, #tpu.memory_space<vmem_shared>>
      tpu.enqueue_dma source(%arg5 : memref<640x128xf32, #tpu.memory_space<hbm>>) target(%dma_start3A_17 : memref<640x128xf32, #tpu.memory_space<vmem_shared>>) target_semaphore(%run_scoped3A : memref<!tpu.dma_semaphore, #tpu.memory_space<semaphore_mem>>)
      %dma_wait3A = arith.constant 0 : i32
      %dma_wait3A_18 = tpu.memref_slice %arg15[%mul3A_2, %dma_wait3A] : memref<10240x128xf32, #tpu.memory_space<vmem_shared>> -> memref<640x128xf32, #tpu.memory_space<vmem_shared>>
      tpu.wait_dma2 semaphore(%run_scoped3A : memref<!tpu.dma_semaphore, #tpu.memory_space<semaphore_mem>>) src(%arg5 : memref<640x128xf32, #tpu.memory_space<hbm>>) dst(%dma_wait3A_18 : memref<640x128xf32, #tpu.memory_space<vmem_shared>>)
      tpu.yield
    }) : () -> ()
    %barrier3A = arith.constant 0 : index
    tpu.barrier barrier_id(%barrier3A)
    %scan3A = arith.constant 0 : i32
    %scan3A_3 = arith.constant 5 : i32
    %scan3A_4 = arith.addi %scan3A, %scan3A_3 : i32
    %scan3A_5 = arith.constant 1 : i32
    scf.for %scan3A_17 = %scan3A to %scan3A_4 step %scan3A_5  : i32 {
      %mul3A_18 = arith.constant 1 : i32
      %mul3A_19 = arith.muli %scan3A_17, %mul3A_18 : i32
      %add3A_20 = arith.constant 0 : i32
      %add3A_21 = arith.addi %add3A_20, %mul3A_19 : i32
      "tpu.region"() ({
        %run_scoped3A = tpu.sem_alloc : memref<!tpu.dma_semaphore, #tpu.memory_space<semaphore_mem>>
        %dma_start3A_165 = arith.constant 0 : i32
        %dma_start3A_166 = arith.constant 0 : i32
        %dma_start3A_167 = tpu.memref_slice %arg3[%add3A, %add3A_21, %dma_start3A_165, %dma_start3A_166] : memref<32x5x50x40xi32, #tpu.memory_space<hbm>> -> memref<1x1x50x40xi32, #tpu.memory_space<hbm>>
        %dma_start3A_168 = tpu.memref_squeeze %dma_start3A_167 : memref<1x1x50x40xi32, #tpu.memory_space<hbm>> -> memref<50x40xi32, #tpu.memory_space<hbm>>
        %dma_start3A_169 = arith.constant 0 : i32
        %dma_start3A_170 = arith.constant 0 : i32
        %dma_start3A_171 = tpu.memref_slice %arg3[%add3A, %add3A_21, %dma_start3A_169, %dma_start3A_170] : memref<32x5x50x40xi32, #tpu.memory_space<hbm>> -> memref<1x1x50x40xi32, #tpu.memory_space<hbm>>
        %dma_start3A_172 = tpu.memref_squeeze %dma_start3A_171 : memref<1x1x50x40xi32, #tpu.memory_space<hbm>> -> memref<50x40xi32, #tpu.memory_space<hbm>>
        tpu.enqueue_dma source(%dma_start3A_172 : memref<50x40xi32, #tpu.memory_space<hbm>>) target(%arg8 : memref<50x40xi32, #tpu.memory_space<vmem>>) target_semaphore(%run_scoped3A : memref<!tpu.dma_semaphore, #tpu.memory_space<semaphore_mem>>)
        %dma_wait3A_173 = arith.constant 0 : i32
        %dma_wait3A_174 = arith.constant 0 : i32
        %dma_wait3A_175 = tpu.memref_slice %arg3[%add3A, %add3A_21, %dma_wait3A_173, %dma_wait3A_174] : memref<32x5x50x40xi32, #tpu.memory_space<hbm>> -> memref<1x1x50x40xi32, #tpu.memory_space<hbm>>
        %dma_wait3A_176 = tpu.memref_squeeze %dma_wait3A_175 : memref<1x1x50x40xi32, #tpu.memory_space<hbm>> -> memref<50x40xi32, #tpu.memory_space<hbm>>
        %dma_wait3A_177 = arith.constant 0 : i32
        %dma_wait3A_178 = arith.constant 0 : i32
        %dma_wait3A_179 = tpu.memref_slice %arg3[%add3A, %add3A_21, %dma_wait3A_177, %dma_wait3A_178] : memref<32x5x50x40xi32, #tpu.memory_space<hbm>> -> memref<1x1x50x40xi32, #tpu.memory_space<hbm>>
        %dma_wait3A_180 = tpu.memref_squeeze %dma_wait3A_179 : memref<1x1x50x40xi32, #tpu.memory_space<hbm>> -> memref<50x40xi32, #tpu.memory_space<hbm>>
        tpu.wait_dma2 semaphore(%run_scoped3A : memref<!tpu.dma_semaphore, #tpu.memory_space<semaphore_mem>>) src(%dma_wait3A_180 : memref<50x40xi32, #tpu.memory_space<hbm>>) dst(%arg8 : memref<50x40xi32, #tpu.memory_space<vmem>>)
        tpu.yield
      }) : () -> ()
      "tpu.region"() ({
        %run_scoped3A = tpu.sem_alloc : memref<!tpu.dma_semaphore, #tpu.memory_space<semaphore_mem>>
        %dma_start3A_165 = arith.constant 0 : i32
        %dma_start3A_166 = arith.constant 0 : i32
        %dma_start3A_167 = tpu.memref_slice %arg4[%add3A, %add3A_21, %dma_start3A_165, %dma_start3A_166] : memref<32x5x50x40xi32, #tpu.memory_space<hbm>> -> memref<1x1x50x40xi32, #tpu.memory_space<hbm>>
        %dma_start3A_168 = tpu.memref_squeeze %dma_start3A_167 : memref<1x1x50x40xi32, #tpu.memory_space<hbm>> -> memref<50x40xi32, #tpu.memory_space<hbm>>
        %dma_start3A_169 = arith.constant 0 : i32
        %dma_start3A_170 = arith.constant 0 : i32
        %dma_start3A_171 = tpu.memref_slice %arg4[%add3A, %add3A_21, %dma_start3A_169, %dma_start3A_170] : memref<32x5x50x40xi32, #tpu.memory_space<hbm>> -> memref<1x1x50x40xi32, #tpu.memory_space<hbm>>
        %dma_start3A_172 = tpu.memref_squeeze %dma_start3A_171 : memref<1x1x50x40xi32, #tpu.memory_space<hbm>> -> memref<50x40xi32, #tpu.memory_space<hbm>>
        tpu.enqueue_dma source(%dma_start3A_172 : memref<50x40xi32, #tpu.memory_space<hbm>>) target(%arg9 : memref<50x40xi32, #tpu.memory_space<vmem>>) target_semaphore(%run_scoped3A : memref<!tpu.dma_semaphore, #tpu.memory_space<semaphore_mem>>)
        %dma_wait3A_173 = arith.constant 0 : i32
        %dma_wait3A_174 = arith.constant 0 : i32
        %dma_wait3A_175 = tpu.memref_slice %arg4[%add3A, %add3A_21, %dma_wait3A_173, %dma_wait3A_174] : memref<32x5x50x40xi32, #tpu.memory_space<hbm>> -> memref<1x1x50x40xi32, #tpu.memory_space<hbm>>
        %dma_wait3A_176 = tpu.memref_squeeze %dma_wait3A_175 : memref<1x1x50x40xi32, #tpu.memory_space<hbm>> -> memref<50x40xi32, #tpu.memory_space<hbm>>
        %dma_wait3A_177 = arith.constant 0 : i32
        %dma_wait3A_178 = arith.constant 0 : i32
        %dma_wait3A_179 = tpu.memref_slice %arg4[%add3A, %add3A_21, %dma_wait3A_177, %dma_wait3A_178] : memref<32x5x50x40xi32, #tpu.memory_space<hbm>> -> memref<1x1x50x40xi32, #tpu.memory_space<hbm>>
        %dma_wait3A_180 = tpu.memref_squeeze %dma_wait3A_179 : memref<1x1x50x40xi32, #tpu.memory_space<hbm>> -> memref<50x40xi32, #tpu.memory_space<hbm>>
        tpu.wait_dma2 semaphore(%run_scoped3A : memref<!tpu.dma_semaphore, #tpu.memory_space<semaphore_mem>>) src(%dma_wait3A_180 : memref<50x40xi32, #tpu.memory_space<hbm>>) dst(%arg9 : memref<50x40xi32, #tpu.memory_space<vmem>>)
        tpu.yield
      }) : () -> ()
      %dma_start3A = arith.constant 0 : i32
      %dma_start3A_22 = arith.constant 0 : i32
      %dma_start3A_23 = tpu.memref_slice %arg8[%dma_start3A, %dma_start3A_22] : memref<50x40xi32, #tpu.memory_space<vmem>> -> memref<1x40xi32, #tpu.memory_space<vmem>>
      %dma_start3A_24 = tpu.memref_squeeze %dma_start3A_23 : memref<1x40xi32, #tpu.memory_space<vmem>> -> memref<40xi32, #tpu.memory_space<vmem>>
      %dma_start3A_25 = arith.constant 0 : i32
      %dma_start3A_26 = arith.constant 0 : i32
      %dma_start3A_27 = tpu.memref_slice %arg2[%dma_start3A_25, %dma_start3A_26] : memref<10000x128xf32, #tpu.memory_space<hbm>> -> memref<10000x128xf32, #tpu.memory_space<hbm>>
      tpu.enqueue_indirect_dma source(%dma_start3A_27 : memref<10000x128xf32, #tpu.memory_space<hbm>>) target(%arg10 : memref<40x128xf32, #tpu.memory_space<vmem>>) offsets(%dma_start3A_24 : memref<40xi32, #tpu.memory_space<vmem>>) semaphore(%arg16 : memref<!tpu.dma_semaphore, #tpu.memory_space<semaphore_mem>>)
      %dma_start3A_28 = arith.constant 1 : i32
      %dma_start3A_29 = arith.constant 0 : i32
      %dma_start3A_30 = tpu.memref_slice %arg8[%dma_start3A_28, %dma_start3A_29] : memref<50x40xi32, #tpu.memory_space<vmem>> -> memref<1x40xi32, #tpu.memory_space<vmem>>
      %dma_start3A_31 = tpu.memref_squeeze %dma_start3A_30 : memref<1x40xi32, #tpu.memory_space<vmem>> -> memref<40xi32, #tpu.memory_space<vmem>>
      %dma_start3A_32 = arith.constant 0 : i32
      %dma_start3A_33 = arith.constant 0 : i32
      %dma_start3A_34 = tpu.memref_slice %arg2[%dma_start3A_32, %dma_start3A_33] : memref<10000x128xf32, #tpu.memory_space<hbm>> -> memref<10000x128xf32, #tpu.memory_space<hbm>>
      tpu.enqueue_indirect_dma source(%dma_start3A_34 : memref<10000x128xf32, #tpu.memory_space<hbm>>) target(%arg11 : memref<40x128xf32, #tpu.memory_space<vmem>>) offsets(%dma_start3A_31 : memref<40xi32, #tpu.memory_space<vmem>>) semaphore(%arg17 : memref<!tpu.dma_semaphore, #tpu.memory_space<semaphore_mem>>)
      %dma_start3A_35 = arith.constant 2 : i32
      %dma_start3A_36 = arith.constant 0 : i32
      %dma_start3A_37 = tpu.memref_slice %arg8[%dma_start3A_35, %dma_start3A_36] : memref<50x40xi32, #tpu.memory_space<vmem>> -> memref<1x40xi32, #tpu.memory_space<vmem>>
      %dma_start3A_38 = tpu.memref_squeeze %dma_start3A_37 : memref<1x40xi32, #tpu.memory_space<vmem>> -> memref<40xi32, #tpu.memory_space<vmem>>
      %dma_start3A_39 = arith.constant 0 : i32
      %dma_start3A_40 = arith.constant 0 : i32
      %dma_start3A_41 = tpu.memref_slice %arg2[%dma_start3A_39, %dma_start3A_40] : memref<10000x128xf32, #tpu.memory_space<hbm>> -> memref<10000x128xf32, #tpu.memory_space<hbm>>
      tpu.enqueue_indirect_dma source(%dma_start3A_41 : memref<10000x128xf32, #tpu.memory_space<hbm>>) target(%arg12 : memref<40x128xf32, #tpu.memory_space<vmem>>) offsets(%dma_start3A_38 : memref<40xi32, #tpu.memory_space<vmem>>) semaphore(%arg18 : memref<!tpu.dma_semaphore, #tpu.memory_space<semaphore_mem>>)
      %dma_start3A_42 = arith.constant 3 : i32
      %dma_start3A_43 = arith.constant 0 : i32
      %dma_start3A_44 = tpu.memref_slice %arg8[%dma_start3A_42, %dma_start3A_43] : memref<50x40xi32, #tpu.memory_space<vmem>> -> memref<1x40xi32, #tpu.memory_space<vmem>>
      %dma_start3A_45 = tpu.memref_squeeze %dma_start3A_44 : memref<1x40xi32, #tpu.memory_space<vmem>> -> memref<40xi32, #tpu.memory_space<vmem>>
      %dma_start3A_46 = arith.constant 0 : i32
      %dma_start3A_47 = arith.constant 0 : i32
      %dma_start3A_48 = tpu.memref_slice %arg2[%dma_start3A_46, %dma_start3A_47] : memref<10000x128xf32, #tpu.memory_space<hbm>> -> memref<10000x128xf32, #tpu.memory_space<hbm>>
      tpu.enqueue_indirect_dma source(%dma_start3A_48 : memref<10000x128xf32, #tpu.memory_space<hbm>>) target(%arg13 : memref<40x128xf32, #tpu.memory_space<vmem>>) offsets(%dma_start3A_45 : memref<40xi32, #tpu.memory_space<vmem>>) semaphore(%arg19 : memref<!tpu.dma_semaphore, #tpu.memory_space<semaphore_mem>>)
      %dma_start3A_49 = arith.constant 4 : i32
      %dma_start3A_50 = arith.constant 0 : i32
      %dma_start3A_51 = tpu.memref_slice %arg8[%dma_start3A_49, %dma_start3A_50] : memref<50x40xi32, #tpu.memory_space<vmem>> -> memref<1x40xi32, #tpu.memory_space<vmem>>
      %dma_start3A_52 = tpu.memref_squeeze %dma_start3A_51 : memref<1x40xi32, #tpu.memory_space<vmem>> -> memref<40xi32, #tpu.memory_space<vmem>>
      %dma_start3A_53 = arith.constant 0 : i32
      %dma_start3A_54 = arith.constant 0 : i32
      %dma_start3A_55 = tpu.memref_slice %arg2[%dma_start3A_53, %dma_start3A_54] : memref<10000x128xf32, #tpu.memory_space<hbm>> -> memref<10000x128xf32, #tpu.memory_space<hbm>>
      tpu.enqueue_indirect_dma source(%dma_start3A_55 : memref<10000x128xf32, #tpu.memory_space<hbm>>) target(%arg14 : memref<40x128xf32, #tpu.memory_space<vmem>>) offsets(%dma_start3A_52 : memref<40xi32, #tpu.memory_space<vmem>>) semaphore(%arg20 : memref<!tpu.dma_semaphore, #tpu.memory_space<semaphore_mem>>)
      %scan3A_56 = arith.constant 0 : i32
      %scan3A_57 = arith.constant 9 : i32
      %scan3A_58 = arith.addi %scan3A_56, %scan3A_57 : i32
      %scan3A_59 = arith.constant 1 : i32
      scf.for %scan3A_165 = %scan3A_56 to %scan3A_58 step %scan3A_59  : i32 {
        %mul3A_166 = arith.constant 5 : i32
        %mul3A_167 = arith.muli %scan3A_165, %mul3A_166 : i32
        %add3A_168 = arith.constant 0 : i32
        %add3A_169 = arith.addi %add3A_168, %mul3A_167 : i32
        %add3A_170 = arith.constant 0 : i32
        %add3A_171 = arith.addi %add3A_169, %add3A_170 : i32
        %dma_wait3A_172 = arith.constant 0 : i32
        %dma_wait3A_173 = tpu.memref_slice %arg8[%add3A_171, %dma_wait3A_172] : memref<50x40xi32, #tpu.memory_space<vmem>> -> memref<1x40xi32, #tpu.memory_space<vmem>>
        %dma_wait3A_174 = tpu.memref_squeeze %dma_wait3A_173 : memref<1x40xi32, #tpu.memory_space<vmem>> -> memref<40xi32, #tpu.memory_space<vmem>>
        %dma_wait3A_175 = arith.constant 0 : i32
        %dma_wait3A_176 = arith.constant 0 : i32
        %dma_wait3A_177 = tpu.memref_slice %arg2[%dma_wait3A_175, %dma_wait3A_176] : memref<10000x128xf32, #tpu.memory_space<hbm>> -> memref<10000x128xf32, #tpu.memory_space<hbm>>
        tpu.wait_indirect_dma semaphore(%arg16 : memref<!tpu.dma_semaphore, #tpu.memory_space<semaphore_mem>>) src(%dma_wait3A_177 : memref<10000x128xf32, #tpu.memory_space<hbm>>) dst(%arg10 : memref<40x128xf32, #tpu.memory_space<vmem>>)
        %add3A_178 = arith.constant 0 : i32
        %add3A_179 = arith.addi %add3A_169, %add3A_178 : i32
        %dma_start3A_180 = arith.constant 0 : i32
        %dma_start3A_181 = tpu.memref_slice %arg9[%add3A_179, %dma_start3A_180] : memref<50x40xi32, #tpu.memory_space<vmem>> -> memref<1x40xi32, #tpu.memory_space<vmem>>
        %dma_start3A_182 = tpu.memref_squeeze %dma_start3A_181 : memref<1x40xi32, #tpu.memory_space<vmem>> -> memref<40xi32, #tpu.memory_space<vmem>>
        %dma_start3A_183 = arith.constant 0 : i32
        %dma_start3A_184 = arith.constant 0 : i32
        %dma_start3A_185 = tpu.memref_slice %arg15[%dma_start3A_183, %dma_start3A_184] : memref<10240x128xf32, #tpu.memory_space<vmem_shared>> -> memref<10240x128xf32, #tpu.memory_space<vmem_shared>>
        tpu.enqueue_indirect_dma source(%arg10 : memref<40x128xf32, #tpu.memory_space<vmem>>) target(%dma_start3A_185 : memref<10240x128xf32, #tpu.memory_space<vmem_shared>>) offsets(%dma_start3A_182 : memref<40xi32, #tpu.memory_space<vmem>>) semaphore(%arg21 : memref<!tpu.dma_semaphore, #tpu.memory_space<semaphore_mem>>) {add = true}
        %add3A_186 = arith.constant 1 : i32
        %add3A_187 = arith.addi %add3A_169, %add3A_186 : i32
        %dma_wait3A_188 = arith.constant 0 : i32
        %dma_wait3A_189 = tpu.memref_slice %arg8[%add3A_187, %dma_wait3A_188] : memref<50x40xi32, #tpu.memory_space<vmem>> -> memref<1x40xi32, #tpu.memory_space<vmem>>
        %dma_wait3A_190 = tpu.memref_squeeze %dma_wait3A_189 : memref<1x40xi32, #tpu.memory_space<vmem>> -> memref<40xi32, #tpu.memory_space<vmem>>
        %dma_wait3A_191 = arith.constant 0 : i32
        %dma_wait3A_192 = arith.constant 0 : i32
        %dma_wait3A_193 = tpu.memref_slice %arg2[%dma_wait3A_191, %dma_wait3A_192] : memref<10000x128xf32, #tpu.memory_space<hbm>> -> memref<10000x128xf32, #tpu.memory_space<hbm>>
        tpu.wait_indirect_dma semaphore(%arg17 : memref<!tpu.dma_semaphore, #tpu.memory_space<semaphore_mem>>) src(%dma_wait3A_193 : memref<10000x128xf32, #tpu.memory_space<hbm>>) dst(%arg11 : memref<40x128xf32, #tpu.memory_space<vmem>>)
        %add3A_194 = arith.constant 1 : i32
        %add3A_195 = arith.addi %add3A_169, %add3A_194 : i32
        %dma_start3A_196 = arith.constant 0 : i32
        %dma_start3A_197 = tpu.memref_slice %arg9[%add3A_195, %dma_start3A_196] : memref<50x40xi32, #tpu.memory_space<vmem>> -> memref<1x40xi32, #tpu.memory_space<vmem>>
        %dma_start3A_198 = tpu.memref_squeeze %dma_start3A_197 : memref<1x40xi32, #tpu.memory_space<vmem>> -> memref<40xi32, #tpu.memory_space<vmem>>
        %dma_start3A_199 = arith.constant 0 : i32
        %dma_start3A_200 = arith.constant 0 : i32
        %dma_start3A_201 = tpu.memref_slice %arg15[%dma_start3A_199, %dma_start3A_200] : memref<10240x128xf32, #tpu.memory_space<vmem_shared>> -> memref<10240x128xf32, #tpu.memory_space<vmem_shared>>
        tpu.enqueue_indirect_dma source(%arg11 : memref<40x128xf32, #tpu.memory_space<vmem>>) target(%dma_start3A_201 : memref<10240x128xf32, #tpu.memory_space<vmem_shared>>) offsets(%dma_start3A_198 : memref<40xi32, #tpu.memory_space<vmem>>) semaphore(%arg22 : memref<!tpu.dma_semaphore, #tpu.memory_space<semaphore_mem>>) {add = true}
        %add3A_202 = arith.constant 2 : i32
        %add3A_203 = arith.addi %add3A_169, %add3A_202 : i32
        %dma_wait3A_204 = arith.constant 0 : i32
        %dma_wait3A_205 = tpu.memref_slice %arg8[%add3A_203, %dma_wait3A_204] : memref<50x40xi32, #tpu.memory_space<vmem>> -> memref<1x40xi32, #tpu.memory_space<vmem>>
        %dma_wait3A_206 = tpu.memref_squeeze %dma_wait3A_205 : memref<1x40xi32, #tpu.memory_space<vmem>> -> memref<40xi32, #tpu.memory_space<vmem>>
        %dma_wait3A_207 = arith.constant 0 : i32
        %dma_wait3A_208 = arith.constant 0 : i32
        %dma_wait3A_209 = tpu.memref_slice %arg2[%dma_wait3A_207, %dma_wait3A_208] : memref<10000x128xf32, #tpu.memory_space<hbm>> -> memref<10000x128xf32, #tpu.memory_space<hbm>>
        tpu.wait_indirect_dma semaphore(%arg18 : memref<!tpu.dma_semaphore, #tpu.memory_space<semaphore_mem>>) src(%dma_wait3A_209 : memref<10000x128xf32, #tpu.memory_space<hbm>>) dst(%arg12 : memref<40x128xf32, #tpu.memory_space<vmem>>)
        %add3A_210 = arith.constant 2 : i32
        %add3A_211 = arith.addi %add3A_169, %add3A_210 : i32
        %dma_start3A_212 = arith.constant 0 : i32
        %dma_start3A_213 = tpu.memref_slice %arg9[%add3A_211, %dma_start3A_212] : memref<50x40xi32, #tpu.memory_space<vmem>> -> memref<1x40xi32, #tpu.memory_space<vmem>>
        %dma_start3A_214 = tpu.memref_squeeze %dma_start3A_213 : memref<1x40xi32, #tpu.memory_space<vmem>> -> memref<40xi32, #tpu.memory_space<vmem>>
        %dma_start3A_215 = arith.constant 0 : i32
        %dma_start3A_216 = arith.constant 0 : i32
        %dma_start3A_217 = tpu.memref_slice %arg15[%dma_start3A_215, %dma_start3A_216] : memref<10240x128xf32, #tpu.memory_space<vmem_shared>> -> memref<10240x128xf32, #tpu.memory_space<vmem_shared>>
        tpu.enqueue_indirect_dma source(%arg12 : memref<40x128xf32, #tpu.memory_space<vmem>>) target(%dma_start3A_217 : memref<10240x128xf32, #tpu.memory_space<vmem_shared>>) offsets(%dma_start3A_214 : memref<40xi32, #tpu.memory_space<vmem>>) semaphore(%arg23 : memref<!tpu.dma_semaphore, #tpu.memory_space<semaphore_mem>>) {add = true}
        %add3A_218 = arith.constant 3 : i32
        %add3A_219 = arith.addi %add3A_169, %add3A_218 : i32
        %dma_wait3A_220 = arith.constant 0 : i32
        %dma_wait3A_221 = tpu.memref_slice %arg8[%add3A_219, %dma_wait3A_220] : memref<50x40xi32, #tpu.memory_space<vmem>> -> memref<1x40xi32, #tpu.memory_space<vmem>>
        %dma_wait3A_222 = tpu.memref_squeeze %dma_wait3A_221 : memref<1x40xi32, #tpu.memory_space<vmem>> -> memref<40xi32, #tpu.memory_space<vmem>>
        %dma_wait3A_223 = arith.constant 0 : i32
        %dma_wait3A_224 = arith.constant 0 : i32
        %dma_wait3A_225 = tpu.memref_slice %arg2[%dma_wait3A_223, %dma_wait3A_224] : memref<10000x128xf32, #tpu.memory_space<hbm>> -> memref<10000x128xf32, #tpu.memory_space<hbm>>
        tpu.wait_indirect_dma semaphore(%arg19 : memref<!tpu.dma_semaphore, #tpu.memory_space<semaphore_mem>>) src(%dma_wait3A_225 : memref<10000x128xf32, #tpu.memory_space<hbm>>) dst(%arg13 : memref<40x128xf32, #tpu.memory_space<vmem>>)
        %add3A_226 = arith.constant 3 : i32
        %add3A_227 = arith.addi %add3A_169, %add3A_226 : i32
        %dma_start3A_228 = arith.constant 0 : i32
        %dma_start3A_229 = tpu.memref_slice %arg9[%add3A_227, %dma_start3A_228] : memref<50x40xi32, #tpu.memory_space<vmem>> -> memref<1x40xi32, #tpu.memory_space<vmem>>
        %dma_start3A_230 = tpu.memref_squeeze %dma_start3A_229 : memref<1x40xi32, #tpu.memory_space<vmem>> -> memref<40xi32, #tpu.memory_space<vmem>>
        %dma_start3A_231 = arith.constant 0 : i32
        %dma_start3A_232 = arith.constant 0 : i32
        %dma_start3A_233 = tpu.memref_slice %arg15[%dma_start3A_231, %dma_start3A_232] : memref<10240x128xf32, #tpu.memory_space<vmem_shared>> -> memref<10240x128xf32, #tpu.memory_space<vmem_shared>>
        tpu.enqueue_indirect_dma source(%arg13 : memref<40x128xf32, #tpu.memory_space<vmem>>) target(%dma_start3A_233 : memref<10240x128xf32, #tpu.memory_space<vmem_shared>>) offsets(%dma_start3A_230 : memref<40xi32, #tpu.memory_space<vmem>>) semaphore(%arg24 : memref<!tpu.dma_semaphore, #tpu.memory_space<semaphore_mem>>) {add = true}
        %add3A_234 = arith.constant 4 : i32
        %add3A_235 = arith.addi %add3A_169, %add3A_234 : i32
        %dma_wait3A_236 = arith.constant 0 : i32
        %dma_wait3A_237 = tpu.memref_slice %arg8[%add3A_235, %dma_wait3A_236] : memref<50x40xi32, #tpu.memory_space<vmem>> -> memref<1x40xi32, #tpu.memory_space<vmem>>
        %dma_wait3A_238 = tpu.memref_squeeze %dma_wait3A_237 : memref<1x40xi32, #tpu.memory_space<vmem>> -> memref<40xi32, #tpu.memory_space<vmem>>
        %dma_wait3A_239 = arith.constant 0 : i32
        %dma_wait3A_240 = arith.constant 0 : i32
        %dma_wait3A_241 = tpu.memref_slice %arg2[%dma_wait3A_239, %dma_wait3A_240] : memref<10000x128xf32, #tpu.memory_space<hbm>> -> memref<10000x128xf32, #tpu.memory_space<hbm>>
        tpu.wait_indirect_dma semaphore(%arg20 : memref<!tpu.dma_semaphore, #tpu.memory_space<semaphore_mem>>) src(%dma_wait3A_241 : memref<10000x128xf32, #tpu.memory_space<hbm>>) dst(%arg14 : memref<40x128xf32, #tpu.memory_space<vmem>>)
        %add3A_242 = arith.constant 4 : i32
        %add3A_243 = arith.addi %add3A_169, %add3A_242 : i32
        %dma_start3A_244 = arith.constant 0 : i32
        %dma_start3A_245 = tpu.memref_slice %arg9[%add3A_243, %dma_start3A_244] : memref<50x40xi32, #tpu.memory_space<vmem>> -> memref<1x40xi32, #tpu.memory_space<vmem>>
        %dma_start3A_246 = tpu.memref_squeeze %dma_start3A_245 : memref<1x40xi32, #tpu.memory_space<vmem>> -> memref<40xi32, #tpu.memory_space<vmem>>
        %dma_start3A_247 = arith.constant 0 : i32
        %dma_start3A_248 = arith.constant 0 : i32
        %dma_start3A_249 = tpu.memref_slice %arg15[%dma_start3A_247, %dma_start3A_248] : memref<10240x128xf32, #tpu.memory_space<vmem_shared>> -> memref<10240x128xf32, #tpu.memory_space<vmem_shared>>
        tpu.enqueue_indirect_dma source(%arg14 : memref<40x128xf32, #tpu.memory_space<vmem>>) target(%dma_start3A_249 : memref<10240x128xf32, #tpu.memory_space<vmem_shared>>) offsets(%dma_start3A_246 : memref<40xi32, #tpu.memory_space<vmem>>) semaphore(%arg25 : memref<!tpu.dma_semaphore, #tpu.memory_space<semaphore_mem>>) {add = true}
        %add3A_250 = arith.constant 0 : i32
        %add3A_251 = arith.addi %add3A_169, %add3A_250 : i32
        %dma_wait3A_252 = arith.constant 0 : i32
        %dma_wait3A_253 = tpu.memref_slice %arg9[%add3A_251, %dma_wait3A_252] : memref<50x40xi32, #tpu.memory_space<vmem>> -> memref<1x40xi32, #tpu.memory_space<vmem>>
        %dma_wait3A_254 = tpu.memref_squeeze %dma_wait3A_253 : memref<1x40xi32, #tpu.memory_space<vmem>> -> memref<40xi32, #tpu.memory_space<vmem>>
        %dma_wait3A_255 = arith.constant 0 : i32
        %dma_wait3A_256 = arith.constant 0 : i32
        %dma_wait3A_257 = tpu.memref_slice %arg15[%dma_wait3A_255, %dma_wait3A_256] : memref<10240x128xf32, #tpu.memory_space<vmem_shared>> -> memref<10240x128xf32, #tpu.memory_space<vmem_shared>>
        tpu.wait_indirect_dma semaphore(%arg21 : memref<!tpu.dma_semaphore, #tpu.memory_space<semaphore_mem>>) src(%arg10 : memref<40x128xf32, #tpu.memory_space<vmem>>) dst(%dma_wait3A_257 : memref<10240x128xf32, #tpu.memory_space<vmem_shared>>)
        %add3A_258 = arith.constant 5 : i32
        %add3A_259 = arith.addi %add3A_169, %add3A_258 : i32
        %add3A_260 = arith.constant 0 : i32
        %add3A_261 = arith.addi %add3A_259, %add3A_260 : i32
        %dma_start3A_262 = arith.constant 0 : i32
        %dma_start3A_263 = tpu.memref_slice %arg8[%add3A_261, %dma_start3A_262] : memref<50x40xi32, #tpu.memory_space<vmem>> -> memref<1x40xi32, #tpu.memory_space<vmem>>
        %dma_start3A_264 = tpu.memref_squeeze %dma_start3A_263 : memref<1x40xi32, #tpu.memory_space<vmem>> -> memref<40xi32, #tpu.memory_space<vmem>>
        %dma_start3A_265 = arith.constant 0 : i32
        %dma_start3A_266 = arith.constant 0 : i32
        %dma_start3A_267 = tpu.memref_slice %arg2[%dma_start3A_265, %dma_start3A_266] : memref<10000x128xf32, #tpu.memory_space<hbm>> -> memref<10000x128xf32, #tpu.memory_space<hbm>>
        tpu.enqueue_indirect_dma source(%dma_start3A_267 : memref<10000x128xf32, #tpu.memory_space<hbm>>) target(%arg10 : memref<40x128xf32, #tpu.memory_space<vmem>>) offsets(%dma_start3A_264 : memref<40xi32, #tpu.memory_space<vmem>>) semaphore(%arg16 : memref<!tpu.dma_semaphore, #tpu.memory_space<semaphore_mem>>)
        %add3A_268 = arith.constant 1 : i32
        %add3A_269 = arith.addi %add3A_169, %add3A_268 : i32
        %dma_wait3A_270 = arith.constant 0 : i32
        %dma_wait3A_271 = tpu.memref_slice %arg9[%add3A_269, %dma_wait3A_270] : memref<50x40xi32, #tpu.memory_space<vmem>> -> memref<1x40xi32, #tpu.memory_space<vmem>>
        %dma_wait3A_272 = tpu.memref_squeeze %dma_wait3A_271 : memref<1x40xi32, #tpu.memory_space<vmem>> -> memref<40xi32, #tpu.memory_space<vmem>>
        %dma_wait3A_273 = arith.constant 0 : i32
        %dma_wait3A_274 = arith.constant 0 : i32
        %dma_wait3A_275 = tpu.memref_slice %arg15[%dma_wait3A_273, %dma_wait3A_274] : memref<10240x128xf32, #tpu.memory_space<vmem_shared>> -> memref<10240x128xf32, #tpu.memory_space<vmem_shared>>
        tpu.wait_indirect_dma semaphore(%arg22 : memref<!tpu.dma_semaphore, #tpu.memory_space<semaphore_mem>>) src(%arg11 : memref<40x128xf32, #tpu.memory_space<vmem>>) dst(%dma_wait3A_275 : memref<10240x128xf32, #tpu.memory_space<vmem_shared>>)
        %add3A_276 = arith.constant 5 : i32
        %add3A_277 = arith.addi %add3A_169, %add3A_276 : i32
        %add3A_278 = arith.constant 1 : i32
        %add3A_279 = arith.addi %add3A_277, %add3A_278 : i32
        %dma_start3A_280 = arith.constant 0 : i32
        %dma_start3A_281 = tpu.memref_slice %arg8[%add3A_279, %dma_start3A_280] : memref<50x40xi32, #tpu.memory_space<vmem>> -> memref<1x40xi32, #tpu.memory_space<vmem>>
        %dma_start3A_282 = tpu.memref_squeeze %dma_start3A_281 : memref<1x40xi32, #tpu.memory_space<vmem>> -> memref<40xi32, #tpu.memory_space<vmem>>
        %dma_start3A_283 = arith.constant 0 : i32
        %dma_start3A_284 = arith.constant 0 : i32
        %dma_start3A_285 = tpu.memref_slice %arg2[%dma_start3A_283, %dma_start3A_284] : memref<10000x128xf32, #tpu.memory_space<hbm>> -> memref<10000x128xf32, #tpu.memory_space<hbm>>
        tpu.enqueue_indirect_dma source(%dma_start3A_285 : memref<10000x128xf32, #tpu.memory_space<hbm>>) target(%arg11 : memref<40x128xf32, #tpu.memory_space<vmem>>) offsets(%dma_start3A_282 : memref<40xi32, #tpu.memory_space<vmem>>) semaphore(%arg17 : memref<!tpu.dma_semaphore, #tpu.memory_space<semaphore_mem>>)
        %add3A_286 = arith.constant 2 : i32
        %add3A_287 = arith.addi %add3A_169, %add3A_286 : i32
        %dma_wait3A_288 = arith.constant 0 : i32
        %dma_wait3A_289 = tpu.memref_slice %arg9[%add3A_287, %dma_wait3A_288] : memref<50x40xi32, #tpu.memory_space<vmem>> -> memref<1x40xi32, #tpu.memory_space<vmem>>
        %dma_wait3A_290 = tpu.memref_squeeze %dma_wait3A_289 : memref<1x40xi32, #tpu.memory_space<vmem>> -> memref<40xi32, #tpu.memory_space<vmem>>
        %dma_wait3A_291 = arith.constant 0 : i32
        %dma_wait3A_292 = arith.constant 0 : i32
        %dma_wait3A_293 = tpu.memref_slice %arg15[%dma_wait3A_291, %dma_wait3A_292] : memref<10240x128xf32, #tpu.memory_space<vmem_shared>> -> memref<10240x128xf32, #tpu.memory_space<vmem_shared>>
        tpu.wait_indirect_dma semaphore(%arg23 : memref<!tpu.dma_semaphore, #tpu.memory_space<semaphore_mem>>) src(%arg12 : memref<40x128xf32, #tpu.memory_space<vmem>>) dst(%dma_wait3A_293 : memref<10240x128xf32, #tpu.memory_space<vmem_shared>>)
        %add3A_294 = arith.constant 5 : i32
        %add3A_295 = arith.addi %add3A_169, %add3A_294 : i32
        %add3A_296 = arith.constant 2 : i32
        %add3A_297 = arith.addi %add3A_295, %add3A_296 : i32
        %dma_start3A_298 = arith.constant 0 : i32
        %dma_start3A_299 = tpu.memref_slice %arg8[%add3A_297, %dma_start3A_298] : memref<50x40xi32, #tpu.memory_space<vmem>> -> memref<1x40xi32, #tpu.memory_space<vmem>>
        %dma_start3A_300 = tpu.memref_squeeze %dma_start3A_299 : memref<1x40xi32, #tpu.memory_space<vmem>> -> memref<40xi32, #tpu.memory_space<vmem>>
        %dma_start3A_301 = arith.constant 0 : i32
        %dma_start3A_302 = arith.constant 0 : i32
        %dma_start3A_303 = tpu.memref_slice %arg2[%dma_start3A_301, %dma_start3A_302] : memref<10000x128xf32, #tpu.memory_space<hbm>> -> memref<10000x128xf32, #tpu.memory_space<hbm>>
        tpu.enqueue_indirect_dma source(%dma_start3A_303 : memref<10000x128xf32, #tpu.memory_space<hbm>>) target(%arg12 : memref<40x128xf32, #tpu.memory_space<vmem>>) offsets(%dma_start3A_300 : memref<40xi32, #tpu.memory_space<vmem>>) semaphore(%arg18 : memref<!tpu.dma_semaphore, #tpu.memory_space<semaphore_mem>>)
        %add3A_304 = arith.constant 3 : i32
        %add3A_305 = arith.addi %add3A_169, %add3A_304 : i32
        %dma_wait3A_306 = arith.constant 0 : i32
        %dma_wait3A_307 = tpu.memref_slice %arg9[%add3A_305, %dma_wait3A_306] : memref<50x40xi32, #tpu.memory_space<vmem>> -> memref<1x40xi32, #tpu.memory_space<vmem>>
        %dma_wait3A_308 = tpu.memref_squeeze %dma_wait3A_307 : memref<1x40xi32, #tpu.memory_space<vmem>> -> memref<40xi32, #tpu.memory_space<vmem>>
        %dma_wait3A_309 = arith.constant 0 : i32
        %dma_wait3A_310 = arith.constant 0 : i32
        %dma_wait3A_311 = tpu.memref_slice %arg15[%dma_wait3A_309, %dma_wait3A_310] : memref<10240x128xf32, #tpu.memory_space<vmem_shared>> -> memref<10240x128xf32, #tpu.memory_space<vmem_shared>>
        tpu.wait_indirect_dma semaphore(%arg24 : memref<!tpu.dma_semaphore, #tpu.memory_space<semaphore_mem>>) src(%arg13 : memref<40x128xf32, #tpu.memory_space<vmem>>) dst(%dma_wait3A_311 : memref<10240x128xf32, #tpu.memory_space<vmem_shared>>)
        %add3A_312 = arith.constant 5 : i32
        %add3A_313 = arith.addi %add3A_169, %add3A_312 : i32
        %add3A_314 = arith.constant 3 : i32
        %add3A_315 = arith.addi %add3A_313, %add3A_314 : i32
        %dma_start3A_316 = arith.constant 0 : i32
        %dma_start3A_317 = tpu.memref_slice %arg8[%add3A_315, %dma_start3A_316] : memref<50x40xi32, #tpu.memory_space<vmem>> -> memref<1x40xi32, #tpu.memory_space<vmem>>
        %dma_start3A_318 = tpu.memref_squeeze %dma_start3A_317 : memref<1x40xi32, #tpu.memory_space<vmem>> -> memref<40xi32, #tpu.memory_space<vmem>>
        %dma_start3A_319 = arith.constant 0 : i32
        %dma_start3A_320 = arith.constant 0 : i32
        %dma_start3A_321 = tpu.memref_slice %arg2[%dma_start3A_319, %dma_start3A_320] : memref<10000x128xf32, #tpu.memory_space<hbm>> -> memref<10000x128xf32, #tpu.memory_space<hbm>>
        tpu.enqueue_indirect_dma source(%dma_start3A_321 : memref<10000x128xf32, #tpu.memory_space<hbm>>) target(%arg13 : memref<40x128xf32, #tpu.memory_space<vmem>>) offsets(%dma_start3A_318 : memref<40xi32, #tpu.memory_space<vmem>>) semaphore(%arg19 : memref<!tpu.dma_semaphore, #tpu.memory_space<semaphore_mem>>)
        %add3A_322 = arith.constant 4 : i32
        %add3A_323 = arith.addi %add3A_169, %add3A_322 : i32
        %dma_wait3A_324 = arith.constant 0 : i32
        %dma_wait3A_325 = tpu.memref_slice %arg9[%add3A_323, %dma_wait3A_324] : memref<50x40xi32, #tpu.memory_space<vmem>> -> memref<1x40xi32, #tpu.memory_space<vmem>>
        %dma_wait3A_326 = tpu.memref_squeeze %dma_wait3A_325 : memref<1x40xi32, #tpu.memory_space<vmem>> -> memref<40xi32, #tpu.memory_space<vmem>>
        %dma_wait3A_327 = arith.constant 0 : i32
        %dma_wait3A_328 = arith.constant 0 : i32
        %dma_wait3A_329 = tpu.memref_slice %arg15[%dma_wait3A_327, %dma_wait3A_328] : memref<10240x128xf32, #tpu.memory_space<vmem_shared>> -> memref<10240x128xf32, #tpu.memory_space<vmem_shared>>
        tpu.wait_indirect_dma semaphore(%arg25 : memref<!tpu.dma_semaphore, #tpu.memory_space<semaphore_mem>>) src(%arg14 : memref<40x128xf32, #tpu.memory_space<vmem>>) dst(%dma_wait3A_329 : memref<10240x128xf32, #tpu.memory_space<vmem_shared>>)
        %add3A_330 = arith.constant 5 : i32
        %add3A_331 = arith.addi %add3A_169, %add3A_330 : i32
        %add3A_332 = arith.constant 4 : i32
        %add3A_333 = arith.addi %add3A_331, %add3A_332 : i32
        %dma_start3A_334 = arith.constant 0 : i32
        %dma_start3A_335 = tpu.memref_slice %arg8[%add3A_333, %dma_start3A_334] : memref<50x40xi32, #tpu.memory_space<vmem>> -> memref<1x40xi32, #tpu.memory_space<vmem>>
        %dma_start3A_336 = tpu.memref_squeeze %dma_start3A_335 : memref<1x40xi32, #tpu.memory_space<vmem>> -> memref<40xi32, #tpu.memory_space<vmem>>
        %dma_start3A_337 = arith.constant 0 : i32
        %dma_start3A_338 = arith.constant 0 : i32
        %dma_start3A_339 = tpu.memref_slice %arg2[%dma_start3A_337, %dma_start3A_338] : memref<10000x128xf32, #tpu.memory_space<hbm>> -> memref<10000x128xf32, #tpu.memory_space<hbm>>
        tpu.enqueue_indirect_dma source(%dma_start3A_339 : memref<10000x128xf32, #tpu.memory_space<hbm>>) target(%arg14 : memref<40x128xf32, #tpu.memory_space<vmem>>) offsets(%dma_start3A_336 : memref<40xi32, #tpu.memory_space<vmem>>) semaphore(%arg20 : memref<!tpu.dma_semaphore, #tpu.memory_space<semaphore_mem>>)
      }
      %scan3A_60 = arith.constant 9 : i32
      %dma_wait3A = arith.constant 45 : i32
      %dma_wait3A_61 = arith.constant 0 : i32
      %dma_wait3A_62 = tpu.memref_slice %arg8[%dma_wait3A, %dma_wait3A_61] : memref<50x40xi32, #tpu.memory_space<vmem>> -> memref<1x40xi32, #tpu.memory_space<vmem>>
      %dma_wait3A_63 = tpu.memref_squeeze %dma_wait3A_62 : memref<1x40xi32, #tpu.memory_space<vmem>> -> memref<40xi32, #tpu.memory_space<vmem>>
      %dma_wait3A_64 = arith.constant 0 : i32
      %dma_wait3A_65 = arith.constant 0 : i32
      %dma_wait3A_66 = tpu.memref_slice %arg2[%dma_wait3A_64, %dma_wait3A_65] : memref<10000x128xf32, #tpu.memory_space<hbm>> -> memref<10000x128xf32, #tpu.memory_space<hbm>>
      tpu.wait_indirect_dma semaphore(%arg16 : memref<!tpu.dma_semaphore, #tpu.memory_space<semaphore_mem>>) src(%dma_wait3A_66 : memref<10000x128xf32, #tpu.memory_space<hbm>>) dst(%arg10 : memref<40x128xf32, #tpu.memory_space<vmem>>)
      %dma_start3A_67 = arith.constant 45 : i32
      %dma_start3A_68 = arith.constant 0 : i32
      %dma_start3A_69 = tpu.memref_slice %arg9[%dma_start3A_67, %dma_start3A_68] : memref<50x40xi32, #tpu.memory_space<vmem>> -> memref<1x40xi32, #tpu.memory_space<vmem>>
      %dma_start3A_70 = tpu.memref_squeeze %dma_start3A_69 : memref<1x40xi32, #tpu.memory_space<vmem>> -> memref<40xi32, #tpu.memory_space<vmem>>
      %dma_start3A_71 = arith.constant 0 : i32
      %dma_start3A_72 = arith.constant 0 : i32
      %dma_start3A_73 = tpu.memref_slice %arg15[%dma_start3A_71, %dma_start3A_72] : memref<10240x128xf32, #tpu.memory_space<vmem_shared>> -> memref<10240x128xf32, #tpu.memory_space<vmem_shared>>
      tpu.enqueue_indirect_dma source(%arg10 : memref<40x128xf32, #tpu.memory_space<vmem>>) target(%dma_start3A_73 : memref<10240x128xf32, #tpu.memory_space<vmem_shared>>) offsets(%dma_start3A_70 : memref<40xi32, #tpu.memory_space<vmem>>) semaphore(%arg21 : memref<!tpu.dma_semaphore, #tpu.memory_space<semaphore_mem>>) {add = true}
      %dma_wait3A_74 = arith.constant 46 : i32
      %dma_wait3A_75 = arith.constant 0 : i32
      %dma_wait3A_76 = tpu.memref_slice %arg8[%dma_wait3A_74, %dma_wait3A_75] : memref<50x40xi32, #tpu.memory_space<vmem>> -> memref<1x40xi32, #tpu.memory_space<vmem>>
      %dma_wait3A_77 = tpu.memref_squeeze %dma_wait3A_76 : memref<1x40xi32, #tpu.memory_space<vmem>> -> memref<40xi32, #tpu.memory_space<vmem>>
      %dma_wait3A_78 = arith.constant 0 : i32
      %dma_wait3A_79 = arith.constant 0 : i32
      %dma_wait3A_80 = tpu.memref_slice %arg2[%dma_wait3A_78, %dma_wait3A_79] : memref<10000x128xf32, #tpu.memory_space<hbm>> -> memref<10000x128xf32, #tpu.memory_space<hbm>>
      tpu.wait_indirect_dma semaphore(%arg17 : memref<!tpu.dma_semaphore, #tpu.memory_space<semaphore_mem>>) src(%dma_wait3A_80 : memref<10000x128xf32, #tpu.memory_space<hbm>>) dst(%arg11 : memref<40x128xf32, #tpu.memory_space<vmem>>)
      %dma_start3A_81 = arith.constant 46 : i32
      %dma_start3A_82 = arith.constant 0 : i32
      %dma_start3A_83 = tpu.memref_slice %arg9[%dma_start3A_81, %dma_start3A_82] : memref<50x40xi32, #tpu.memory_space<vmem>> -> memref<1x40xi32, #tpu.memory_space<vmem>>
      %dma_start3A_84 = tpu.memref_squeeze %dma_start3A_83 : memref<1x40xi32, #tpu.memory_space<vmem>> -> memref<40xi32, #tpu.memory_space<vmem>>
      %dma_start3A_85 = arith.constant 0 : i32
      %dma_start3A_86 = arith.constant 0 : i32
      %dma_start3A_87 = tpu.memref_slice %arg15[%dma_start3A_85, %dma_start3A_86] : memref<10240x128xf32, #tpu.memory_space<vmem_shared>> -> memref<10240x128xf32, #tpu.memory_space<vmem_shared>>
      tpu.enqueue_indirect_dma source(%arg11 : memref<40x128xf32, #tpu.memory_space<vmem>>) target(%dma_start3A_87 : memref<10240x128xf32, #tpu.memory_space<vmem_shared>>) offsets(%dma_start3A_84 : memref<40xi32, #tpu.memory_space<vmem>>) semaphore(%arg22 : memref<!tpu.dma_semaphore, #tpu.memory_space<semaphore_mem>>) {add = true}
      %dma_wait3A_88 = arith.constant 47 : i32
      %dma_wait3A_89 = arith.constant 0 : i32
      %dma_wait3A_90 = tpu.memref_slice %arg8[%dma_wait3A_88, %dma_wait3A_89] : memref<50x40xi32, #tpu.memory_space<vmem>> -> memref<1x40xi32, #tpu.memory_space<vmem>>
      %dma_wait3A_91 = tpu.memref_squeeze %dma_wait3A_90 : memref<1x40xi32, #tpu.memory_space<vmem>> -> memref<40xi32, #tpu.memory_space<vmem>>
      %dma_wait3A_92 = arith.constant 0 : i32
      %dma_wait3A_93 = arith.constant 0 : i32
      %dma_wait3A_94 = tpu.memref_slice %arg2[%dma_wait3A_92, %dma_wait3A_93] : memref<10000x128xf32, #tpu.memory_space<hbm>> -> memref<10000x128xf32, #tpu.memory_space<hbm>>
      tpu.wait_indirect_dma semaphore(%arg18 : memref<!tpu.dma_semaphore, #tpu.memory_space<semaphore_mem>>) src(%dma_wait3A_94 : memref<10000x128xf32, #tpu.memory_space<hbm>>) dst(%arg12 : memref<40x128xf32, #tpu.memory_space<vmem>>)
      %dma_start3A_95 = arith.constant 47 : i32
      %dma_start3A_96 = arith.constant 0 : i32
      %dma_start3A_97 = tpu.memref_slice %arg9[%dma_start3A_95, %dma_start3A_96] : memref<50x40xi32, #tpu.memory_space<vmem>> -> memref<1x40xi32, #tpu.memory_space<vmem>>
      %dma_start3A_98 = tpu.memref_squeeze %dma_start3A_97 : memref<1x40xi32, #tpu.memory_space<vmem>> -> memref<40xi32, #tpu.memory_space<vmem>>
      %dma_start3A_99 = arith.constant 0 : i32
      %dma_start3A_100 = arith.constant 0 : i32
      %dma_start3A_101 = tpu.memref_slice %arg15[%dma_start3A_99, %dma_start3A_100] : memref<10240x128xf32, #tpu.memory_space<vmem_shared>> -> memref<10240x128xf32, #tpu.memory_space<vmem_shared>>
      tpu.enqueue_indirect_dma source(%arg12 : memref<40x128xf32, #tpu.memory_space<vmem>>) target(%dma_start3A_101 : memref<10240x128xf32, #tpu.memory_space<vmem_shared>>) offsets(%dma_start3A_98 : memref<40xi32, #tpu.memory_space<vmem>>) semaphore(%arg23 : memref<!tpu.dma_semaphore, #tpu.memory_space<semaphore_mem>>) {add = true}
      %dma_wait3A_102 = arith.constant 48 : i32
      %dma_wait3A_103 = arith.constant 0 : i32
      %dma_wait3A_104 = tpu.memref_slice %arg8[%dma_wait3A_102, %dma_wait3A_103] : memref<50x40xi32, #tpu.memory_space<vmem>> -> memref<1x40xi32, #tpu.memory_space<vmem>>
      %dma_wait3A_105 = tpu.memref_squeeze %dma_wait3A_104 : memref<1x40xi32, #tpu.memory_space<vmem>> -> memref<40xi32, #tpu.memory_space<vmem>>
      %dma_wait3A_106 = arith.constant 0 : i32
      %dma_wait3A_107 = arith.constant 0 : i32
      %dma_wait3A_108 = tpu.memref_slice %arg2[%dma_wait3A_106, %dma_wait3A_107] : memref<10000x128xf32, #tpu.memory_space<hbm>> -> memref<10000x128xf32, #tpu.memory_space<hbm>>
      tpu.wait_indirect_dma semaphore(%arg19 : memref<!tpu.dma_semaphore, #tpu.memory_space<semaphore_mem>>) src(%dma_wait3A_108 : memref<10000x128xf32, #tpu.memory_space<hbm>>) dst(%arg13 : memref<40x128xf32, #tpu.memory_space<vmem>>)
      %dma_start3A_109 = arith.constant 48 : i32
      %dma_start3A_110 = arith.constant 0 : i32
      %dma_start3A_111 = tpu.memref_slice %arg9[%dma_start3A_109, %dma_start3A_110] : memref<50x40xi32, #tpu.memory_space<vmem>> -> memref<1x40xi32, #tpu.memory_space<vmem>>
      %dma_start3A_112 = tpu.memref_squeeze %dma_start3A_111 : memref<1x40xi32, #tpu.memory_space<vmem>> -> memref<40xi32, #tpu.memory_space<vmem>>
      %dma_start3A_113 = arith.constant 0 : i32
      %dma_start3A_114 = arith.constant 0 : i32
      %dma_start3A_115 = tpu.memref_slice %arg15[%dma_start3A_113, %dma_start3A_114] : memref<10240x128xf32, #tpu.memory_space<vmem_shared>> -> memref<10240x128xf32, #tpu.memory_space<vmem_shared>>
      tpu.enqueue_indirect_dma source(%arg13 : memref<40x128xf32, #tpu.memory_space<vmem>>) target(%dma_start3A_115 : memref<10240x128xf32, #tpu.memory_space<vmem_shared>>) offsets(%dma_start3A_112 : memref<40xi32, #tpu.memory_space<vmem>>) semaphore(%arg24 : memref<!tpu.dma_semaphore, #tpu.memory_space<semaphore_mem>>) {add = true}
      %dma_wait3A_116 = arith.constant 49 : i32
      %dma_wait3A_117 = arith.constant 0 : i32
      %dma_wait3A_118 = tpu.memref_slice %arg8[%dma_wait3A_116, %dma_wait3A_117] : memref<50x40xi32, #tpu.memory_space<vmem>> -> memref<1x40xi32, #tpu.memory_space<vmem>>
      %dma_wait3A_119 = tpu.memref_squeeze %dma_wait3A_118 : memref<1x40xi32, #tpu.memory_space<vmem>> -> memref<40xi32, #tpu.memory_space<vmem>>
      %dma_wait3A_120 = arith.constant 0 : i32
      %dma_wait3A_121 = arith.constant 0 : i32
      %dma_wait3A_122 = tpu.memref_slice %arg2[%dma_wait3A_120, %dma_wait3A_121] : memref<10000x128xf32, #tpu.memory_space<hbm>> -> memref<10000x128xf32, #tpu.memory_space<hbm>>
      tpu.wait_indirect_dma semaphore(%arg20 : memref<!tpu.dma_semaphore, #tpu.memory_space<semaphore_mem>>) src(%dma_wait3A_122 : memref<10000x128xf32, #tpu.memory_space<hbm>>) dst(%arg14 : memref<40x128xf32, #tpu.memory_space<vmem>>)
      %dma_start3A_123 = arith.constant 49 : i32
      %dma_start3A_124 = arith.constant 0 : i32
      %dma_start3A_125 = tpu.memref_slice %arg9[%dma_start3A_123, %dma_start3A_124] : memref<50x40xi32, #tpu.memory_space<vmem>> -> memref<1x40xi32, #tpu.memory_space<vmem>>
      %dma_start3A_126 = tpu.memref_squeeze %dma_start3A_125 : memref<1x40xi32, #tpu.memory_space<vmem>> -> memref<40xi32, #tpu.memory_space<vmem>>
      %dma_start3A_127 = arith.constant 0 : i32
      %dma_start3A_128 = arith.constant 0 : i32
      %dma_start3A_129 = tpu.memref_slice %arg15[%dma_start3A_127, %dma_start3A_128] : memref<10240x128xf32, #tpu.memory_space<vmem_shared>> -> memref<10240x128xf32, #tpu.memory_space<vmem_shared>>
      tpu.enqueue_indirect_dma source(%arg14 : memref<40x128xf32, #tpu.memory_space<vmem>>) target(%dma_start3A_129 : memref<10240x128xf32, #tpu.memory_space<vmem_shared>>) offsets(%dma_start3A_126 : memref<40xi32, #tpu.memory_space<vmem>>) semaphore(%arg25 : memref<!tpu.dma_semaphore, #tpu.memory_space<semaphore_mem>>) {add = true}
      %dma_wait3A_130 = arith.constant 45 : i32
      %dma_wait3A_131 = arith.constant 0 : i32
      %dma_wait3A_132 = tpu.memref_slice %arg9[%dma_wait3A_130, %dma_wait3A_131] : memref<50x40xi32, #tpu.memory_space<vmem>> -> memref<1x40xi32, #tpu.memory_space<vmem>>
      %dma_wait3A_133 = tpu.memref_squeeze %dma_wait3A_132 : memref<1x40xi32, #tpu.memory_space<vmem>> -> memref<40xi32, #tpu.memory_space<vmem>>
      %dma_wait3A_134 = arith.constant 0 : i32
      %dma_wait3A_135 = arith.constant 0 : i32
      %dma_wait3A_136 = tpu.memref_slice %arg15[%dma_wait3A_134, %dma_wait3A_135] : memref<10240x128xf32, #tpu.memory_space<vmem_shared>> -> memref<10240x128xf32, #tpu.memory_space<vmem_shared>>
      tpu.wait_indirect_dma semaphore(%arg21 : memref<!tpu.dma_semaphore, #tpu.memory_space<semaphore_mem>>) src(%arg10 : memref<40x128xf32, #tpu.memory_space<vmem>>) dst(%dma_wait3A_136 : memref<10240x128xf32, #tpu.memory_space<vmem_shared>>)
      %dma_wait3A_137 = arith.constant 46 : i32
      %dma_wait3A_138 = arith.constant 0 : i32
      %dma_wait3A_139 = tpu.memref_slice %arg9[%dma_wait3A_137, %dma_wait3A_138] : memref<50x40xi32, #tpu.memory_space<vmem>> -> memref<1x40xi32, #tpu.memory_space<vmem>>
      %dma_wait3A_140 = tpu.memref_squeeze %dma_wait3A_139 : memref<1x40xi32, #tpu.memory_space<vmem>> -> memref<40xi32, #tpu.memory_space<vmem>>
      %dma_wait3A_141 = arith.constant 0 : i32
      %dma_wait3A_142 = arith.constant 0 : i32
      %dma_wait3A_143 = tpu.memref_slice %arg15[%dma_wait3A_141, %dma_wait3A_142] : memref<10240x128xf32, #tpu.memory_space<vmem_shared>> -> memref<10240x128xf32, #tpu.memory_space<vmem_shared>>
      tpu.wait_indirect_dma semaphore(%arg22 : memref<!tpu.dma_semaphore, #tpu.memory_space<semaphore_mem>>) src(%arg11 : memref<40x128xf32, #tpu.memory_space<vmem>>) dst(%dma_wait3A_143 : memref<10240x128xf32, #tpu.memory_space<vmem_shared>>)
      %dma_wait3A_144 = arith.constant 47 : i32
      %dma_wait3A_145 = arith.constant 0 : i32
      %dma_wait3A_146 = tpu.memref_slice %arg9[%dma_wait3A_144, %dma_wait3A_145] : memref<50x40xi32, #tpu.memory_space<vmem>> -> memref<1x40xi32, #tpu.memory_space<vmem>>
      %dma_wait3A_147 = tpu.memref_squeeze %dma_wait3A_146 : memref<1x40xi32, #tpu.memory_space<vmem>> -> memref<40xi32, #tpu.memory_space<vmem>>
      %dma_wait3A_148 = arith.constant 0 : i32
      %dma_wait3A_149 = arith.constant 0 : i32
      %dma_wait3A_150 = tpu.memref_slice %arg15[%dma_wait3A_148, %dma_wait3A_149] : memref<10240x128xf32, #tpu.memory_space<vmem_shared>> -> memref<10240x128xf32, #tpu.memory_space<vmem_shared>>
      tpu.wait_indirect_dma semaphore(%arg23 : memref<!tpu.dma_semaphore, #tpu.memory_space<semaphore_mem>>) src(%arg12 : memref<40x128xf32, #tpu.memory_space<vmem>>) dst(%dma_wait3A_150 : memref<10240x128xf32, #tpu.memory_space<vmem_shared>>)
      %dma_wait3A_151 = arith.constant 48 : i32
      %dma_wait3A_152 = arith.constant 0 : i32
      %dma_wait3A_153 = tpu.memref_slice %arg9[%dma_wait3A_151, %dma_wait3A_152] : memref<50x40xi32, #tpu.memory_space<vmem>> -> memref<1x40xi32, #tpu.memory_space<vmem>>
      %dma_wait3A_154 = tpu.memref_squeeze %dma_wait3A_153 : memref<1x40xi32, #tpu.memory_space<vmem>> -> memref<40xi32, #tpu.memory_space<vmem>>
      %dma_wait3A_155 = arith.constant 0 : i32
      %dma_wait3A_156 = arith.constant 0 : i32
      %dma_wait3A_157 = tpu.memref_slice %arg15[%dma_wait3A_155, %dma_wait3A_156] : memref<10240x128xf32, #tpu.memory_space<vmem_shared>> -> memref<10240x128xf32, #tpu.memory_space<vmem_shared>>
      tpu.wait_indirect_dma semaphore(%arg24 : memref<!tpu.dma_semaphore, #tpu.memory_space<semaphore_mem>>) src(%arg13 : memref<40x128xf32, #tpu.memory_space<vmem>>) dst(%dma_wait3A_157 : memref<10240x128xf32, #tpu.memory_space<vmem_shared>>)
      %dma_wait3A_158 = arith.constant 49 : i32
      %dma_wait3A_159 = arith.constant 0 : i32
      %dma_wait3A_160 = tpu.memref_slice %arg9[%dma_wait3A_158, %dma_wait3A_159] : memref<50x40xi32, #tpu.memory_space<vmem>> -> memref<1x40xi32, #tpu.memory_space<vmem>>
      %dma_wait3A_161 = tpu.memref_squeeze %dma_wait3A_160 : memref<1x40xi32, #tpu.memory_space<vmem>> -> memref<40xi32, #tpu.memory_space<vmem>>
      %dma_wait3A_162 = arith.constant 0 : i32
      %dma_wait3A_163 = arith.constant 0 : i32
      %dma_wait3A_164 = tpu.memref_slice %arg15[%dma_wait3A_162, %dma_wait3A_163] : memref<10240x128xf32, #tpu.memory_space<vmem_shared>> -> memref<10240x128xf32, #tpu.memory_space<vmem_shared>>
      tpu.wait_indirect_dma semaphore(%arg25 : memref<!tpu.dma_semaphore, #tpu.memory_space<semaphore_mem>>) src(%arg14 : memref<40x128xf32, #tpu.memory_space<vmem>>) dst(%dma_wait3A_164 : memref<10240x128xf32, #tpu.memory_space<vmem_shared>>)
    }
    %scan3A_6 = arith.constant 5 : i32
    %barrier3A_7 = arith.constant 0 : index
    tpu.barrier barrier_id(%barrier3A_7)
    %mul3A_8 = arith.constant 640 : i32
    %mul3A_9 = arith.muli %arg1, %mul3A_8 : i32
    %eq3A = arith.constant 0 : i32
    %eq3A_10 = arith.cmpi eq, %arg0, %eq3A : i32
    %convert_element_type3A = arith.extui %eq3A_10 : i1 to i32
    %cond3A = arith.constant 0 : i32
    %cond3A_11 = arith.cmpi ne, %convert_element_type3A, %cond3A : i32
    scf.if %cond3A_11 {
      "tpu.region"() ({
        %run_scoped3A = tpu.sem_alloc : memref<!tpu.dma_semaphore, #tpu.memory_space<semaphore_mem>>
        %dma_start3A = arith.constant 0 : i32
        %dma_start3A_17 = tpu.memref_slice %arg6[%mul3A_9, %dma_start3A] : memref<10240x128xf32, #tpu.memory_space<hbm>> -> memref<640x128xf32, #tpu.memory_space<hbm>>
        %dma_start3A_18 = arith.constant 0 : i32
        %dma_start3A_19 = tpu.memref_slice %arg15[%mul3A_9, %dma_start3A_18] : memref<10240x128xf32, #tpu.memory_space<vmem_shared>> -> memref<640x128xf32, #tpu.memory_space<vmem_shared>>
        tpu.enqueue_dma source(%dma_start3A_19 : memref<640x128xf32, #tpu.memory_space<vmem_shared>>) target(%dma_start3A_17 : memref<640x128xf32, #tpu.memory_space<hbm>>) target_semaphore(%run_scoped3A : memref<!tpu.dma_semaphore, #tpu.memory_space<semaphore_mem>>)
        %dma_wait3A = arith.constant 0 : i32
        %dma_wait3A_20 = tpu.memref_slice %arg6[%mul3A_9, %dma_wait3A] : memref<10240x128xf32, #tpu.memory_space<hbm>> -> memref<640x128xf32, #tpu.memory_space<hbm>>
        %dma_wait3A_21 = arith.constant 0 : i32
        %dma_wait3A_22 = tpu.memref_slice %arg15[%mul3A_9, %dma_wait3A_21] : memref<10240x128xf32, #tpu.memory_space<vmem_shared>> -> memref<640x128xf32, #tpu.memory_space<vmem_shared>>
        tpu.wait_dma2 semaphore(%run_scoped3A : memref<!tpu.dma_semaphore, #tpu.memory_space<semaphore_mem>>) src(%dma_wait3A_22 : memref<640x128xf32, #tpu.memory_space<vmem_shared>>) dst(%dma_wait3A_20 : memref<640x128xf32, #tpu.memory_space<hbm>>)
        tpu.yield
      }) : () -> ()
    } else {
    }
    %eq3A_12 = arith.constant 1 : i32
    %eq3A_13 = arith.cmpi eq, %arg0, %eq3A_12 : i32
    %convert_element_type3A_14 = arith.extui %eq3A_13 : i1 to i32
    %cond3A_15 = arith.constant 0 : i32
    %cond3A_16 = arith.cmpi ne, %convert_element_type3A_14, %cond3A_15 : i32
    scf.if %cond3A_16 {
      "tpu.region"() ({
        %run_scoped3A = tpu.sem_alloc : memref<!tpu.dma_semaphore, #tpu.memory_space<semaphore_mem>>
        %dma_start3A = arith.constant 0 : i32
        %dma_start3A_17 = tpu.memref_slice %arg7[%mul3A_9, %dma_start3A] : memref<10240x128xf32, #tpu.memory_space<hbm>> -> memref<640x128xf32, #tpu.memory_space<hbm>>
        %dma_start3A_18 = arith.constant 0 : i32
        %dma_start3A_19 = tpu.memref_slice %arg15[%mul3A_9, %dma_start3A_18] : memref<10240x128xf32, #tpu.memory_space<vmem_shared>> -> memref<640x128xf32, #tpu.memory_space<vmem_shared>>
        tpu.enqueue_dma source(%dma_start3A_19 : memref<640x128xf32, #tpu.memory_space<vmem_shared>>) target(%dma_start3A_17 : memref<640x128xf32, #tpu.memory_space<hbm>>) target_semaphore(%run_scoped3A : memref<!tpu.dma_semaphore, #tpu.memory_space<semaphore_mem>>)
        %dma_wait3A = arith.constant 0 : i32
        %dma_wait3A_20 = tpu.memref_slice %arg7[%mul3A_9, %dma_wait3A] : memref<10240x128xf32, #tpu.memory_space<hbm>> -> memref<640x128xf32, #tpu.memory_space<hbm>>
        %dma_wait3A_21 = arith.constant 0 : i32
        %dma_wait3A_22 = tpu.memref_slice %arg15[%mul3A_9, %dma_wait3A_21] : memref<10240x128xf32, #tpu.memory_space<vmem_shared>> -> memref<640x128xf32, #tpu.memory_space<vmem_shared>>
        tpu.wait_dma2 semaphore(%run_scoped3A : memref<!tpu.dma_semaphore, #tpu.memory_space<semaphore_mem>>) src(%dma_wait3A_22 : memref<640x128xf32, #tpu.memory_space<vmem_shared>>) dst(%dma_wait3A_20 : memref<640x128xf32, #tpu.memory_space<hbm>>)
        tpu.yield
      }) : () -> ()
    } else {
    }
    return
  }
}

module attributes {stable_mosaic.version = 14 : i64} {
  func.func @_mm_scale_body(%arg0: i32, %arg1: memref<1000x128xf32, #tpu.memory_space<vmem>>, %arg2: memref<128x128xf32, #tpu.memory_space<vmem>>, %arg3: memref<1000x32xf32, #tpu.memory_space<vmem>>, %arg4: memref<1000x128xf32, #tpu.memory_space<vmem>>, %arg5: memref<1000x128xf32, #tpu.memory_space<vmem>>) attributes {dimension_semantics = [#tpu.dimension_semantics<arbitrary>], iteration_bounds = array<i64: 10>, scalar_prefetch = 0 : i64, scratch_operands = 0 : i64, tpu.core_type = #tpu.core_type<tc>, window_params = [{transform_indices = @transform_0, window_bounds = array<i64: 1000, 128>}, {pipeline_mode = #tpu.pipeline_mode<synchronous>, transform_indices = @transform_1, window_bounds = array<i64: 128, 128>}, {transform_indices = @transform_2, window_bounds = array<i64: 1000, 32>}, {transform_indices = @transform_3, window_bounds = array<i64: 1000, 128>}, {transform_indices = @transform_4, window_bounds = array<i64: 1000, 128>}]} {
    %get3A = arith.constant 0 : index
    %get3A_0 = arith.constant 0 : index
    %get3A_1 = vector.load %arg3[%get3A, %get3A_0] : memref<1000x32xf32, #tpu.memory_space<vmem>>, vector<1000x32xf32>
    %reduce_sum3A = arith.constant dense<0.000000e+00> : vector<1000xf32>
    %reduce_sum3A_2 = vector.multi_reduction <add>, %get3A_1, %reduce_sum3A [1] : vector<1000x32xf32> to vector<1000xf32>
    %broadcast_in_dim3A = vector.shape_cast %reduce_sum3A_2 : vector<1000xf32> to vector<1000x1xf32>
    %add3A = arith.constant 1.000000e+00 : f32
    %add3A_3 = vector.broadcast %add3A : f32 to vector<1000x1xf32>
    %add3A_4 = arith.addf %broadcast_in_dim3A, %add3A_3 : vector<1000x1xf32>
    %rsqrt3A = math.rsqrt %add3A_4 : vector<1000x1xf32>
    %broadcast_in_dim3A_5 = vector.shape_cast %rsqrt3A : vector<1000x1xf32> to vector<1000x1xf32>
    %broadcast_in_dim3A_6 = vector.broadcast %broadcast_in_dim3A_5 : vector<1000x1xf32> to vector<1000x128xf32>
    %swap3A = arith.constant 0 : index
    %swap3A_7 = arith.constant 0 : index
    %swap3A_8 = vector.load %arg5[%swap3A, %swap3A_7] : memref<1000x128xf32, #tpu.memory_space<vmem>>, vector<1000x128xf32>
    tpu.vector_store %arg5[%swap3A, %swap3A_7], %broadcast_in_dim3A_6 {strides = array<i32>} : memref<1000x128xf32, #tpu.memory_space<vmem>>, vector<1000x128xf32>,
    %get3A_9 = arith.constant 0 : index
    %get3A_10 = arith.constant 0 : index
    %get3A_11 = vector.load %arg1[%get3A_9, %get3A_10] : memref<1000x128xf32, #tpu.memory_space<vmem>>, vector<1000x128xf32>
    %get3A_12 = arith.constant 0 : index
    %get3A_13 = arith.constant 0 : index
    %get3A_14 = vector.load %arg2[%get3A_12, %get3A_13] : memref<128x128xf32, #tpu.memory_space<vmem>>, vector<128x128xf32>
    %dot_general3A = arith.constant dense<0.000000e+00> : vector<1000x128xf32>
    %dot_general3A_15 = tpu.matmul %get3A_11, %get3A_14, %dot_general3A {dimension_numbers = #tpu.dot_dimension_numbers<[1], [0], [0], [1], [0, 0, 1, 1], [], []>, transpose_lhs_hint = false} : vector<1000x128xf32>, vector<128x128xf32>, vector<1000x128xf32> -> vector<1000x128xf32>
    %mul3A = arith.mulf %dot_general3A_15, %broadcast_in_dim3A_6 : vector<1000x128xf32>
    %swap3A_16 = arith.constant 0 : index
    %swap3A_17 = arith.constant 0 : index
    %swap3A_18 = vector.load %arg4[%swap3A_16, %swap3A_17] : memref<1000x128xf32, #tpu.memory_space<vmem>>, vector<1000x128xf32>
    tpu.vector_store %arg4[%swap3A_16, %swap3A_17], %mul3A {strides = array<i32>} : memref<1000x128xf32, #tpu.memory_space<vmem>>, vector<1000x128xf32>,
    return
  }
  func.func @transform_0(%arg0: i32) -> (i32, i32) {
    %c0_i32 = arith.constant 0 : i32
    %c0_i32_0 = arith.constant 0 : i32
    return %arg0, %c0_i32 : i32, i32
  }
  func.func @transform_1(%arg0: i32) -> (i32, i32) {
    %c0_i32 = arith.constant 0 : i32
    %c0_i32_0 = arith.constant 0 : i32
    %c0_i32_1 = arith.constant 0 : i32
    return %c0_i32, %c0_i32_0 : i32, i32
  }
  func.func @transform_2(%arg0: i32) -> (i32, i32) {
    %c0_i32 = arith.constant 0 : i32
    %c0_i32_0 = arith.constant 0 : i32
    return %arg0, %c0_i32 : i32, i32
  }
  func.func @transform_3(%arg0: i32) -> (i32, i32) {
    %c0_i32 = arith.constant 0 : i32
    %c0_i32_0 = arith.constant 0 : i32
    return %arg0, %c0_i32 : i32, i32
  }
  func.func @transform_4(%arg0: i32) -> (i32, i32) {
    %c0_i32 = arith.constant 0 : i32
    %c0_i32_0 = arith.constant 0 : i32
    return %arg0, %c0_i32 : i32, i32
  }
}

module attributes {stable_mosaic.version = 14 : i64} {
  func.func @_combine_body(%arg0: i32, %arg1: memref<1000x128xf32, #tpu.memory_space<vmem>>, %arg2: memref<1000x128xf32, #tpu.memory_space<vmem>>, %arg3: memref<1000x128xf32, #tpu.memory_space<vmem>>, %arg4: memref<1000x128xf32, #tpu.memory_space<vmem>>, %arg5: memref<1x128xf32, #tpu.memory_space<vmem>>, %arg6: memref<128x128xf32, #tpu.memory_space<vmem>>, %arg7: memref<1000x128xf32, #tpu.memory_space<vmem>>) attributes {dimension_semantics = [#tpu.dimension_semantics<arbitrary>], iteration_bounds = array<i64: 10>, scalar_prefetch = 0 : i64, scratch_operands = 0 : i64, tpu.core_type = #tpu.core_type<tc>, window_params = [{transform_indices = @transform_0, window_bounds = array<i64: 1000, 128>}, {transform_indices = @transform_1, window_bounds = array<i64: 1000, 128>}, {transform_indices = @transform_2, window_bounds = array<i64: 1000, 128>}, {transform_indices = @transform_3, window_bounds = array<i64: 1000, 128>}, {pipeline_mode = #tpu.pipeline_mode<synchronous>, transform_indices = @transform_4, window_bounds = array<i64: 1, 128>}, {pipeline_mode = #tpu.pipeline_mode<synchronous>, transform_indices = @transform_5, window_bounds = array<i64: 128, 128>}, {transform_indices = @transform_6, window_bounds = array<i64: 1000, 128>}]} {
    %get3A = arith.constant 0 : index
    %get3A_0 = arith.constant 0 : index
    %get3A_1 = vector.load %arg1[%get3A, %get3A_0] : memref<1000x128xf32, #tpu.memory_space<vmem>>, vector<1000x128xf32>
    %get3A_2 = arith.constant 0 : index
    %get3A_3 = arith.constant 0 : index
    %get3A_4 = vector.load %arg2[%get3A_2, %get3A_3] : memref<1000x128xf32, #tpu.memory_space<vmem>>, vector<1000x128xf32>
    %add3A = arith.addf %get3A_1, %get3A_4 : vector<1000x128xf32>
    %get3A_5 = arith.constant 0 : index
    %get3A_6 = arith.constant 0 : index
    %get3A_7 = vector.load %arg3[%get3A_5, %get3A_6] : memref<1000x128xf32, #tpu.memory_space<vmem>>, vector<1000x128xf32>
    %add3A_8 = arith.addf %add3A, %get3A_7 : vector<1000x128xf32>
    %get3A_9 = arith.constant 0 : index
    %get3A_10 = arith.constant 0 : index
    %get3A_11 = vector.load %arg4[%get3A_9, %get3A_10] : memref<1000x128xf32, #tpu.memory_space<vmem>>, vector<1000x128xf32>
    %mul3A = arith.mulf %add3A_8, %get3A_11 : vector<1000x128xf32>
    %get3A_12 = arith.constant 0 : index
    %get3A_13 = arith.constant 0 : index
    %get3A_14 = vector.load %arg5[%get3A_12, %get3A_13] : memref<1x128xf32, #tpu.memory_space<vmem>>, vector<1x128xf32>
    %add3A_15 = vector.broadcast %get3A_14 : vector<1x128xf32> to vector<1000x128xf32>
    %add3A_16 = arith.addf %mul3A, %add3A_15 : vector<1000x128xf32>
    %max3A = arith.constant 0.000000e+00 : f32
    %max3A_17 = vector.broadcast %max3A : f32 to vector<1000x128xf32>
    %max3A_18 = arith.maximumf %add3A_16, %max3A_17 : vector<1000x128xf32>
    %get3A_19 = arith.constant 0 : index
    %get3A_20 = arith.constant 0 : index
    %get3A_21 = vector.load %arg6[%get3A_19, %get3A_20] : memref<128x128xf32, #tpu.memory_space<vmem>>, vector<128x128xf32>
    %dot_general3A = arith.constant dense<0.000000e+00> : vector<1000x128xf32>
    %dot_general3A_22 = tpu.matmul %max3A_18, %get3A_21, %dot_general3A {dimension_numbers = #tpu.dot_dimension_numbers<[1], [0], [0], [1], [0, 0, 1, 1], [], []>, transpose_lhs_hint = false} : vector<1000x128xf32>, vector<128x128xf32>, vector<1000x128xf32> -> vector<1000x128xf32>
    %get3A_23 = arith.constant 0 : index
    %get3A_24 = arith.constant 0 : index
    %get3A_25 = vector.load %arg4[%get3A_23, %get3A_24] : memref<1000x128xf32, #tpu.memory_space<vmem>>, vector<1000x128xf32>
    %mul3A_26 = arith.mulf %dot_general3A_22, %get3A_25 : vector<1000x128xf32>
    %swap3A = arith.constant 0 : index
    %swap3A_27 = arith.constant 0 : index
    %swap3A_28 = vector.load %arg7[%swap3A, %swap3A_27] : memref<1000x128xf32, #tpu.memory_space<vmem>>, vector<1000x128xf32>
    tpu.vector_store %arg7[%swap3A, %swap3A_27], %mul3A_26 {strides = array<i32>} : memref<1000x128xf32, #tpu.memory_space<vmem>>, vector<1000x128xf32>,
    return
  }
  func.func @transform_0(%arg0: i32) -> (i32, i32) {
    %c0_i32 = arith.constant 0 : i32
    %c0_i32_0 = arith.constant 0 : i32
    return %arg0, %c0_i32 : i32, i32
  }
  func.func @transform_1(%arg0: i32) -> (i32, i32) {
    %c0_i32 = arith.constant 0 : i32
    %c0_i32_0 = arith.constant 0 : i32
    return %arg0, %c0_i32 : i32, i32
  }
  func.func @transform_2(%arg0: i32) -> (i32, i32) {
    %c0_i32 = arith.constant 0 : i32
    %c0_i32_0 = arith.constant 0 : i32
    return %arg0, %c0_i32 : i32, i32
  }
  func.func @transform_3(%arg0: i32) -> (i32, i32) {
    %c0_i32 = arith.constant 0 : i32
    %c0_i32_0 = arith.constant 0 : i32
    return %arg0, %c0_i32 : i32, i32
  }
  func.func @transform_4(%arg0: i32) -> (i32, i32) {
    %c0_i32 = arith.constant 0 : i32
    %c0_i32_0 = arith.constant 0 : i32
    %c0_i32_1 = arith.constant 0 : i32
    return %c0_i32, %c0_i32_0 : i32, i32
  }
  func.func @transform_5(%arg0: i32) -> (i32, i32) {
    %c0_i32 = arith.constant 0 : i32
    %c0_i32_0 = arith.constant 0 : i32
    %c0_i32_1 = arith.constant 0 : i32
    return %c0_i32, %c0_i32_0 : i32, i32
  }
  func.func @transform_6(%arg0: i32) -> (i32, i32) {
    %c0_i32 = arith.constant 0 : i32
    %c0_i32_0 = arith.constant 0 : i32
    return %arg0, %c0_i32 : i32, i32
  }
}

module attributes {stable_mosaic.version = 14 : i64} {
  func.func @_pool_body(%arg0: i32, %arg1: memref<1000x128xf32, #tpu.memory_space<vmem>>, %arg2: memref<1000x128xf32, #tpu.memory_space<vmem>>, %arg3: memref<1000x128xf32, #tpu.memory_space<vmem>>, %arg4: memref<1000x128xf32, #tpu.memory_space<vmem>>, %arg5: memref<1x128xf32, #tpu.memory_space<vmem>>, %arg6: memref<1x1x1000xi32, #tpu.memory_space<vmem>>, %arg7: memref<128x128xf32, #tpu.memory_space<vmem>>, %arg8: memref<1x128xf32, #tpu.memory_space<vmem>>, %arg9: memref<128x16xf32, #tpu.memory_space<vmem>>, %arg10: memref<1x16xf32, #tpu.memory_space<vmem>>, %arg11: memref<512x16xf32, #tpu.memory_space<vmem>>, %arg12: memref<512x128xf32, #tpu.memory_space<vmem>>, %arg13: memref<512x128xf32, #tpu.memory_space<vmem>>) attributes {dimension_semantics = [#tpu.dimension_semantics<arbitrary>], iteration_bounds = array<i64: 10>, scalar_prefetch = 0 : i64, scratch_operands = 2 : i64, tpu.core_type = #tpu.core_type<tc>, window_params = [{transform_indices = @transform_0, window_bounds = array<i64: 1000, 128>}, {transform_indices = @transform_1, window_bounds = array<i64: 1000, 128>}, {transform_indices = @transform_2, window_bounds = array<i64: 1000, 128>}, {transform_indices = @transform_3, window_bounds = array<i64: 1000, 128>}, {pipeline_mode = #tpu.pipeline_mode<synchronous>, transform_indices = @transform_4, window_bounds = array<i64: 1, 128>}, {transform_indices = @transform_5, window_bounds = array<i64: 1, 1, 1000>}, {pipeline_mode = #tpu.pipeline_mode<synchronous>, transform_indices = @transform_6, window_bounds = array<i64: 128, 128>}, {pipeline_mode = #tpu.pipeline_mode<synchronous>, transform_indices = @transform_7, window_bounds = array<i64: 1, 128>}, {pipeline_mode = #tpu.pipeline_mode<synchronous>, transform_indices = @transform_8, window_bounds = array<i64: 128, 16>}, {pipeline_mode = #tpu.pipeline_mode<synchronous>, transform_indices = @transform_9, window_bounds = array<i64: 1, 16>}, {pipeline_mode = #tpu.pipeline_mode<synchronous>, transform_indices = @transform_10, window_bounds = array<i64: 512, 16>}]} {
    %get3A = arith.constant 0 : index
    %get3A_0 = arith.constant 0 : index
    %get3A_1 = vector.load %arg1[%get3A, %get3A_0] : memref<1000x128xf32, #tpu.memory_space<vmem>>, vector<1000x128xf32>
    %get3A_2 = arith.constant 0 : index
    %get3A_3 = arith.constant 0 : index
    %get3A_4 = vector.load %arg2[%get3A_2, %get3A_3] : memref<1000x128xf32, #tpu.memory_space<vmem>>, vector<1000x128xf32>
    %add3A = arith.addf %get3A_1, %get3A_4 : vector<1000x128xf32>
    %get3A_5 = arith.constant 0 : index
    %get3A_6 = arith.constant 0 : index
    %get3A_7 = vector.load %arg3[%get3A_5, %get3A_6] : memref<1000x128xf32, #tpu.memory_space<vmem>>, vector<1000x128xf32>
    %add3A_8 = arith.addf %add3A, %get3A_7 : vector<1000x128xf32>
    %get3A_9 = arith.constant 0 : index
    %get3A_10 = arith.constant 0 : index
    %get3A_11 = vector.load %arg4[%get3A_9, %get3A_10] : memref<1000x128xf32, #tpu.memory_space<vmem>>, vector<1000x128xf32>
    %mul3A = arith.mulf %add3A_8, %get3A_11 : vector<1000x128xf32>
    %get3A_12 = arith.constant 0 : index
    %get3A_13 = arith.constant 0 : index
    %get3A_14 = vector.load %arg5[%get3A_12, %get3A_13] : memref<1x128xf32, #tpu.memory_space<vmem>>, vector<1x128xf32>
    %add3A_15 = vector.broadcast %get3A_14 : vector<1x128xf32> to vector<1000x128xf32>
    %add3A_16 = arith.addf %mul3A, %add3A_15 : vector<1000x128xf32>
    %max3A = arith.constant 0.000000e+00 : f32
    %max3A_17 = vector.broadcast %max3A : f32 to vector<1000x128xf32>
    %max3A_18 = arith.maximumf %add3A_16, %max3A_17 : vector<1000x128xf32>
    %get3A_19 = arith.constant 0 : index
    %get3A_20 = arith.constant 0 : index
    %get3A_21 = arith.constant 0 : index
    %get3A_22 = vector.load %arg6[%get3A_19, %get3A_20, %get3A_21] : memref<1x1x1000xi32, #tpu.memory_space<vmem>>, vector<1x1x1000xi32>
    %get3A_23 = vector.shape_cast %get3A_22 : vector<1x1x1000xi32> to vector<1x1000xi32>
    %iota3A = tpu.iota {dimensions = array<i32: 0>} : vector<512x1000xi32>
    %eq3A = vector.broadcast %get3A_23 : vector<1x1000xi32> to vector<512x1000xi32>
    %eq3A_24 = arith.cmpi eq, %iota3A, %eq3A : vector<512x1000xi32>
    %convert_element_type3A = arith.extui %eq3A_24 : vector<512x1000xi1> to vector<512x1000xi32>
    %convert_element_type3A_25 = arith.sitofp %convert_element_type3A : vector<512x1000xi32> to vector<512x1000xf32>
    %dot_general3A = arith.constant dense<0.000000e+00> : vector<512x128xf32>
    %dot_general3A_26 = tpu.matmul %convert_element_type3A_25, %max3A_18, %dot_general3A {dimension_numbers = #tpu.dot_dimension_numbers<[1], [0], [0], [1], [0, 0, 1, 1], [], []>, transpose_lhs_hint = false} : vector<512x1000xf32>, vector<1000x128xf32>, vector<512x128xf32> -> vector<512x128xf32>
    %reduce_sum3A = arith.constant dense<0.000000e+00> : vector<512xf32>
    %reduce_sum3A_27 = vector.multi_reduction <add>, %convert_element_type3A_25, %reduce_sum3A [1] : vector<512x1000xf32> to vector<512xf32>
    %broadcast_in_dim3A = vector.shape_cast %reduce_sum3A_27 : vector<512xf32> to vector<512x1xf32>
    %broadcast_in_dim3A_28 = vector.shape_cast %broadcast_in_dim3A : vector<512x1xf32> to vector<512x1xf32>
    %broadcast_in_dim3A_29 = vector.broadcast %broadcast_in_dim3A_28 : vector<512x1xf32> to vector<512x128xf32>
    %eq3A_30 = arith.constant 0 : i32
    %eq3A_31 = arith.cmpi eq, %arg0, %eq3A_30 : i32
    %convert_element_type3A_32 = arith.extui %eq3A_31 : i1 to i32
    %cond3A = arith.constant 0 : i32
    %cond3A_33 = arith.cmpi ne, %convert_element_type3A_32, %cond3A : i32
    scf.if %cond3A_33 {
      %swap3A = arith.constant 0 : index
      %swap3A_43 = arith.constant 0 : index
      %swap3A_44 = vector.load %arg12[%swap3A, %swap3A_43] : memref<512x128xf32, #tpu.memory_space<vmem>>, vector<512x128xf32>
      tpu.vector_store %arg12[%swap3A, %swap3A_43], %dot_general3A_26 {strides = array<i32>} : memref<512x128xf32, #tpu.memory_space<vmem>>, vector<512x128xf32>,
      %swap3A_45 = arith.constant 0 : index
      %swap3A_46 = arith.constant 0 : index
      %swap3A_47 = vector.load %arg13[%swap3A_45, %swap3A_46] : memref<512x128xf32, #tpu.memory_space<vmem>>, vector<512x128xf32>
      tpu.vector_store %arg13[%swap3A_45, %swap3A_46], %broadcast_in_dim3A_29 {strides = array<i32>} : memref<512x128xf32, #tpu.memory_space<vmem>>, vector<512x128xf32>,
    } else {
    }
    %ne3A = arith.constant 0 : i32
    %ne3A_34 = arith.cmpi ne, %arg0, %ne3A : i32
    %convert_element_type3A_35 = arith.extui %ne3A_34 : i1 to i32
    %cond3A_36 = arith.constant 0 : i32
    %cond3A_37 = arith.cmpi ne, %convert_element_type3A_35, %cond3A_36 : i32
    scf.if %cond3A_37 {
      %get3A_43 = arith.constant 0 : index
      %get3A_44 = arith.constant 0 : index
      %get3A_45 = vector.load %arg12[%get3A_43, %get3A_44] : memref<512x128xf32, #tpu.memory_space<vmem>>, vector<512x128xf32>
      %add3A_46 = arith.addf %get3A_45, %dot_general3A_26 : vector<512x128xf32>
      %swap3A = arith.constant 0 : index
      %swap3A_47 = arith.constant 0 : index
      %swap3A_48 = vector.load %arg12[%swap3A, %swap3A_47] : memref<512x128xf32, #tpu.memory_space<vmem>>, vector<512x128xf32>
      tpu.vector_store %arg12[%swap3A, %swap3A_47], %add3A_46 {strides = array<i32>} : memref<512x128xf32, #tpu.memory_space<vmem>>, vector<512x128xf32>,
      %get3A_49 = arith.constant 0 : index
      %get3A_50 = arith.constant 0 : index
      %get3A_51 = vector.load %arg13[%get3A_49, %get3A_50] : memref<512x128xf32, #tpu.memory_space<vmem>>, vector<512x128xf32>
      %add3A_52 = arith.addf %get3A_51, %broadcast_in_dim3A_29 : vector<512x128xf32>
      %swap3A_53 = arith.constant 0 : index
      %swap3A_54 = arith.constant 0 : index
      %swap3A_55 = vector.load %arg13[%swap3A_53, %swap3A_54] : memref<512x128xf32, #tpu.memory_space<vmem>>, vector<512x128xf32>
      tpu.vector_store %arg13[%swap3A_53, %swap3A_54], %add3A_52 {strides = array<i32>} : memref<512x128xf32, #tpu.memory_space<vmem>>, vector<512x128xf32>,
    } else {
    }
    %eq3A_38 = arith.constant 9 : i32
    %eq3A_39 = arith.cmpi eq, %arg0, %eq3A_38 : i32
    %convert_element_type3A_40 = arith.extui %eq3A_39 : i1 to i32
    %cond3A_41 = arith.constant 0 : i32
    %cond3A_42 = arith.cmpi ne, %convert_element_type3A_40, %cond3A_41 : i32
    scf.if %cond3A_42 {
      %get3A_43 = arith.constant 0 : index
      %get3A_44 = arith.constant 0 : index
      %get3A_45 = vector.load %arg12[%get3A_43, %get3A_44] : memref<512x128xf32, #tpu.memory_space<vmem>>, vector<512x128xf32>
      %get3A_46 = arith.constant 0 : index
      %get3A_47 = arith.constant 0 : index
      %get3A_48 = vector.load %arg13[%get3A_46, %get3A_47] : memref<512x128xf32, #tpu.memory_space<vmem>>, vector<512x128xf32>
      %max3A_49 = arith.constant 1.000000e+00 : f32
      %max3A_50 = vector.broadcast %max3A_49 : f32 to vector<512x128xf32>
      %max3A_51 = arith.maximumf %get3A_48, %max3A_50 : vector<512x128xf32>
      %div3A = arith.divf %get3A_45, %max3A_51 : vector<512x128xf32>
      %get3A_52 = arith.constant 0 : index
      %get3A_53 = arith.constant 0 : index
      %get3A_54 = vector.load %arg7[%get3A_52, %get3A_53] : memref<128x128xf32, #tpu.memory_space<vmem>>, vector<128x128xf32>
      %dot_general3A_55 = arith.constant dense<0.000000e+00> : vector<512x128xf32>
      %dot_general3A_56 = tpu.matmul %div3A, %get3A_54, %dot_general3A_55 {dimension_numbers = #tpu.dot_dimension_numbers<[1], [0], [0], [1], [0, 0, 1, 1], [], []>, transpose_lhs_hint = false} : vector<512x128xf32>, vector<128x128xf32>, vector<512x128xf32> -> vector<512x128xf32>
      %get3A_57 = arith.constant 0 : index
      %get3A_58 = arith.constant 0 : index
      %get3A_59 = vector.load %arg8[%get3A_57, %get3A_58] : memref<1x128xf32, #tpu.memory_space<vmem>>, vector<1x128xf32>
      %add3A_60 = vector.broadcast %get3A_59 : vector<1x128xf32> to vector<512x128xf32>
      %add3A_61 = arith.addf %dot_general3A_56, %add3A_60 : vector<512x128xf32>
      %max3A_62 = arith.constant 0.000000e+00 : f32
      %max3A_63 = vector.broadcast %max3A_62 : f32 to vector<512x128xf32>
      %max3A_64 = arith.maximumf %add3A_61, %max3A_63 : vector<512x128xf32>
      %get3A_65 = arith.constant 0 : index
      %get3A_66 = arith.constant 0 : index
      %get3A_67 = vector.load %arg9[%get3A_65, %get3A_66] : memref<128x16xf32, #tpu.memory_space<vmem>>, vector<128x16xf32>
      %dot_general3A_68 = arith.constant dense<0.000000e+00> : vector<512x16xf32>
      %dot_general3A_69 = tpu.matmul %max3A_64, %get3A_67, %dot_general3A_68 {dimension_numbers = #tpu.dot_dimension_numbers<[1], [0], [0], [1], [0, 0, 1, 1], [], []>, transpose_lhs_hint = false} : vector<512x128xf32>, vector<128x16xf32>, vector<512x16xf32> -> vector<512x16xf32>
      %get3A_70 = arith.constant 0 : index
      %get3A_71 = arith.constant 0 : index
      %get3A_72 = vector.load %arg10[%get3A_70, %get3A_71] : memref<1x16xf32, #tpu.memory_space<vmem>>, vector<1x16xf32>
      %add3A_73 = vector.broadcast %get3A_72 : vector<1x16xf32> to vector<512x16xf32>
      %add3A_74 = arith.addf %dot_general3A_69, %add3A_73 : vector<512x16xf32>
      %reduce_max3A = arith.constant dense<0xFF800000> : vector<512xf32>
      %reduce_max3A_75 = vector.multi_reduction <maximumf>, %add3A_74, %reduce_max3A [1] : vector<512x16xf32> to vector<512xf32>
      %broadcast_in_dim3A_76 = vector.shape_cast %reduce_max3A_75 : vector<512xf32> to vector<512x1xf32>
      %sub3A = vector.broadcast %broadcast_in_dim3A_76 : vector<512x1xf32> to vector<512x16xf32>
      %sub3A_77 = arith.subf %add3A_74, %sub3A : vector<512x16xf32>
      %exp3A = math.exp %sub3A_77 : vector<512x16xf32>
      %sub3A_78 = vector.broadcast %broadcast_in_dim3A_76 : vector<512x1xf32> to vector<512x16xf32>
      %sub3A_79 = arith.subf %add3A_74, %sub3A_78 : vector<512x16xf32>
      %reduce_sum3A_80 = arith.constant dense<0.000000e+00> : vector<512xf32>
      %reduce_sum3A_81 = vector.multi_reduction <add>, %exp3A, %reduce_sum3A_80 [1] : vector<512x16xf32> to vector<512xf32>
      %broadcast_in_dim3A_82 = vector.shape_cast %reduce_sum3A_81 : vector<512xf32> to vector<512x1xf32>
      %log3A = math.log %broadcast_in_dim3A_82 : vector<512x1xf32>
      %sub3A_83 = vector.broadcast %log3A : vector<512x1xf32> to vector<512x16xf32>
      %sub3A_84 = arith.subf %sub3A_79, %sub3A_83 : vector<512x16xf32>
      %swap3A = arith.constant 0 : index
      %swap3A_85 = arith.constant 0 : index
      %swap3A_86 = vector.load %arg11[%swap3A, %swap3A_85] : memref<512x16xf32, #tpu.memory_space<vmem>>, vector<512x16xf32>
      tpu.vector_store %arg11[%swap3A, %swap3A_85], %sub3A_84 {strides = array<i32>} : memref<512x16xf32, #tpu.memory_space<vmem>>, vector<512x16xf32>,
    } else {
    }
    return
  }
  func.func @transform_0(%arg0: i32) -> (i32, i32) {
    %c0_i32 = arith.constant 0 : i32
    %c0_i32_0 = arith.constant 0 : i32
    return %arg0, %c0_i32 : i32, i32
  }
  func.func @transform_1(%arg0: i32) -> (i32, i32) {
    %c0_i32 = arith.constant 0 : i32
    %c0_i32_0 = arith.constant 0 : i32
    return %arg0, %c0_i32 : i32, i32
  }
  func.func @transform_2(%arg0: i32) -> (i32, i32) {
    %c0_i32 = arith.constant 0 : i32
    %c0_i32_0 = arith.constant 0 : i32
    return %arg0, %c0_i32 : i32, i32
  }
  func.func @transform_3(%arg0: i32) -> (i32, i32) {
    %c0_i32 = arith.constant 0 : i32
    %c0_i32_0 = arith.constant 0 : i32
    return %arg0, %c0_i32 : i32, i32
  }
  func.func @transform_4(%arg0: i32) -> (i32, i32) {
    %c0_i32 = arith.constant 0 : i32
    %c0_i32_0 = arith.constant 0 : i32
    %c0_i32_1 = arith.constant 0 : i32
    return %c0_i32, %c0_i32_0 : i32, i32
  }
  func.func @transform_5(%arg0: i32) -> (i32, i32, i32) {
    %c0_i32 = arith.constant 0 : i32
    %c0_i32_0 = arith.constant 0 : i32
    %c0_i32_1 = arith.constant 0 : i32
    return %arg0, %c0_i32, %c0_i32_0 : i32, i32, i32
  }
  func.func @transform_6(%arg0: i32) -> (i32, i32) {
    %c0_i32 = arith.constant 0 : i32
    %c0_i32_0 = arith.constant 0 : i32
    %c0_i32_1 = arith.constant 0 : i32
    return %c0_i32, %c0_i32_0 : i32, i32
  }
  func.func @transform_7(%arg0: i32) -> (i32, i32) {
    %c0_i32 = arith.constant 0 : i32
    %c0_i32_0 = arith.constant 0 : i32
    %c0_i32_1 = arith.constant 0 : i32
    return %c0_i32, %c0_i32_0 : i32, i32
  }
  func.func @transform_8(%arg0: i32) -> (i32, i32) {
    %c0_i32 = arith.constant 0 : i32
    %c0_i32_0 = arith.constant 0 : i32
    %c0_i32_1 = arith.constant 0 : i32
    return %c0_i32, %c0_i32_0 : i32, i32
  }
  func.func @transform_9(%arg0: i32) -> (i32, i32) {
    %c0_i32 = arith.constant 0 : i32
    %c0_i32_0 = arith.constant 0 : i32
    %c0_i32_1 = arith.constant 0 : i32
    return %c0_i32, %c0_i32_0 : i32, i32
  }
  func.func @transform_10(%arg0: i32) -> (i32, i32) {
    %c0_i32 = arith.constant 0 : i32
    %c0_i32_0 = arith.constant 0 : i32
    %c0_i32_1 = arith.constant 0 : i32
    return %c0_i32, %c0_i32_0 : i32, i32
  }
}

</mosaic_0001>

<sc_bundles>
// kernel: kernel.11.cloned.1.call-start
scs
__scs_entry_jumppad:
0x0: {  	(pc) =	sbr.rel $0x88, $3  }
0x1: {  	(tag) =	ssettag $0x0;
	lr =	simm.s32 $0x1  }
0x2: {  	[smem:$0x3F96] =	sst lr;
	_ =	strace $0xD0000000  }
0x3: {  	_ = 	snop  }
0x4: {  	_ = 	snop  }
0x5: {  	_ = 	snop  }
0x6: {  	_ = 	snop  }
0x7: {  	_ = 	snop  }
__scs_overlays_trampoline_lowered:
0x8: {  	[smem:$0x3FA5] =	sst s0  }
0x9: {  	[smem:$0x3FA6] =	sst s1  }
0xa: {  	[smem:$0x3FA7] =	sst s2  }
0xb: {  	[smem:$0x3FA8] =	sst s3  }
0xc: {  	[smem:$0x3FA9] =	sst s4  }
0xd: {  	[smem:$0x3FAA] =	sst s5  }
0xe: {  	[smem:$0x3FAB] =	sst s6  }
0xf: {  	[smem:$0x3FAC] =	sst s7  }
0x10: {  	[smem:$0x3FAD] =	sst s8  }
0x11: {  	[smem:$0x3FAE] =	sst s9;
	s0 =	simm.s32 @!p0 $0x0  }
0x12: {  	s1 =	sld [smem:$0x3F94];
	s0 =	simm.s32 @p0 $0x1  }
0x13: {  	[smem:$0x3FAF] =	sst s0;
	s0 =	simm.s32 @!p1 $0x0  }
0x14: {  	s2 =	sld [smem:$0x3F93];
	s0 =	simm.s32 @p1 $0x1  }
0x15: {  	[smem:$0x3FB0] =	sst s0;
	s0 =	simm.s32 @!p2 $0x0  }
0x16: {  	s3 =	sld [smem:$0x3FDB];
	s0 =	simm.s32 @p2 $0x1  }
0x17: {  	s4 =	simm.s32 $0x1BF5;
	[smem:$0x3FB2] =	sst s0  }
0x18: {  	s0 =	sld [smem:$0x3F95];
	_ =	swait.ge [sflag:s4], $0x0  }
0x19: {  	s7 =	sld [smem:$0x3F96]  }
0x1a: {  	s8 =	sadd.s32 $0xFFFFE003, lr  }
0x1b: {  	s9 =	sadd.s32 $0xFFFFFEF7, lr;
	s5 =	simm.s32 $0xFFFFFFFF;
	p2 =	slt.u32 s8, $0xFFFFF086  }
0x1c: {  	p1 =	slt.u32 s9, $0xF7A;
	s5 =	simm.s32 @!p2 $0x0  }
0x1d: {  	s5 =	simm.s32 @p1 $0x1;
	p0 =	seq.s32 s7, s2  }
0x1e: {  	s7 =	smul.u32 @!p0 $0xF7A, s2;
	p2 =	seq.s32 @!p0 s5, $0x0  }
0x1f: {  	s9 =	smul.u32 $0xF7A, s1;
	s8 =	simm.s32 @!p0 $0x1BF5;
	p2 =	por !p2, p0  }
0x20: {  	[sflag:s8] =	ssyncset.s32 @!p0 $0xFFFFF086;
	s6 =	sadd.s32 @!p0 s3, s7;
	s7 =	simm.s32 @!p0 $0x108  }
0x21: {  	s3 =	sadd.s32 s3, s9;
	s6 =	sadd.s32 @!p0 $0x88, s6;
	s7 =	simm.s32 @p2 $0x1082  }
0x22: {  	[simem:s7], [sflag:s8] =	dma.local @!p0 [hbm:s6], $0xF7A  }
0x23: {  	s9 =	sor.u32 $0xD0000000, s2;
	s6 =	simm.s32 $0x108;
	_ =	swait.ge @!p0 [sflag:s8], $0x0  }
0x24: {  	s3 =	sadd.s32 $0x88, s3;
	s6 =	simm.s32 @!p1 $0x1082;
	[sflag:s4] =	ssyncset.s32 $0xFFFFF086  }
0x25: {  	[simem:s6], [sflag:s4] =	dma.local [hbm:s3], $0xF7A  }
0x26: {  	[smem:$0x3F96] =	sst s1;
	(tag) =	ssettag s2;
	_ =	strace s9  }
0x27: {  	s1 =	sld [smem:$0x3FA6]  }
0x28: {  	s2 =	sld [smem:$0x3FA7]  }
0x29: {  	s4 =	sld [smem:$0x3FA9]  }
0x2a: {  	p0 =	seq.s32 s5, $0x0;
	s5 =	sld [smem:$0x3FAA]  }
0x2b: {  	s6 =	sld [smem:$0x3FAB]  }
0x2c: {  	s7 =	sld [smem:$0x3FAC]  }
0x2d: {  	s3 =	simm.s32 $0x108;
	s8 =	sld [smem:$0x3FAD]  }
0x2e: {  	s3 =	simm.s32 @!p0 $0x1082;
	s9 =	sld [smem:$0x3FAE]  }
0x2f: {  	lr =	sadd.s32 s0, s3;
	s0 =	sld [smem:$0x3FA5]  }
0x30: {  	s3 =	sld [smem:$0x3FA8]  }
0x31: {  	[smem:$0x3FB1] =	sst s10  }
0x32: {  	s10 =	sld [smem:$0x3FAF];
	_ =	sdelay $0x3  }
0x33: {  	p0 =	seq.s32 s10, $0x1;
	s10 =	sld [smem:$0x3FB1];
	_ =	sdelay $0x3  }
0x34: {  	[smem:$0x3FB1] =	sst s10  }
0x35: {  	s10 =	sld [smem:$0x3FB0];
	_ =	sdelay $0x3  }
0x36: {  	p1 =	seq.s32 s10, $0x1;
	s10 =	sld [smem:$0x3FB1];
	_ =	sdelay $0x3  }
0x37: {  	[smem:$0x3FB1] =	sst s10  }
0x38: {  	s10 =	sld [smem:$0x3FB2]  }
0x39: {  	_ = 	snop;
	(pc) =	sbr.ind lr, $3  }
0x3a: {  	_ = 	snop  }
0x3b: {  	_ = 	snop  }
0x3c: {  	p2 =	seq.s32 s10, $0x1;
	s10 =	sld [smem:$0x3FB1]  }
0x3d: {  	_ =	shalt  }
0x3e: {  	_ =	shalt  }
0x3f: {  	_ =	shalt  }
0x40: {  	_ =	shalt  }
0x41: {  	_ =	shalt  }
0x42: {  	_ =	shalt  }
0x43: {  	_ =	shalt  }
0x44: {  	_ =	shalt  }
0x45: {  	_ =	shalt  }
0x46: {  	_ =	shalt  }
0x47: {  	_ =	shalt  }
0x48: {  	_ =	shalt  }
0x49: {  	_ =	shalt  }
0x4a: {  	_ =	shalt  }
0x4b: {  	_ =	shalt  }
0x4c: {  	_ =	shalt  }
0x4d: {  	_ =	shalt  }
0x4e: {  	_ =	shalt  }
0x4f: {  	_ =	shalt  }
0x50: {  	_ =	shalt  }
0x51: {  	_ =	shalt  }
0x52: {  	_ =	shalt  }
0x53: {  	_ =	shalt  }
0x54: {  	_ =	shalt  }
0x55: {  	_ =	shalt  }
0x56: {  	_ =	shalt  }
0x57: {  	_ =	shalt  }
0x58: {  	_ =	shalt  }
0x59: {  	_ =	shalt  }
0x5a: {  	_ =	shalt  }
0x5b: {  	_ =	shalt  }
0x5c: {  	_ =	shalt  }
0x5d: {  	_ =	shalt  }
0x5e: {  	_ =	shalt  }
0x5f: {  	_ =	shalt  }
0x60: {  	_ =	shalt  }
0x61: {  	_ =	shalt  }
0x62: {  	_ =	shalt  }
0x63: {  	_ =	shalt  }
0x64: {  	_ =	shalt  }
0x65: {  	_ =	shalt  }
0x66: {  	_ =	shalt  }
0x67: {  	_ =	shalt  }
0x68: {  	_ =	shalt  }
0x69: {  	_ =	shalt  }
0x6a: {  	_ =	shalt  }
0x6b: {  	_ =	shalt  }
0x6c: {  	_ =	shalt  }
0x6d: {  	_ =	shalt  }
0x6e: {  	_ =	shalt  }
0x6f: {  	_ =	shalt  }
0x70: {  	_ =	shalt  }
0x71: {  	_ =	shalt  }
0x72: {  	_ =	shalt  }
0x73: {  	_ =	shalt  }
0x74: {  	_ =	shalt  }
0x75: {  	_ =	shalt  }
0x76: {  	_ =	shalt  }
0x77: {  	_ =	shalt  }
0x78: {  	_ =	shalt  }
0x79: {  	_ =	shalt  }
0x7a: {  	_ =	shalt  }
0x7b: {  	_ =	shalt  }
0x7c: {  	_ =	shalt  }
0x7d: {  	_ =	shalt  }
0x7e: {  	_ =	shalt  }
0x7f: {  	_ =	shalt  }
0x80: {  	_ =	shalt  }
0x81: {  	_ =	shalt  }
0x82: {  	_ =	shalt  }
0x83: {  	_ =	shalt  }
0x84: {  	_ =	shalt  }
0x85: {  	_ =	shalt  }
0x86: {  	_ =	shalt  }
0x87: {  	_ =	shalt  }
.Lfunc_end0:
.L_simem_size_0:
called_computation.1_lowered:
.L_overlay_start_0:
0x88: {  	s2 =	sld [smem:$0x3FD9]  }
0x89: {  	s3 =	sld [smem:$0x3FFE];
	_ =	sdelay $0x1  }
0x8a: {  	s1 =	srdreg.scid  }
0x8b: {  	s0 =	sand.u32 $0x1, s1  }
0x8c: {  	s16 =	sshll.u32 s0, $0xA;
	s2 =	sadd.s32 s3, s2  }
0x8d: {  	s2 =	sadd.s32 s2, s16  }
0x8e: {  	[smem:$0x3FBD] =	sst s2  }
0x8f: {  	_ = 	snop  }
0x90: {  	(tm) =	ssettm $0x1  }
0x91: {  	s17 =	sld [smem:$0x3FFB];
	_ =	sdelay $0x3  }
0x92: {  	_ =	strace s17  }
0x93: {  	s2 =	sld [smem:$0x3FFC];
	_ =	sdelay $0x3  }
0x94: {  	_ =	strace s2  }
0x95: {  	s2 =	sld [smem:$0x3FFD];
	_ =	sdelay $0x3  }
0x96: {  	_ =	strace s2  }
0x97: {  	_ =	strace $0x8FFFFFFF  }
0x98: {  	s18 =	sld [smem:$0x3FDB];
	_ =	sdelay $0x1  }
0x99: {  	s19 =	simm.s32 $_scs_section_size  }
0x9a: {  	s4 =	simm.s32 $_size__tile_overlayer_lowered;
	s5 =	simm.s32 $_tile_overlayer_lowered  }
0x9b: {  	s22 =	simm.s32 $0x1BFF;
	s21 =	sshll.u32 s5, $0x1;
	s2 =	sadd.s32 s19, s18  }
0x9c: {  	s6 =	simm.s32 $0x0;
	s20 =	sshll.u32 s4, $0x1;
	s4 =	sadd.s32 s21, s2  }
0x9d: {  	[timem:s6], [sflag:s22] =	dma.local [hbm:s4], s20  }
0x9e: {  	_ =	swait.ge [sflag:s22], s20  }
0x9f: {  	s3 =	ssub.s32 $0x0, s20;
	[sflag:s22] =	ssyncset.done $0x0  }
0xa0: {  	[sflag:s22] =	ssyncadd.s32 s3;
	_ =	sdelay $0x1  }
0xa1: {  	s23 =	simm.s32 $0x1B8B  }
0xa2: {  	_ =	swait.ge [sflag:s23], $0x1  }
0xa3: {  	[sflag:s23] =	ssyncset.done $0x0  }
0xa4: {  	s25 =	simm.s32 $0x1B8E;
	s24 =	sld [smem:$0x3FFE];
	[sflag:s23] =	ssyncadd.s32 $0xFFFFFFFF  }
0xa5: {  	s26 =	simm.s32 $execute0_lowered;
	[smem:$0x3FD2] =	sst s25  }
0xa6: {  	s4 =	sshll.u32 s26, $0x1;
	_ =	strace $0x80000049;
	[dreg:$0x1] =	wrdreg $0xFFFFFFFF  }
0xa7: {  	s28 =	simm.s32 $_size_execute0_lowered;
	s2 =	sadd.s32 s2, s4;
	[dreg:$0x0] =	wrdreg $0x0  }
0xa8: {  	s4 =	sshll.u32 s28, $0x1;
	[dreg:$0x2] =	wrdreg s2  }
0xa9: {  	[dreg:$0x3] =	wrdreg s4  }
0xaa: {  	[dreg:$0x4] =	wrdreg $0xC0  }
0xab: {  	_ =	task [dreg:s6], $0x5FFFF  }
0xac: {  	[dreg:$0x1] =	wrdreg $0xFFFFFFFF  }
0xad: {  	[dreg:$0x0] =	wrdreg $0x60  }
0xae: {  	[dreg:$0x2] =	wrdreg s24  }
0xaf: {  	[dreg:$0x3] =	wrdreg $0x9C000  }
0xb0: {  	[dreg:$0x4] =	wrdreg $0x9  }
0xb1: {  	_ =	task.clear_ibuf [dreg:s6], $0x5FFFF;
	_ =	strace $0x90000049  }
0xb2: {  	s29 =	simm.s32 $0x9;
	_ =	strace $0x8000004B  }
0xb3: {  	_ =	swait.ge [sflag:s29], $0x1  }
0xb4: {  	[sflag:s29] =	ssyncadd.s32 $0xFFFFFFFF  }
0xb5: {  	_ =	strace $0x9000004B  }
0xb6: {  	_ =	sfence  }
0xb7: {  	s30 =	sld [smem:$0x0];
	_ =	sdelay $0x2  }
0xb8: {  	s31 =	sshll.u32 s1, $0xD;
	s1 =	sshrl.u32 s1, $0x2  }
0xb9: {  	s3 =	sand.u32 $0x4000, s31;
	s1 =	sadd.s32 s1, s30  }
0xba: {  	s0 =	sor.u32 s3, s0;
	s1 =	sshll.u32 s1, $0x11  }
0xbb: {  	s0 =	sor.u32 s1, s0  }
0xbc: {  	s0 =	sadd.s32 $0x8F2B, s0  }
0xbd: {  	[sflag:s0] =	ssyncadd.remote.s32 $0x1  }
0xbe: {  	_ =	sfence.sel $0xFFFF  }
0xbf: {  	[dreg:$0x0] =	wrdreg $0xFFFFFFFF;
	(pc) =	sbr.abs _section_cstart, $3  }
0xc0: {  	[dreg:$0x1] =	wrdreg $0xFFFFFFFF  }
0xc1: {  	_ =	task.clear_ibuf [dreg:s6], $0x2FFFF;
	_ =	strace $0x9FFFFFFF  }
0xc2: {  	(tm) =	ssettm $0x7FFFFFFF  }
0xc3: {  	_ =	shalt  }
tec
execute0_lowered:
.L_overlay_start_1:
0x0: {  	(tag) =	ssettag $0x1  }
0x1: {  	s0 =	rddreg [dreg:$0x0]  }
0x2: {  	s1 =	rddreg [dreg:$0x1];
	s17 =	simm.s32 $0x0;
	s2 =	srdreg.scid  }
0x3: {  	s10 =	stileid.u32;
	s13 =	simm.s32 $0xB;
	s15 =	simm.s32 $0x28  }
0x4: {  	s16 =	simm.s32 $0x3800;
	s18 =	simm.s32 $0x4C00;
	s20 =	simm.s32 $0x6000  }
0x5: {  	s22 =	simm.s32 $0x7400;
	s28 =	simm.s32 $0x3;
	s29 =	simm.s32 $0x4  }
0x6: {  	s30 =	simm.s32 $0x5;
	s31 =	simm.s32 $0x6;
	s11 =	simm.s32 $0x3280  }
0x7: {  	s12 =	simm.s32 $0x3380;
	s14 =	simm.s32 $0x3480;
	[smem:$0x7FF] =	sst s17  }
0x8: {  	s4 =	sadd.s32 $0x63A00, s0;
	s5 =	sadd.s32 $0x40A00, s0;
	s2 =	sand.u32 $0x1, s2  }
0x9: {  	s6 =	sadd.s32 $0x1DA00, s0;
	s7 =	smul.u32 $0x50000, s10;
	s8 =	sadd.s32 $0x3600, s0  }
0xa: {  	s25 =	sshll.u32 s10, $0x6;
	_ =	strace $0x8000004A;
	s3 =	ssub.s32 $0x2, s2  }
0xb: {  	[dreg:$0x4] =	wrdreg s8;
	s9 =	sshll.u32 s2, $0x4;
	p0 =	seq.s32 s2, $0x1  }
0xc: {  	s2 =	simm.s32 $0xB2C00;
	s19 =	sor.u32 $0x1C0B, s25;
	s25 =	simm.s32 $0x1  }
0xd: {  	s8 =	simm.s32 $0x3300;
	s23 =	sshrl.u32 s3, $0x1;
	s24 =	sor.u32 s10, s9  }
0xe: {  	s7 =	sshrl.u32 s7, $0x2;
	s10 =	smul.u32 $0x2800, s10;
	s2 =	simm.s32 @!p0 $0x8AC00  }
0xf: {  	[dreg:$0x5] =	wrdreg s19;
	s3 =	ssub.s32 s3, s23;
	s7 =	sadd.s32 s7, s1  }
0x10: {  	s9 =	smul.u32 $0x8C00, s24;
	s0 =	sadd.s32 s2, s0;
	s24 =	simm.s32 $0x8800  }
0x11: {  	s2 =	simm.s32 $0x3400;
	s26 =	smax.u32 s3, $0x1;
	s0 =	sadd.s32 s0, s10  }
0x12: {  	s23 =	sshrl.u32 s7, $0x3;
	s3 =	simm.s32 $0x8;
	[dreg:$0x6] =	wrdreg s26  }
0x13: {  	s7 =	simm.s32 $0x9;
	s10 =	simm.s32 $0xA;
	[dreg:$0x7] =	wrdreg s0  }
0x14: {  	s26 =	simm.s32 $0x2;
	s0 =	simm.s32 $0x7;
	[dreg:$0x8] =	wrdreg s23  }
.LBB2_1:
0x15: {  	[dreg:$0x3] =	wrdreg s17  }
0x16: {  	s21 =	rddreg [dreg:$0x4]  }
0x17: {  	[spmem:s23], [sflag:s19] =	dma.local [hbm:s21], $0x2800  }
0x18: {  	_ =	swait.ge [sflag:s13], $0x2800  }
0x19: {  	[sflag:s13] =	ssyncset.done $0x0  }
0x1a: {  	[sflag:s13] =	ssyncadd.s32 $0xFFFFD800  }
0x1b: {  	s17 =	simm.s32 $0x0;
	[bflag:$0x0] =	sbarrier.arrive $0xFFFF  }
.LBB2_2:
0x1c: {  	s19 =	smul.u32 $0x1C00, s17;
	_ =	sdelay $0x1  }
0x1d: {  	s19 =	sadd.s32 s9, s19  }
0x1e: {  	s19 =	sshrl.u32 s19, $0x3  }
0x1f: {  	s23 =	simm.s32 $0x0;
	s21 =	sadd.s32 s5, s19  }
0x20: {  	[tilespmem:s23], [sflag:$0xB] =	stream.linear.gather [hbm4b:s21+s23], $0x1900, $0x38;
	[tilespmem:$0x1DC00] =	vst v63  }
0x21: {  	_ =	swait.ge [sflag:s13], $0x1900  }
0x22: {  	[sflag:s13] =	ssyncset.done $0x0  }
0x23: {  	s19 =	sadd.s32 s6, s19;
	s21 =	simm.s32 $0x1C00;
	[sflag:s13] =	ssyncadd.s32 $0xFFFFE700  }
0x24: {  	[tilespmem:s21], [sflag:$0xB] =	stream.linear.gather [hbm4b:s19+s23], $0x1900, $0x38;
	[tilespmem:$0x1DC00] =	vst v63  }
0x25: {  	_ =	swait.ge [sflag:s13], $0x1900  }
0x26: {  	[sflag:s13] =	ssyncset.done $0x0  }
0x27: {  	[sflag:s13] =	ssyncadd.s32 $0xFFFFE700  }
0x28: {  	[tilespmem:s16], [sflag:$0x1] =	stream.indirect.gather [hbm4b:s4+s15], $0x80, s23, s15, $0xb8;
	[tilespmem:$0x1DC00] =	vst v63  }
0x29: {  	s23 =	simm.s32 $0x80  }
0x2a: {  	[tilespmem:s18], [sflag:$0x2] =	stream.indirect.gather [hbm4b:s4+s15], $0x80, s23, s15, $0xb8;
	[tilespmem:$0x1DC00] =	vst v63  }
0x2b: {  	s21 =	simm.s32 $0x100  }
0x2c: {  	[tilespmem:s20], [sflag:$0x3] =	stream.indirect.gather [hbm4b:s4+s15], $0x80, s21, s15, $0xb8;
	[tilespmem:$0x1DC00] =	vst v63  }
0x2d: {  	s23 =	simm.s32 $0x180  }
0x2e: {  	[tilespmem:s22], [sflag:$0x4] =	stream.indirect.gather [hbm4b:s4+s15], $0x80, s23, s15, $0xb8;
	[tilespmem:$0x1DC00] =	vst v63  }
0x2f: {  	s21 =	simm.s32 $0x200  }
0x30: {  	[tilespmem:s24], [sflag:$0x5] =	stream.indirect.gather [hbm4b:s4+s15], $0x80, s21, s15, $0xb8;
	[tilespmem:$0x1DC00] =	vst v63  }
0x31: {  	_ =	swait.ge [sflag:s25], $0x1400  }
0x32: {  	[sflag:s25] =	ssyncset.done $0x0  }
0x33: {  	s23 =	simm.s32 $0x1C00;
	[sflag:s25] =	ssyncadd.s32 $0xFFFFEC00  }
0x34: {  	[spmem:s1] =	stream.indirect.scatter.add.f32 [tilespmem:s16], [sflag:$0x6], $0x80, s23, s15, $0xb8;
	[tilespmem:$0x1DC00] =	vst v63  }
0x35: {  	_ =	swait.ge [sflag:s26], $0x1400  }
0x36: {  	[sflag:s26] =	ssyncset.done $0x0  }
0x37: {  	s21 =	simm.s32 $0x1C80;
	[sflag:s26] =	ssyncadd.s32 $0xFFFFEC00  }
0x38: {  	[spmem:s1] =	stream.indirect.scatter.add.f32 [tilespmem:s18], [sflag:$0x7], $0x80, s21, s15, $0xb8;
	[tilespmem:$0x1DC00] =	vst v63  }
0x39: {  	_ =	swait.ge [sflag:s28], $0x1400  }
0x3a: {  	[sflag:s28] =	ssyncset.done $0x0  }
0x3b: {  	s23 =	simm.s32 $0x1D00;
	[sflag:s28] =	ssyncadd.s32 $0xFFFFEC00  }
0x3c: {  	[spmem:s1] =	stream.indirect.scatter.add.f32 [tilespmem:s20], [sflag:$0x8], $0x80, s23, s15, $0xb8;
	[tilespmem:$0x1DC00] =	vst v63  }
0x3d: {  	_ =	swait.ge [sflag:s29], $0x1400  }
0x3e: {  	[sflag:s29] =	ssyncset.done $0x0  }
0x3f: {  	s21 =	simm.s32 $0x1D80;
	[sflag:s29] =	ssyncadd.s32 $0xFFFFEC00  }
0x40: {  	[spmem:s1] =	stream.indirect.scatter.add.f32 [tilespmem:s22], [sflag:$0x9], $0x80, s21, s15, $0xb8;
	[tilespmem:$0x1DC00] =	vst v63  }
0x41: {  	_ =	swait.ge [sflag:s30], $0x1400  }
0x42: {  	[sflag:s30] =	ssyncset.done $0x0  }
0x43: {  	s23 =	simm.s32 $0x1E00;
	[sflag:s30] =	ssyncadd.s32 $0xFFFFEC00  }
0x44: {  	[spmem:s1] =	stream.indirect.scatter.add.f32 [tilespmem:s24], [sflag:$0xA], $0x80, s23, s15, $0xb8;
	[tilespmem:$0x1DC00] =	vst v63  }
0x45: {  	_ =	swait.ge [sflag:s31], $0x1400  }
0x46: {  	[sflag:s31] =	ssyncset.done $0x0  }
0x47: {  	s21 =	simm.s32 $0x280;
	[sflag:s31] =	ssyncadd.s32 $0xFFFFEC00  }
0x48: {  	[tilespmem:s16], [sflag:$0x1] =	stream.indirect.gather [hbm4b:s4+s15], $0x80, s21, s15, $0xb8;
	[tilespmem:$0x1DC00] =	vst v63  }
0x49: {  	_ =	swait.ge [sflag:s0], $0x1400  }
0x4a: {  	[sflag:s0] =	ssyncset.done $0x0  }
0x4b: {  	s23 =	simm.s32 $0x300;
	[sflag:s0] =	ssyncadd.s32 $0xFFFFEC00  }
0x4c: {  	[tilespmem:s18], [sflag:$0x2] =	stream.indirect.gather [hbm4b:s4+s15], $0x80, s23, s15, $0xb8;
	[tilespmem:$0x1DC00] =	vst v63  }
0x4d: {  	_ =	swait.ge [sflag:s3], $0x1400  }
0x4e: {  	[sflag:s3] =	ssyncset.done $0x0  }
0x4f: {  	s21 =	simm.s32 $0x380;
	[sflag:s3] =	ssyncadd.s32 $0xFFFFEC00  }
0x50: {  	[tilespmem:s20], [sflag:$0x3] =	stream.indirect.gather [hbm4b:s4+s15], $0x80, s21, s15, $0xb8;
	[tilespmem:$0x1DC00] =	vst v63  }
0x51: {  	_ =	swait.ge [sflag:s7], $0x1400  }
0x52: {  	[sflag:s7] =	ssyncset.done $0x0  }
0x53: {  	s23 =	simm.s32 $0x400;
	[sflag:s7] =	ssyncadd.s32 $0xFFFFEC00  }
0x54: {  	[tilespmem:s22], [sflag:$0x4] =	stream.indirect.gather [hbm4b:s4+s15], $0x80, s23, s15, $0xb8;
	[tilespmem:$0x1DC00] =	vst v63  }
0x55: {  	_ =	swait.ge [sflag:s10], $0x1400  }
0x56: {  	[sflag:s10] =	ssyncset.done $0x0  }
0x57: {  	s19 =	simm.s32 $0xA00;
	s21 =	simm.s32 $0x480;
	[sflag:s10] =	ssyncadd.s32 $0xFFFFEC00  }
.LBB2_3:
0x58: {  	[tilespmem:s24], [sflag:$0x5] =	stream.indirect.gather [hbm4b:s4+s15], $0x80, s21, s15, $0xb8;
	[tilespmem:$0x1DC00] =	vst v63  }
0x59: {  	s21 =	smov.u32 s19  }
0x5a: {  	p0 =	sne.s32 s19, $0x5000;
	s19 =	sadd.s32 $0xA00, s19;
	_ =	swait.ge [sflag:s25], $0x1400  }
0x5b: {  	s21 =	sshra.s32 s21, $0x2;
	[sflag:s25] =	ssyncset.done $0x0  }
0x5c: {  	s23 =	sadd.s32 $0x1C00, s21;
	[sflag:s25] =	ssyncadd.s32 $0xFFFFEC00  }
0x5d: {  	[spmem:s1] =	stream.indirect.scatter.add.f32 [tilespmem:s16], [sflag:$0x6], $0x80, s23, s15, $0xb8;
	[tilespmem:$0x1DC00] =	vst v63  }
0x5e: {  	_ =	swait.ge [sflag:s26], $0x1400  }
0x5f: {  	[sflag:s26] =	ssyncset.done $0x0  }
0x60: {  	s23 =	sadd.s32 $0x1C80, s21;
	[sflag:s26] =	ssyncadd.s32 $0xFFFFEC00  }
0x61: {  	[spmem:s1] =	stream.indirect.scatter.add.f32 [tilespmem:s18], [sflag:$0x7], $0x80, s23, s15, $0xb8;
	[tilespmem:$0x1DC00] =	vst v63  }
0x62: {  	_ =	swait.ge [sflag:s28], $0x1400  }
0x63: {  	[sflag:s28] =	ssyncset.done $0x0  }
0x64: {  	s23 =	sadd.s32 $0x1D00, s21;
	[sflag:s28] =	ssyncadd.s32 $0xFFFFEC00  }
0x65: {  	[spmem:s1] =	stream.indirect.scatter.add.f32 [tilespmem:s20], [sflag:$0x8], $0x80, s23, s15, $0xb8;
	[tilespmem:$0x1DC00] =	vst v63  }
0x66: {  	_ =	swait.ge [sflag:s29], $0x1400  }
0x67: {  	[sflag:s29] =	ssyncset.done $0x0  }
0x68: {  	s23 =	sadd.s32 $0x1D80, s21;
	[sflag:s29] =	ssyncadd.s32 $0xFFFFEC00  }
0x69: {  	[spmem:s1] =	stream.indirect.scatter.add.f32 [tilespmem:s22], [sflag:$0x9], $0x80, s23, s15, $0xb8;
	[tilespmem:$0x1DC00] =	vst v63  }
0x6a: {  	_ =	swait.ge [sflag:s30], $0x1400  }
0x6b: {  	[sflag:s30] =	ssyncset.done $0x0  }
0x6c: {  	s23 =	sadd.s32 $0x1E00, s21;
	[sflag:s30] =	ssyncadd.s32 $0xFFFFEC00  }
0x6d: {  	[spmem:s1] =	stream.indirect.scatter.add.f32 [tilespmem:s24], [sflag:$0xA], $0x80, s23, s15, $0xb8;
	[tilespmem:$0x1DC00] =	vst v63  }
0x6e: {  	_ =	swait.ge [sflag:s31], $0x1400  }
0x6f: {  	[sflag:s31] =	ssyncset.done $0x0  }
0x70: {  	s23 =	sadd.s32 $0x280, s21;
	[sflag:s31] =	ssyncadd.s32 $0xFFFFEC00  }
0x71: {  	[tilespmem:s16], [sflag:$0x1] =	stream.indirect.gather [hbm4b:s4+s15], $0x80, s23, s15, $0xb8;
	[tilespmem:$0x1DC00] =	vst v63  }
0x72: {  	_ =	swait.ge [sflag:s0], $0x1400  }
0x73: {  	[sflag:s0] =	ssyncset.done $0x0  }
0x74: {  	s23 =	sadd.s32 $0x300, s21;
	[sflag:s0] =	ssyncadd.s32 $0xFFFFEC00  }
0x75: {  	[tilespmem:s18], [sflag:$0x2] =	stream.indirect.gather [hbm4b:s4+s15], $0x80, s23, s15, $0xb8;
	[tilespmem:$0x1DC00] =	vst v63  }
0x76: {  	_ =	swait.ge [sflag:s3], $0x1400  }
0x77: {  	[sflag:s3] =	ssyncset.done $0x0  }
0x78: {  	s23 =	sadd.s32 $0x380, s21;
	[sflag:s3] =	ssyncadd.s32 $0xFFFFEC00  }
0x79: {  	[tilespmem:s20], [sflag:$0x3] =	stream.indirect.gather [hbm4b:s4+s15], $0x80, s23, s15, $0xb8;
	[tilespmem:$0x1DC00] =	vst v63  }
0x7a: {  	_ =	swait.ge [sflag:s7], $0x1400  }
0x7b: {  	[sflag:s7] =	ssyncset.done $0x0  }
.Ltmp0:
0x7c: {  	s23 =	sadd.s32 $0x400, s21;
	[sflag:s7] =	ssyncadd.s32 $0xFFFFEC00;
	(pc) =	sbr.rel @p0 .LBB2_3-.Ltmp0, $4  }
0x7d: {  	[tilespmem:s22], [sflag:$0x4] =	stream.indirect.gather [hbm4b:s4+s15], $0x80, s23, s15, $0xb8;
	[tilespmem:$0x1DC00] =	vst v63  }
0x7e: {  	_ =	swait.ge [sflag:s10], $0x1400  }
0x7f: {  	[sflag:s10] =	ssyncset.done $0x0  }
0x80: {  	s21 =	sadd.s32 $0x480, s21;
	[sflag:s10] =	ssyncadd.s32 $0xFFFFEC00  }
0x81: {  	[tilespmem:s24], [sflag:$0x5] =	stream.indirect.gather [hbm4b:s4+s15], $0x80, s21, s15, $0xb8;
	[tilespmem:$0x1DC00] =	vst v63  }
0x82: {  	_ =	swait.ge [sflag:s25], $0x1400  }
0x83: {  	[sflag:s25] =	ssyncset.done $0x0  }
0x84: {  	[sflag:s25] =	ssyncadd.s32 $0xFFFFEC00  }
0x85: {  	[spmem:s1] =	stream.indirect.scatter.add.f32 [tilespmem:s16], [sflag:$0x6], $0x80, s11, s15, $0xb8;
	[tilespmem:$0x1DC00] =	vst v63  }
0x86: {  	_ =	swait.ge [sflag:s26], $0x1400  }
0x87: {  	[sflag:s26] =	ssyncset.done $0x0  }
0x88: {  	[sflag:s26] =	ssyncadd.s32 $0xFFFFEC00  }
0x89: {  	[spmem:s1] =	stream.indirect.scatter.add.f32 [tilespmem:s18], [sflag:$0x7], $0x80, s8, s15, $0xb8;
	[tilespmem:$0x1DC00] =	vst v63  }
0x8a: {  	_ =	swait.ge [sflag:s28], $0x1400  }
0x8b: {  	[sflag:s28] =	ssyncset.done $0x0  }
0x8c: {  	[sflag:s28] =	ssyncadd.s32 $0xFFFFEC00  }
0x8d: {  	[spmem:s1] =	stream.indirect.scatter.add.f32 [tilespmem:s20], [sflag:$0x8], $0x80, s12, s15, $0xb8;
	[tilespmem:$0x1DC00] =	vst v63  }
0x8e: {  	_ =	swait.ge [sflag:s29], $0x1400  }
0x8f: {  	[sflag:s29] =	ssyncset.done $0x0  }
0x90: {  	[sflag:s29] =	ssyncadd.s32 $0xFFFFEC00  }
0x91: {  	[spmem:s1] =	stream.indirect.scatter.add.f32 [tilespmem:s22], [sflag:$0x9], $0x80, s2, s15, $0xb8;
	[tilespmem:$0x1DC00] =	vst v63  }
0x92: {  	_ =	swait.ge [sflag:s30], $0x1400  }
0x93: {  	[sflag:s30] =	ssyncset.done $0x0  }
0x94: {  	[sflag:s30] =	ssyncadd.s32 $0xFFFFEC00  }
0x95: {  	[spmem:s1] =	stream.indirect.scatter.add.f32 [tilespmem:s24], [sflag:$0xA], $0x80, s14, s15, $0xb8;
	[tilespmem:$0x1DC00] =	vst v63  }
0x96: {  	_ =	swait.ge [sflag:s31], $0x1400  }
0x97: {  	[sflag:s31] =	ssyncset.done $0x0  }
0x98: {  	[sflag:s31] =	ssyncadd.s32 $0xFFFFEC00  }
0x99: {  	_ =	swait.ge [sflag:s0], $0x1400  }
0x9a: {  	[sflag:s0] =	ssyncset.done $0x0  }
0x9b: {  	[sflag:s0] =	ssyncadd.s32 $0xFFFFEC00  }
0x9c: {  	_ =	swait.ge [sflag:s3], $0x1400  }
0x9d: {  	[sflag:s3] =	ssyncset.done $0x0  }
0x9e: {  	s17 =	sadd.s32 $0x1, s17;
	[sflag:s3] =	ssyncadd.s32 $0xFFFFEC00  }
0x9f: {  	p0 =	sne.s32 s17, $0x5;
	_ =	swait.ge [sflag:s7], $0x1400  }
.Ltmp1:
0xa0: {  	[sflag:s7] =	ssyncset.done $0x0;
	(pc) =	sbr.rel @p0 .LBB2_2-.Ltmp1, $4  }
0xa1: {  	[sflag:s7] =	ssyncadd.s32 $0xFFFFEC00  }
0xa2: {  	_ =	swait.ge [sflag:s10], $0x1400  }
0xa3: {  	[sflag:s10] =	ssyncset.done $0x0  }
0xa4: {  	[sflag:s10] =	ssyncadd.s32 $0xFFFFEC00  }
0xa5: {  	[bflag:$0x0] =	sbarrier.arrive $0xFFFF  }
0xa6: {  	s19 =	rddreg [dreg:$0x5]  }
0xa7: {  	s17 =	rddreg [dreg:$0x7]  }
0xa8: {  	s23 =	rddreg [dreg:$0x8]  }
0xa9: {  	[hbm:s17], [sflag:s19] =	dma.local [spmem:s23], $0x2800  }
0xaa: {  	_ =	swait.ge [sflag:s13], $0x2800  }
0xab: {  	s21 =	rddreg [dreg:$0x3]  }
0xac: {  	s17 =	sadd.s32 $0x1, s21;
	s21 =	rddreg [dreg:$0x6]  }
0xad: {  	p0 =	sne.s32 s17, s21  }
.Ltmp2:
0xae: {  	_ = 	snop;
	(pc) =	sbr.rel @p0 .LBB2_1-.Ltmp2, $3  }
0xaf: {  	_ =	sdelay $0x1  }
0xb0: {  	[sflag:s13] =	ssyncset.done $0x0  }
0xb1: {  	[sflag:s13] =	ssyncadd.s32 $0xFFFFD800  }
0xb2: {  	_ =	sfence.sel $0x180000  }
0xb3: {  	[bflag:$0x0] =	sbarrier.arrive $0xFFFF  }
0xb4: {  	_ =	strace $0x9000004A  }
0xb5: {  	s0 =	stileid.u32;
	[bflag:$0x2] =	sbarrier.arrive $0xFFFF  }
0xb6: {  	p0 =	sne.s32 s0, $0x0;
	s0 =	rddreg [dreg:$0x2]  }
0xb7: {  	s0 =	sadd.s32 @!p0 $0x100000, s0  }
0xb8: {  	[sflag:s0] =	ssyncadd.tile.s32 @!p0 $0x1;
	_ =	shalt  }
.Lfunc_end2:
_tile_overlayer_lowered:
.L_overlay_start_2:
0xb9: {  	(tag) =	ssettag $0x2  }
0xba: {  	s0 =	rddreg [dreg:$0x0];
	s2 =	stileid.u32  }
0xbb: {  	s1 =	rddreg [dreg:$0x1];
	p0 =	sne.s32 s2, $0x0  }
0xbc: {  	s3 =	rddreg [dreg:$0x2];
	[bflag:$0x3] =	sbarrier.arrive $0xFFFF;
	s2 =	simm.s32 @!p0 $0x1C0B  }
0xbd: {  	[timem:s3], [sflag:s2] =	dma.local @!p0 [hbm:s0], s1  }
0xbe: {  	s0 =	simm.s32 @!p0 $0xB  }
0xbf: {  	_ =	swait.ge @!p0 [sflag:s0], s1  }
0xc0: {  	s1 =	ssub.s32 @!p0 $0x0, s1;
	[sflag:s0] =	ssyncset.done @!p0 $0x0  }
0xc1: {  	[sflag:s0] =	ssyncadd.s32 @!p0 s1  }
0xc2: {  	[bflag:$0x3] =	sbarrier.arrive $0xFFFF  }
0xc3: {  	_ =	shalt  }

// kernel: kernel.14.cloned.1.call-start
scs
__scs_entry_jumppad:
0x0: {  	(pc) =	sbr.rel $0x88, $3  }
0x1: {  	(tag) =	ssettag $0x0;
	lr =	simm.s32 $0x1  }
0x2: {  	[smem:$0x3F96] =	sst lr;
	_ =	strace $0xD0000000  }
0x3: {  	_ = 	snop  }
0x4: {  	_ = 	snop  }
0x5: {  	_ = 	snop  }
0x6: {  	_ = 	snop  }
0x7: {  	_ = 	snop  }
__scs_overlays_trampoline_lowered:
0x8: {  	[smem:$0x3FA5] =	sst s0  }
0x9: {  	[smem:$0x3FA6] =	sst s1  }
0xa: {  	[smem:$0x3FA7] =	sst s2  }
0xb: {  	[smem:$0x3FA8] =	sst s3  }
0xc: {  	[smem:$0x3FA9] =	sst s4  }
0xd: {  	[smem:$0x3FAA] =	sst s5  }
0xe: {  	[smem:$0x3FAB] =	sst s6  }
0xf: {  	[smem:$0x3FAC] =	sst s7  }
0x10: {  	[smem:$0x3FAD] =	sst s8  }
0x11: {  	[smem:$0x3FAE] =	sst s9;
	s0 =	simm.s32 @!p0 $0x0  }
0x12: {  	s1 =	sld [smem:$0x3F94];
	s0 =	simm.s32 @p0 $0x1  }
0x13: {  	[smem:$0x3FAF] =	sst s0;
	s0 =	simm.s32 @!p1 $0x0  }
0x14: {  	s2 =	sld [smem:$0x3F93];
	s0 =	simm.s32 @p1 $0x1  }
0x15: {  	[smem:$0x3FB0] =	sst s0;
	s0 =	simm.s32 @!p2 $0x0  }
0x16: {  	s3 =	sld [smem:$0x3FDB];
	s0 =	simm.s32 @p2 $0x1  }
0x17: {  	s4 =	simm.s32 $0x1BF5;
	[smem:$0x3FB2] =	sst s0  }
0x18: {  	s0 =	sld [smem:$0x3F95];
	_ =	swait.ge [sflag:s4], $0x0  }
0x19: {  	s7 =	sld [smem:$0x3F96]  }
0x1a: {  	s8 =	sadd.s32 $0xFFFFE003, lr  }
0x1b: {  	s9 =	sadd.s32 $0xFFFFFEF7, lr;
	s5 =	simm.s32 $0xFFFFFFFF;
	p2 =	slt.u32 s8, $0xFFFFF086  }
0x1c: {  	p1 =	slt.u32 s9, $0xF7A;
	s5 =	simm.s32 @!p2 $0x0  }
0x1d: {  	s5 =	simm.s32 @p1 $0x1;
	p0 =	seq.s32 s7, s2  }
0x1e: {  	s7 =	smul.u32 @!p0 $0xF7A, s2;
	p2 =	seq.s32 @!p0 s5, $0x0  }
0x1f: {  	s9 =	smul.u32 $0xF7A, s1;
	s8 =	simm.s32 @!p0 $0x1BF5;
	p2 =	por !p2, p0  }
0x20: {  	[sflag:s8] =	ssyncset.s32 @!p0 $0xFFFFF086;
	s6 =	sadd.s32 @!p0 s3, s7;
	s7 =	simm.s32 @!p0 $0x108  }
0x21: {  	s3 =	sadd.s32 s3, s9;
	s6 =	sadd.s32 @!p0 $0x88, s6;
	s7 =	simm.s32 @p2 $0x1082  }
0x22: {  	[simem:s7], [sflag:s8] =	dma.local @!p0 [hbm:s6], $0xF7A  }
0x23: {  	s9 =	sor.u32 $0xD0000000, s2;
	s6 =	simm.s32 $0x108;
	_ =	swait.ge @!p0 [sflag:s8], $0x0  }
0x24: {  	s3 =	sadd.s32 $0x88, s3;
	s6 =	simm.s32 @!p1 $0x1082;
	[sflag:s4] =	ssyncset.s32 $0xFFFFF086  }
0x25: {  	[simem:s6], [sflag:s4] =	dma.local [hbm:s3], $0xF7A  }
0x26: {  	[smem:$0x3F96] =	sst s1;
	(tag) =	ssettag s2;
	_ =	strace s9  }
0x27: {  	s1 =	sld [smem:$0x3FA6]  }
0x28: {  	s2 =	sld [smem:$0x3FA7]  }
0x29: {  	s4 =	sld [smem:$0x3FA9]  }
0x2a: {  	p0 =	seq.s32 s5, $0x0;
	s5 =	sld [smem:$0x3FAA]  }
0x2b: {  	s6 =	sld [smem:$0x3FAB]  }
0x2c: {  	s7 =	sld [smem:$0x3FAC]  }
0x2d: {  	s3 =	simm.s32 $0x108;
	s8 =	sld [smem:$0x3FAD]  }
0x2e: {  	s3 =	simm.s32 @!p0 $0x1082;
	s9 =	sld [smem:$0x3FAE]  }
0x2f: {  	lr =	sadd.s32 s0, s3;
	s0 =	sld [smem:$0x3FA5]  }
0x30: {  	s3 =	sld [smem:$0x3FA8]  }
0x31: {  	[smem:$0x3FB1] =	sst s10  }
0x32: {  	s10 =	sld [smem:$0x3FAF];
	_ =	sdelay $0x3  }
0x33: {  	p0 =	seq.s32 s10, $0x1;
	s10 =	sld [smem:$0x3FB1];
	_ =	sdelay $0x3  }
0x34: {  	[smem:$0x3FB1] =	sst s10  }
0x35: {  	s10 =	sld [smem:$0x3FB0];
	_ =	sdelay $0x3  }
0x36: {  	p1 =	seq.s32 s10, $0x1;
	s10 =	sld [smem:$0x3FB1];
	_ =	sdelay $0x3  }
0x37: {  	[smem:$0x3FB1] =	sst s10  }
0x38: {  	s10 =	sld [smem:$0x3FB2]  }
0x39: {  	_ = 	snop;
	(pc) =	sbr.ind lr, $3  }
0x3a: {  	_ = 	snop  }
0x3b: {  	_ = 	snop  }
0x3c: {  	p2 =	seq.s32 s10, $0x1;
	s10 =	sld [smem:$0x3FB1]  }
0x3d: {  	_ =	shalt  }
0x3e: {  	_ =	shalt  }
0x3f: {  	_ =	shalt  }
0x40: {  	_ =	shalt  }
0x41: {  	_ =	shalt  }
0x42: {  	_ =	shalt  }
0x43: {  	_ =	shalt  }
0x44: {  	_ =	shalt  }
0x45: {  	_ =	shalt  }
0x46: {  	_ =	shalt  }
0x47: {  	_ =	shalt  }
0x48: {  	_ =	shalt  }
0x49: {  	_ =	shalt  }
0x4a: {  	_ =	shalt  }
0x4b: {  	_ =	shalt  }
0x4c: {  	_ =	shalt  }
0x4d: {  	_ =	shalt  }
0x4e: {  	_ =	shalt  }
0x4f: {  	_ =	shalt  }
0x50: {  	_ =	shalt  }
0x51: {  	_ =	shalt  }
0x52: {  	_ =	shalt  }
0x53: {  	_ =	shalt  }
0x54: {  	_ =	shalt  }
0x55: {  	_ =	shalt  }
0x56: {  	_ =	shalt  }
0x57: {  	_ =	shalt  }
0x58: {  	_ =	shalt  }
0x59: {  	_ =	shalt  }
0x5a: {  	_ =	shalt  }
0x5b: {  	_ =	shalt  }
0x5c: {  	_ =	shalt  }
0x5d: {  	_ =	shalt  }
0x5e: {  	_ =	shalt  }
0x5f: {  	_ =	shalt  }
0x60: {  	_ =	shalt  }
0x61: {  	_ =	shalt  }
0x62: {  	_ =	shalt  }
0x63: {  	_ =	shalt  }
0x64: {  	_ =	shalt  }
0x65: {  	_ =	shalt  }
0x66: {  	_ =	shalt  }
0x67: {  	_ =	shalt  }
0x68: {  	_ =	shalt  }
0x69: {  	_ =	shalt  }
0x6a: {  	_ =	shalt  }
0x6b: {  	_ =	shalt  }
0x6c: {  	_ =	shalt  }
0x6d: {  	_ =	shalt  }
0x6e: {  	_ =	shalt  }
0x6f: {  	_ =	shalt  }
0x70: {  	_ =	shalt  }
0x71: {  	_ =	shalt  }
0x72: {  	_ =	shalt  }
0x73: {  	_ =	shalt  }
0x74: {  	_ =	shalt  }
0x75: {  	_ =	shalt  }
0x76: {  	_ =	shalt  }
0x77: {  	_ =	shalt  }
0x78: {  	_ =	shalt  }
0x79: {  	_ =	shalt  }
0x7a: {  	_ =	shalt  }
0x7b: {  	_ =	shalt  }
0x7c: {  	_ =	shalt  }
0x7d: {  	_ =	shalt  }
0x7e: {  	_ =	shalt  }
0x7f: {  	_ =	shalt  }
0x80: {  	_ =	shalt  }
0x81: {  	_ =	shalt  }
0x82: {  	_ =	shalt  }
0x83: {  	_ =	shalt  }
0x84: {  	_ =	shalt  }
0x85: {  	_ =	shalt  }
0x86: {  	_ =	shalt  }
0x87: {  	_ =	shalt  }
.Lfunc_end0:
.L_simem_size_0:
called_computation.2_lowered:
.L_overlay_start_0:
0x88: {  	s2 =	sld [smem:$0x3FD9]  }
0x89: {  	s3 =	sld [smem:$0x3FFE];
	_ =	sdelay $0x1  }
0x8a: {  	s1 =	srdreg.scid  }
0x8b: {  	s0 =	sand.u32 $0x1, s1  }
0x8c: {  	s16 =	sshll.u32 s0, $0xA;
	s2 =	sadd.s32 s3, s2  }
0x8d: {  	s2 =	sadd.s32 s2, s16  }
0x8e: {  	[smem:$0x3FBD] =	sst s2  }
0x8f: {  	_ = 	snop  }
0x90: {  	(tm) =	ssettm $0x1  }
0x91: {  	s17 =	sld [smem:$0x3FFB];
	_ =	sdelay $0x3  }
0x92: {  	_ =	strace s17  }
0x93: {  	s2 =	sld [smem:$0x3FFC];
	_ =	sdelay $0x3  }
0x94: {  	_ =	strace s2  }
0x95: {  	s2 =	sld [smem:$0x3FFD];
	_ =	sdelay $0x3  }
0x96: {  	_ =	strace s2  }
0x97: {  	_ =	strace $0x8FFFFFFF  }
0x98: {  	s18 =	sld [smem:$0x3FDB];
	_ =	sdelay $0x1  }
0x99: {  	s19 =	simm.s32 $_scs_section_size  }
0x9a: {  	s4 =	simm.s32 $_size__tile_overlayer_lowered;
	s5 =	simm.s32 $_tile_overlayer_lowered  }
0x9b: {  	s22 =	simm.s32 $0x1BFF;
	s21 =	sshll.u32 s5, $0x1;
	s2 =	sadd.s32 s19, s18  }
0x9c: {  	s6 =	simm.s32 $0x0;
	s20 =	sshll.u32 s4, $0x1;
	s4 =	sadd.s32 s21, s2  }
0x9d: {  	[timem:s6], [sflag:s22] =	dma.local [hbm:s4], s20  }
0x9e: {  	_ =	swait.ge [sflag:s22], s20  }
0x9f: {  	s3 =	ssub.s32 $0x0, s20;
	[sflag:s22] =	ssyncset.done $0x0  }
0xa0: {  	[sflag:s22] =	ssyncadd.s32 s3;
	_ =	sdelay $0x1  }
0xa1: {  	s23 =	simm.s32 $0x1B8B  }
0xa2: {  	_ =	swait.ge [sflag:s23], $0x1  }
0xa3: {  	[sflag:s23] =	ssyncset.done $0x0  }
0xa4: {  	s25 =	simm.s32 $0x1B8E;
	s24 =	sld [smem:$0x3FFE];
	[sflag:s23] =	ssyncadd.s32 $0xFFFFFFFF  }
0xa5: {  	s26 =	simm.s32 $execute0_lowered;
	[smem:$0x3FD2] =	sst s25  }
0xa6: {  	s4 =	sshll.u32 s26, $0x1;
	_ =	strace $0x8000004C;
	[dreg:$0x1] =	wrdreg $0xFFFFFFFF  }
0xa7: {  	s28 =	simm.s32 $_size_execute0_lowered;
	s2 =	sadd.s32 s2, s4;
	[dreg:$0x0] =	wrdreg $0x0  }
0xa8: {  	s4 =	sshll.u32 s28, $0x1;
	[dreg:$0x2] =	wrdreg s2  }
0xa9: {  	[dreg:$0x3] =	wrdreg s4  }
0xaa: {  	[dreg:$0x4] =	wrdreg $0xC0  }
0xab: {  	_ =	task [dreg:s6], $0x5FFFF  }
0xac: {  	[dreg:$0x1] =	wrdreg $0xFFFFFFFF  }
0xad: {  	[dreg:$0x0] =	wrdreg $0x60  }
0xae: {  	[dreg:$0x2] =	wrdreg s24  }
0xaf: {  	[dreg:$0x3] =	wrdreg $0x9C000  }
0xb0: {  	[dreg:$0x4] =	wrdreg $0x9  }
0xb1: {  	_ =	task.clear_ibuf [dreg:s6], $0x5FFFF;
	_ =	strace $0x9000004C  }
0xb2: {  	s29 =	simm.s32 $0x9;
	_ =	strace $0x8000004E  }
0xb3: {  	_ =	swait.ge [sflag:s29], $0x1  }
0xb4: {  	[sflag:s29] =	ssyncadd.s32 $0xFFFFFFFF  }
0xb5: {  	_ =	strace $0x9000004E  }
0xb6: {  	_ =	sfence  }
0xb7: {  	s30 =	sld [smem:$0x0];
	_ =	sdelay $0x2  }
0xb8: {  	s31 =	sshll.u32 s1, $0xD;
	s1 =	sshrl.u32 s1, $0x2  }
0xb9: {  	s3 =	sand.u32 $0x4000, s31;
	s1 =	sadd.s32 s1, s30  }
0xba: {  	s0 =	sor.u32 s3, s0;
	s1 =	sshll.u32 s1, $0x11  }
0xbb: {  	s0 =	sor.u32 s1, s0  }
0xbc: {  	s0 =	sadd.s32 $0x8F2B, s0  }
0xbd: {  	[sflag:s0] =	ssyncadd.remote.s32 $0x1  }
0xbe: {  	_ =	sfence.sel $0xFFFF  }
0xbf: {  	[dreg:$0x0] =	wrdreg $0xFFFFFFFF;
	(pc) =	sbr.abs _section_cstart, $3  }
0xc0: {  	[dreg:$0x1] =	wrdreg $0xFFFFFFFF  }
0xc1: {  	_ =	task.clear_ibuf [dreg:s6], $0x2FFFF;
	_ =	strace $0x9FFFFFFF  }
0xc2: {  	(tm) =	ssettm $0x7FFFFFFF  }
0xc3: {  	_ =	shalt  }
tec
execute0_lowered:
.L_overlay_start_1:
0x0: {  	(tag) =	ssettag $0x1  }
0x1: {  	s0 =	rddreg [dreg:$0x0]  }
0x2: {  	s1 =	rddreg [dreg:$0x1];
	s17 =	simm.s32 $0x0;
	s2 =	srdreg.scid  }
0x3: {  	s10 =	stileid.u32;
	s13 =	simm.s32 $0xB;
	s15 =	simm.s32 $0x28  }
0x4: {  	s16 =	simm.s32 $0x3800;
	s18 =	simm.s32 $0x4C00;
	s20 =	simm.s32 $0x6000  }
0x5: {  	s22 =	simm.s32 $0x7400;
	s28 =	simm.s32 $0x3;
	s29 =	simm.s32 $0x4  }
0x6: {  	s30 =	simm.s32 $0x5;
	s31 =	simm.s32 $0x6;
	s11 =	simm.s32 $0x3280  }
0x7: {  	s12 =	simm.s32 $0x3380;
	s14 =	simm.s32 $0x3480;
	[smem:$0x7FF] =	sst s17  }
0x8: {  	s4 =	sadd.s32 $0x63A00, s0;
	s5 =	sadd.s32 $0x40A00, s0;
	s2 =	sand.u32 $0x1, s2  }
0x9: {  	s6 =	sadd.s32 $0x1DA00, s0;
	s7 =	smul.u32 $0x50000, s10;
	s8 =	sadd.s32 $0x3600, s0  }
0xa: {  	s25 =	sshll.u32 s10, $0x6;
	_ =	strace $0x8000004D;
	s3 =	ssub.s32 $0x2, s2  }
0xb: {  	[dreg:$0x4] =	wrdreg s8;
	s9 =	sshll.u32 s2, $0x4;
	p0 =	seq.s32 s2, $0x1  }
0xc: {  	s2 =	simm.s32 $0xB2C00;
	s19 =	sor.u32 $0x1C0B, s25;
	s25 =	simm.s32 $0x1  }
0xd: {  	s8 =	simm.s32 $0x3300;
	s23 =	sshrl.u32 s3, $0x1;
	s24 =	sor.u32 s10, s9  }
0xe: {  	s7 =	sshrl.u32 s7, $0x2;
	s10 =	smul.u32 $0x2800, s10;
	s2 =	simm.s32 @!p0 $0x8AC00  }
0xf: {  	[dreg:$0x5] =	wrdreg s19;
	s3 =	ssub.s32 s3, s23;
	s7 =	sadd.s32 s7, s1  }
0x10: {  	s9 =	smul.u32 $0x8C00, s24;
	s0 =	sadd.s32 s2, s0;
	s24 =	simm.s32 $0x8800  }
0x11: {  	s2 =	simm.s32 $0x3400;
	s26 =	smax.u32 s3, $0x1;
	s0 =	sadd.s32 s0, s10  }
0x12: {  	s23 =	sshrl.u32 s7, $0x3;
	s3 =	simm.s32 $0x8;
	[dreg:$0x6] =	wrdreg s26  }
0x13: {  	s7 =	simm.s32 $0x9;
	s10 =	simm.s32 $0xA;
	[dreg:$0x7] =	wrdreg s0  }
0x14: {  	s26 =	simm.s32 $0x2;
	s0 =	simm.s32 $0x7;
	[dreg:$0x8] =	wrdreg s23  }
.LBB2_1:
0x15: {  	[dreg:$0x3] =	wrdreg s17  }
0x16: {  	s21 =	rddreg [dreg:$0x4]  }
0x17: {  	[spmem:s23], [sflag:s19] =	dma.local [hbm:s21], $0x2800  }
0x18: {  	_ =	swait.ge [sflag:s13], $0x2800  }
0x19: {  	[sflag:s13] =	ssyncset.done $0x0  }
0x1a: {  	[sflag:s13] =	ssyncadd.s32 $0xFFFFD800  }
0x1b: {  	s17 =	simm.s32 $0x0;
	[bflag:$0x0] =	sbarrier.arrive $0xFFFF  }
.LBB2_2:
0x1c: {  	s19 =	smul.u32 $0x1C00, s17;
	_ =	sdelay $0x1  }
0x1d: {  	s19 =	sadd.s32 s9, s19  }
0x1e: {  	s19 =	sshrl.u32 s19, $0x3  }
0x1f: {  	s23 =	simm.s32 $0x0;
	s21 =	sadd.s32 s5, s19  }
0x20: {  	[tilespmem:s23], [sflag:$0xB] =	stream.linear.gather [hbm4b:s21+s23], $0x1900, $0x38;
	[tilespmem:$0x1DC00] =	vst v63  }
0x21: {  	_ =	swait.ge [sflag:s13], $0x1900  }
0x22: {  	[sflag:s13] =	ssyncset.done $0x0  }
0x23: {  	s19 =	sadd.s32 s6, s19;
	s21 =	simm.s32 $0x1C00;
	[sflag:s13] =	ssyncadd.s32 $0xFFFFE700  }
0x24: {  	[tilespmem:s21], [sflag:$0xB] =	stream.linear.gather [hbm4b:s19+s23], $0x1900, $0x38;
	[tilespmem:$0x1DC00] =	vst v63  }
0x25: {  	_ =	swait.ge [sflag:s13], $0x1900  }
0x26: {  	[sflag:s13] =	ssyncset.done $0x0  }
0x27: {  	[sflag:s13] =	ssyncadd.s32 $0xFFFFE700  }
0x28: {  	[tilespmem:s16], [sflag:$0x1] =	stream.indirect.gather [hbm4b:s4+s15], $0x80, s23, s15, $0xb8;
	[tilespmem:$0x1DC00] =	vst v63  }
0x29: {  	s23 =	simm.s32 $0x80  }
0x2a: {  	[tilespmem:s18], [sflag:$0x2] =	stream.indirect.gather [hbm4b:s4+s15], $0x80, s23, s15, $0xb8;
	[tilespmem:$0x1DC00] =	vst v63  }
0x2b: {  	s21 =	simm.s32 $0x100  }
0x2c: {  	[tilespmem:s20], [sflag:$0x3] =	stream.indirect.gather [hbm4b:s4+s15], $0x80, s21, s15, $0xb8;
	[tilespmem:$0x1DC00] =	vst v63  }
0x2d: {  	s23 =	simm.s32 $0x180  }
0x2e: {  	[tilespmem:s22], [sflag:$0x4] =	stream.indirect.gather [hbm4b:s4+s15], $0x80, s23, s15, $0xb8;
	[tilespmem:$0x1DC00] =	vst v63  }
0x2f: {  	s21 =	simm.s32 $0x200  }
0x30: {  	[tilespmem:s24], [sflag:$0x5] =	stream.indirect.gather [hbm4b:s4+s15], $0x80, s21, s15, $0xb8;
	[tilespmem:$0x1DC00] =	vst v63  }
0x31: {  	_ =	swait.ge [sflag:s25], $0x1400  }
0x32: {  	[sflag:s25] =	ssyncset.done $0x0  }
0x33: {  	s23 =	simm.s32 $0x1C00;
	[sflag:s25] =	ssyncadd.s32 $0xFFFFEC00  }
0x34: {  	[spmem:s1] =	stream.indirect.scatter.add.f32 [tilespmem:s16], [sflag:$0x6], $0x80, s23, s15, $0xb8;
	[tilespmem:$0x1DC00] =	vst v63  }
0x35: {  	_ =	swait.ge [sflag:s26], $0x1400  }
0x36: {  	[sflag:s26] =	ssyncset.done $0x0  }
0x37: {  	s21 =	simm.s32 $0x1C80;
	[sflag:s26] =	ssyncadd.s32 $0xFFFFEC00  }
0x38: {  	[spmem:s1] =	stream.indirect.scatter.add.f32 [tilespmem:s18], [sflag:$0x7], $0x80, s21, s15, $0xb8;
	[tilespmem:$0x1DC00] =	vst v63  }
0x39: {  	_ =	swait.ge [sflag:s28], $0x1400  }
0x3a: {  	[sflag:s28] =	ssyncset.done $0x0  }
0x3b: {  	s23 =	simm.s32 $0x1D00;
	[sflag:s28] =	ssyncadd.s32 $0xFFFFEC00  }
0x3c: {  	[spmem:s1] =	stream.indirect.scatter.add.f32 [tilespmem:s20], [sflag:$0x8], $0x80, s23, s15, $0xb8;
	[tilespmem:$0x1DC00] =	vst v63  }
0x3d: {  	_ =	swait.ge [sflag:s29], $0x1400  }
0x3e: {  	[sflag:s29] =	ssyncset.done $0x0  }
0x3f: {  	s21 =	simm.s32 $0x1D80;
	[sflag:s29] =	ssyncadd.s32 $0xFFFFEC00  }
0x40: {  	[spmem:s1] =	stream.indirect.scatter.add.f32 [tilespmem:s22], [sflag:$0x9], $0x80, s21, s15, $0xb8;
	[tilespmem:$0x1DC00] =	vst v63  }
0x41: {  	_ =	swait.ge [sflag:s30], $0x1400  }
0x42: {  	[sflag:s30] =	ssyncset.done $0x0  }
0x43: {  	s23 =	simm.s32 $0x1E00;
	[sflag:s30] =	ssyncadd.s32 $0xFFFFEC00  }
0x44: {  	[spmem:s1] =	stream.indirect.scatter.add.f32 [tilespmem:s24], [sflag:$0xA], $0x80, s23, s15, $0xb8;
	[tilespmem:$0x1DC00] =	vst v63  }
0x45: {  	_ =	swait.ge [sflag:s31], $0x1400  }
0x46: {  	[sflag:s31] =	ssyncset.done $0x0  }
0x47: {  	s21 =	simm.s32 $0x280;
	[sflag:s31] =	ssyncadd.s32 $0xFFFFEC00  }
0x48: {  	[tilespmem:s16], [sflag:$0x1] =	stream.indirect.gather [hbm4b:s4+s15], $0x80, s21, s15, $0xb8;
	[tilespmem:$0x1DC00] =	vst v63  }
0x49: {  	_ =	swait.ge [sflag:s0], $0x1400  }
0x4a: {  	[sflag:s0] =	ssyncset.done $0x0  }
0x4b: {  	s23 =	simm.s32 $0x300;
	[sflag:s0] =	ssyncadd.s32 $0xFFFFEC00  }
0x4c: {  	[tilespmem:s18], [sflag:$0x2] =	stream.indirect.gather [hbm4b:s4+s15], $0x80, s23, s15, $0xb8;
	[tilespmem:$0x1DC00] =	vst v63  }
0x4d: {  	_ =	swait.ge [sflag:s3], $0x1400  }
0x4e: {  	[sflag:s3] =	ssyncset.done $0x0  }
0x4f: {  	s21 =	simm.s32 $0x380;
	[sflag:s3] =	ssyncadd.s32 $0xFFFFEC00  }
0x50: {  	[tilespmem:s20], [sflag:$0x3] =	stream.indirect.gather [hbm4b:s4+s15], $0x80, s21, s15, $0xb8;
	[tilespmem:$0x1DC00] =	vst v63  }
0x51: {  	_ =	swait.ge [sflag:s7], $0x1400  }
0x52: {  	[sflag:s7] =	ssyncset.done $0x0  }
0x53: {  	s23 =	simm.s32 $0x400;
	[sflag:s7] =	ssyncadd.s32 $0xFFFFEC00  }
0x54: {  	[tilespmem:s22], [sflag:$0x4] =	stream.indirect.gather [hbm4b:s4+s15], $0x80, s23, s15, $0xb8;
	[tilespmem:$0x1DC00] =	vst v63  }
0x55: {  	_ =	swait.ge [sflag:s10], $0x1400  }
0x56: {  	[sflag:s10] =	ssyncset.done $0x0  }
0x57: {  	s19 =	simm.s32 $0xA00;
	s21 =	simm.s32 $0x480;
	[sflag:s10] =	ssyncadd.s32 $0xFFFFEC00  }
.LBB2_3:
0x58: {  	[tilespmem:s24], [sflag:$0x5] =	stream.indirect.gather [hbm4b:s4+s15], $0x80, s21, s15, $0xb8;
	[tilespmem:$0x1DC00] =	vst v63  }
0x59: {  	s21 =	smov.u32 s19  }
0x5a: {  	p0 =	sne.s32 s19, $0x5000;
	s19 =	sadd.s32 $0xA00, s19;
	_ =	swait.ge [sflag:s25], $0x1400  }
0x5b: {  	s21 =	sshra.s32 s21, $0x2;
	[sflag:s25] =	ssyncset.done $0x0  }
0x5c: {  	s23 =	sadd.s32 $0x1C00, s21;
	[sflag:s25] =	ssyncadd.s32 $0xFFFFEC00  }
0x5d: {  	[spmem:s1] =	stream.indirect.scatter.add.f32 [tilespmem:s16], [sflag:$0x6], $0x80, s23, s15, $0xb8;
	[tilespmem:$0x1DC00] =	vst v63  }
0x5e: {  	_ =	swait.ge [sflag:s26], $0x1400  }
0x5f: {  	[sflag:s26] =	ssyncset.done $0x0  }
0x60: {  	s23 =	sadd.s32 $0x1C80, s21;
	[sflag:s26] =	ssyncadd.s32 $0xFFFFEC00  }
0x61: {  	[spmem:s1] =	stream.indirect.scatter.add.f32 [tilespmem:s18], [sflag:$0x7], $0x80, s23, s15, $0xb8;
	[tilespmem:$0x1DC00] =	vst v63  }
0x62: {  	_ =	swait.ge [sflag:s28], $0x1400  }
0x63: {  	[sflag:s28] =	ssyncset.done $0x0  }
0x64: {  	s23 =	sadd.s32 $0x1D00, s21;
	[sflag:s28] =	ssyncadd.s32 $0xFFFFEC00  }
0x65: {  	[spmem:s1] =	stream.indirect.scatter.add.f32 [tilespmem:s20], [sflag:$0x8], $0x80, s23, s15, $0xb8;
	[tilespmem:$0x1DC00] =	vst v63  }
0x66: {  	_ =	swait.ge [sflag:s29], $0x1400  }
0x67: {  	[sflag:s29] =	ssyncset.done $0x0  }
0x68: {  	s23 =	sadd.s32 $0x1D80, s21;
	[sflag:s29] =	ssyncadd.s32 $0xFFFFEC00  }
0x69: {  	[spmem:s1] =	stream.indirect.scatter.add.f32 [tilespmem:s22], [sflag:$0x9], $0x80, s23, s15, $0xb8;
	[tilespmem:$0x1DC00] =	vst v63  }
0x6a: {  	_ =	swait.ge [sflag:s30], $0x1400  }
0x6b: {  	[sflag:s30] =	ssyncset.done $0x0  }
0x6c: {  	s23 =	sadd.s32 $0x1E00, s21;
	[sflag:s30] =	ssyncadd.s32 $0xFFFFEC00  }
0x6d: {  	[spmem:s1] =	stream.indirect.scatter.add.f32 [tilespmem:s24], [sflag:$0xA], $0x80, s23, s15, $0xb8;
	[tilespmem:$0x1DC00] =	vst v63  }
0x6e: {  	_ =	swait.ge [sflag:s31], $0x1400  }
0x6f: {  	[sflag:s31] =	ssyncset.done $0x0  }
0x70: {  	s23 =	sadd.s32 $0x280, s21;
	[sflag:s31] =	ssyncadd.s32 $0xFFFFEC00  }
0x71: {  	[tilespmem:s16], [sflag:$0x1] =	stream.indirect.gather [hbm4b:s4+s15], $0x80, s23, s15, $0xb8;
	[tilespmem:$0x1DC00] =	vst v63  }
0x72: {  	_ =	swait.ge [sflag:s0], $0x1400  }
0x73: {  	[sflag:s0] =	ssyncset.done $0x0  }
0x74: {  	s23 =	sadd.s32 $0x300, s21;
	[sflag:s0] =	ssyncadd.s32 $0xFFFFEC00  }
0x75: {  	[tilespmem:s18], [sflag:$0x2] =	stream.indirect.gather [hbm4b:s4+s15], $0x80, s23, s15, $0xb8;
	[tilespmem:$0x1DC00] =	vst v63  }
0x76: {  	_ =	swait.ge [sflag:s3], $0x1400  }
0x77: {  	[sflag:s3] =	ssyncset.done $0x0  }
0x78: {  	s23 =	sadd.s32 $0x380, s21;
	[sflag:s3] =	ssyncadd.s32 $0xFFFFEC00  }
0x79: {  	[tilespmem:s20], [sflag:$0x3] =	stream.indirect.gather [hbm4b:s4+s15], $0x80, s23, s15, $0xb8;
	[tilespmem:$0x1DC00] =	vst v63  }
0x7a: {  	_ =	swait.ge [sflag:s7], $0x1400  }
0x7b: {  	[sflag:s7] =	ssyncset.done $0x0  }
.Ltmp0:
0x7c: {  	s23 =	sadd.s32 $0x400, s21;
	[sflag:s7] =	ssyncadd.s32 $0xFFFFEC00;
	(pc) =	sbr.rel @p0 .LBB2_3-.Ltmp0, $4  }
0x7d: {  	[tilespmem:s22], [sflag:$0x4] =	stream.indirect.gather [hbm4b:s4+s15], $0x80, s23, s15, $0xb8;
	[tilespmem:$0x1DC00] =	vst v63  }
0x7e: {  	_ =	swait.ge [sflag:s10], $0x1400  }
0x7f: {  	[sflag:s10] =	ssyncset.done $0x0  }
0x80: {  	s21 =	sadd.s32 $0x480, s21;
	[sflag:s10] =	ssyncadd.s32 $0xFFFFEC00  }
0x81: {  	[tilespmem:s24], [sflag:$0x5] =	stream.indirect.gather [hbm4b:s4+s15], $0x80, s21, s15, $0xb8;
	[tilespmem:$0x1DC00] =	vst v63  }
0x82: {  	_ =	swait.ge [sflag:s25], $0x1400  }
0x83: {  	[sflag:s25] =	ssyncset.done $0x0  }
0x84: {  	[sflag:s25] =	ssyncadd.s32 $0xFFFFEC00  }
0x85: {  	[spmem:s1] =	stream.indirect.scatter.add.f32 [tilespmem:s16], [sflag:$0x6], $0x80, s11, s15, $0xb8;
	[tilespmem:$0x1DC00] =	vst v63  }
0x86: {  	_ =	swait.ge [sflag:s26], $0x1400  }
0x87: {  	[sflag:s26] =	ssyncset.done $0x0  }
0x88: {  	[sflag:s26] =	ssyncadd.s32 $0xFFFFEC00  }
0x89: {  	[spmem:s1] =	stream.indirect.scatter.add.f32 [tilespmem:s18], [sflag:$0x7], $0x80, s8, s15, $0xb8;
	[tilespmem:$0x1DC00] =	vst v63  }
0x8a: {  	_ =	swait.ge [sflag:s28], $0x1400  }
0x8b: {  	[sflag:s28] =	ssyncset.done $0x0  }
0x8c: {  	[sflag:s28] =	ssyncadd.s32 $0xFFFFEC00  }
0x8d: {  	[spmem:s1] =	stream.indirect.scatter.add.f32 [tilespmem:s20], [sflag:$0x8], $0x80, s12, s15, $0xb8;
	[tilespmem:$0x1DC00] =	vst v63  }
0x8e: {  	_ =	swait.ge [sflag:s29], $0x1400  }
0x8f: {  	[sflag:s29] =	ssyncset.done $0x0  }
0x90: {  	[sflag:s29] =	ssyncadd.s32 $0xFFFFEC00  }
0x91: {  	[spmem:s1] =	stream.indirect.scatter.add.f32 [tilespmem:s22], [sflag:$0x9], $0x80, s2, s15, $0xb8;
	[tilespmem:$0x1DC00] =	vst v63  }
0x92: {  	_ =	swait.ge [sflag:s30], $0x1400  }
0x93: {  	[sflag:s30] =	ssyncset.done $0x0  }
0x94: {  	[sflag:s30] =	ssyncadd.s32 $0xFFFFEC00  }
0x95: {  	[spmem:s1] =	stream.indirect.scatter.add.f32 [tilespmem:s24], [sflag:$0xA], $0x80, s14, s15, $0xb8;
	[tilespmem:$0x1DC00] =	vst v63  }
0x96: {  	_ =	swait.ge [sflag:s31], $0x1400  }
0x97: {  	[sflag:s31] =	ssyncset.done $0x0  }
0x98: {  	[sflag:s31] =	ssyncadd.s32 $0xFFFFEC00  }
0x99: {  	_ =	swait.ge [sflag:s0], $0x1400  }
0x9a: {  	[sflag:s0] =	ssyncset.done $0x0  }
0x9b: {  	[sflag:s0] =	ssyncadd.s32 $0xFFFFEC00  }
0x9c: {  	_ =	swait.ge [sflag:s3], $0x1400  }
0x9d: {  	[sflag:s3] =	ssyncset.done $0x0  }
0x9e: {  	s17 =	sadd.s32 $0x1, s17;
	[sflag:s3] =	ssyncadd.s32 $0xFFFFEC00  }
0x9f: {  	p0 =	sne.s32 s17, $0x5;
	_ =	swait.ge [sflag:s7], $0x1400  }
.Ltmp1:
0xa0: {  	[sflag:s7] =	ssyncset.done $0x0;
	(pc) =	sbr.rel @p0 .LBB2_2-.Ltmp1, $4  }
0xa1: {  	[sflag:s7] =	ssyncadd.s32 $0xFFFFEC00  }
0xa2: {  	_ =	swait.ge [sflag:s10], $0x1400  }
0xa3: {  	[sflag:s10] =	ssyncset.done $0x0  }
0xa4: {  	[sflag:s10] =	ssyncadd.s32 $0xFFFFEC00  }
0xa5: {  	[bflag:$0x0] =	sbarrier.arrive $0xFFFF  }
0xa6: {  	s19 =	rddreg [dreg:$0x5]  }
0xa7: {  	s17 =	rddreg [dreg:$0x7]  }
0xa8: {  	s23 =	rddreg [dreg:$0x8]  }
0xa9: {  	[hbm:s17], [sflag:s19] =	dma.local [spmem:s23], $0x2800  }
0xaa: {  	_ =	swait.ge [sflag:s13], $0x2800  }
0xab: {  	s21 =	rddreg [dreg:$0x3]  }
0xac: {  	s17 =	sadd.s32 $0x1, s21;
	s21 =	rddreg [dreg:$0x6]  }
0xad: {  	p0 =	sne.s32 s17, s21  }
.Ltmp2:
0xae: {  	_ = 	snop;
	(pc) =	sbr.rel @p0 .LBB2_1-.Ltmp2, $3  }
0xaf: {  	_ =	sdelay $0x1  }
0xb0: {  	[sflag:s13] =	ssyncset.done $0x0  }
0xb1: {  	[sflag:s13] =	ssyncadd.s32 $0xFFFFD800  }
0xb2: {  	_ =	sfence.sel $0x180000  }
0xb3: {  	[bflag:$0x0] =	sbarrier.arrive $0xFFFF  }
0xb4: {  	_ =	strace $0x9000004D  }
0xb5: {  	s0 =	stileid.u32;
	[bflag:$0x2] =	sbarrier.arrive $0xFFFF  }
0xb6: {  	p0 =	sne.s32 s0, $0x0;
	s0 =	rddreg [dreg:$0x2]  }
0xb7: {  	s0 =	sadd.s32 @!p0 $0x100000, s0  }
0xb8: {  	[sflag:s0] =	ssyncadd.tile.s32 @!p0 $0x1;
	_ =	shalt  }
.Lfunc_end2:
_tile_overlayer_lowered:
.L_overlay_start_2:
0xb9: {  	(tag) =	ssettag $0x2  }
0xba: {  	s0 =	rddreg [dreg:$0x0];
	s2 =	stileid.u32  }
0xbb: {  	s1 =	rddreg [dreg:$0x1];
	p0 =	sne.s32 s2, $0x0  }
0xbc: {  	s3 =	rddreg [dreg:$0x2];
	[bflag:$0x3] =	sbarrier.arrive $0xFFFF;
	s2 =	simm.s32 @!p0 $0x1C0B  }
0xbd: {  	[timem:s3], [sflag:s2] =	dma.local @!p0 [hbm:s0], s1  }
0xbe: {  	s0 =	simm.s32 @!p0 $0xB  }
0xbf: {  	_ =	swait.ge @!p0 [sflag:s0], s1  }
0xc0: {  	s1 =	ssub.s32 @!p0 $0x0, s1;
	[sflag:s0] =	ssyncset.done @!p0 $0x0  }
0xc1: {  	[sflag:s0] =	ssyncadd.s32 @!p0 s1  }
0xc2: {  	[bflag:$0x3] =	sbarrier.arrive $0xFFFF  }
0xc3: {  	_ =	shalt  }

// kernel: kernel.8.cloned.1.call-start
scs
__scs_entry_jumppad:
0x0: {  	(pc) =	sbr.rel $0x88, $3  }
0x1: {  	(tag) =	ssettag $0x0;
	lr =	simm.s32 $0x1  }
0x2: {  	[smem:$0x3F96] =	sst lr;
	_ =	strace $0xD0000000  }
0x3: {  	_ = 	snop  }
0x4: {  	_ = 	snop  }
0x5: {  	_ = 	snop  }
0x6: {  	_ = 	snop  }
0x7: {  	_ = 	snop  }
__scs_overlays_trampoline_lowered:
0x8: {  	[smem:$0x3FA5] =	sst s0  }
0x9: {  	[smem:$0x3FA6] =	sst s1  }
0xa: {  	[smem:$0x3FA7] =	sst s2  }
0xb: {  	[smem:$0x3FA8] =	sst s3  }
0xc: {  	[smem:$0x3FA9] =	sst s4  }
0xd: {  	[smem:$0x3FAA] =	sst s5  }
0xe: {  	[smem:$0x3FAB] =	sst s6  }
0xf: {  	[smem:$0x3FAC] =	sst s7  }
0x10: {  	[smem:$0x3FAD] =	sst s8  }
0x11: {  	[smem:$0x3FAE] =	sst s9;
	s0 =	simm.s32 @!p0 $0x0  }
0x12: {  	s1 =	sld [smem:$0x3F94];
	s0 =	simm.s32 @p0 $0x1  }
0x13: {  	[smem:$0x3FAF] =	sst s0;
	s0 =	simm.s32 @!p1 $0x0  }
0x14: {  	s2 =	sld [smem:$0x3F93];
	s0 =	simm.s32 @p1 $0x1  }
0x15: {  	[smem:$0x3FB0] =	sst s0;
	s0 =	simm.s32 @!p2 $0x0  }
0x16: {  	s3 =	sld [smem:$0x3FDB];
	s0 =	simm.s32 @p2 $0x1  }
0x17: {  	s4 =	simm.s32 $0x1BF5;
	[smem:$0x3FB2] =	sst s0  }
0x18: {  	s0 =	sld [smem:$0x3F95];
	_ =	swait.ge [sflag:s4], $0x0  }
0x19: {  	s7 =	sld [smem:$0x3F96]  }
0x1a: {  	s8 =	sadd.s32 $0xFFFFE003, lr  }
0x1b: {  	s9 =	sadd.s32 $0xFFFFFEF7, lr;
	s5 =	simm.s32 $0xFFFFFFFF;
	p2 =	slt.u32 s8, $0xFFFFF086  }
0x1c: {  	p1 =	slt.u32 s9, $0xF7A;
	s5 =	simm.s32 @!p2 $0x0  }
0x1d: {  	s5 =	simm.s32 @p1 $0x1;
	p0 =	seq.s32 s7, s2  }
0x1e: {  	s7 =	smul.u32 @!p0 $0xF7A, s2;
	p2 =	seq.s32 @!p0 s5, $0x0  }
0x1f: {  	s9 =	smul.u32 $0xF7A, s1;
	s8 =	simm.s32 @!p0 $0x1BF5;
	p2 =	por !p2, p0  }
0x20: {  	[sflag:s8] =	ssyncset.s32 @!p0 $0xFFFFF086;
	s6 =	sadd.s32 @!p0 s3, s7;
	s7 =	simm.s32 @!p0 $0x108  }
0x21: {  	s3 =	sadd.s32 s3, s9;
	s6 =	sadd.s32 @!p0 $0x88, s6;
	s7 =	simm.s32 @p2 $0x1082  }
0x22: {  	[simem:s7], [sflag:s8] =	dma.local @!p0 [hbm:s6], $0xF7A  }
0x23: {  	s9 =	sor.u32 $0xD0000000, s2;
	s6 =	simm.s32 $0x108;
	_ =	swait.ge @!p0 [sflag:s8], $0x0  }
0x24: {  	s3 =	sadd.s32 $0x88, s3;
	s6 =	simm.s32 @!p1 $0x1082;
	[sflag:s4] =	ssyncset.s32 $0xFFFFF086  }
0x25: {  	[simem:s6], [sflag:s4] =	dma.local [hbm:s3], $0xF7A  }
0x26: {  	[smem:$0x3F96] =	sst s1;
	(tag) =	ssettag s2;
	_ =	strace s9  }
0x27: {  	s1 =	sld [smem:$0x3FA6]  }
0x28: {  	s2 =	sld [smem:$0x3FA7]  }
0x29: {  	s4 =	sld [smem:$0x3FA9]  }
0x2a: {  	p0 =	seq.s32 s5, $0x0;
	s5 =	sld [smem:$0x3FAA]  }
0x2b: {  	s6 =	sld [smem:$0x3FAB]  }
0x2c: {  	s7 =	sld [smem:$0x3FAC]  }
0x2d: {  	s3 =	simm.s32 $0x108;
	s8 =	sld [smem:$0x3FAD]  }
0x2e: {  	s3 =	simm.s32 @!p0 $0x1082;
	s9 =	sld [smem:$0x3FAE]  }
0x2f: {  	lr =	sadd.s32 s0, s3;
	s0 =	sld [smem:$0x3FA5]  }
0x30: {  	s3 =	sld [smem:$0x3FA8]  }
0x31: {  	[smem:$0x3FB1] =	sst s10  }
0x32: {  	s10 =	sld [smem:$0x3FAF];
	_ =	sdelay $0x3  }
0x33: {  	p0 =	seq.s32 s10, $0x1;
	s10 =	sld [smem:$0x3FB1];
	_ =	sdelay $0x3  }
0x34: {  	[smem:$0x3FB1] =	sst s10  }
0x35: {  	s10 =	sld [smem:$0x3FB0];
	_ =	sdelay $0x3  }
0x36: {  	p1 =	seq.s32 s10, $0x1;
	s10 =	sld [smem:$0x3FB1];
	_ =	sdelay $0x3  }
0x37: {  	[smem:$0x3FB1] =	sst s10  }
0x38: {  	s10 =	sld [smem:$0x3FB2]  }
0x39: {  	_ = 	snop;
	(pc) =	sbr.ind lr, $3  }
0x3a: {  	_ = 	snop  }
0x3b: {  	_ = 	snop  }
0x3c: {  	p2 =	seq.s32 s10, $0x1;
	s10 =	sld [smem:$0x3FB1]  }
0x3d: {  	_ =	shalt  }
0x3e: {  	_ =	shalt  }
0x3f: {  	_ =	shalt  }
0x40: {  	_ =	shalt  }
0x41: {  	_ =	shalt  }
0x42: {  	_ =	shalt  }
0x43: {  	_ =	shalt  }
0x44: {  	_ =	shalt  }
0x45: {  	_ =	shalt  }
0x46: {  	_ =	shalt  }
0x47: {  	_ =	shalt  }
0x48: {  	_ =	shalt  }
0x49: {  	_ =	shalt  }
0x4a: {  	_ =	shalt  }
0x4b: {  	_ =	shalt  }
0x4c: {  	_ =	shalt  }
0x4d: {  	_ =	shalt  }
0x4e: {  	_ =	shalt  }
0x4f: {  	_ =	shalt  }
0x50: {  	_ =	shalt  }
0x51: {  	_ =	shalt  }
0x52: {  	_ =	shalt  }
0x53: {  	_ =	shalt  }
0x54: {  	_ =	shalt  }
0x55: {  	_ =	shalt  }
0x56: {  	_ =	shalt  }
0x57: {  	_ =	shalt  }
0x58: {  	_ =	shalt  }
0x59: {  	_ =	shalt  }
0x5a: {  	_ =	shalt  }
0x5b: {  	_ =	shalt  }
0x5c: {  	_ =	shalt  }
0x5d: {  	_ =	shalt  }
0x5e: {  	_ =	shalt  }
0x5f: {  	_ =	shalt  }
0x60: {  	_ =	shalt  }
0x61: {  	_ =	shalt  }
0x62: {  	_ =	shalt  }
0x63: {  	_ =	shalt  }
0x64: {  	_ =	shalt  }
0x65: {  	_ =	shalt  }
0x66: {  	_ =	shalt  }
0x67: {  	_ =	shalt  }
0x68: {  	_ =	shalt  }
0x69: {  	_ =	shalt  }
0x6a: {  	_ =	shalt  }
0x6b: {  	_ =	shalt  }
0x6c: {  	_ =	shalt  }
0x6d: {  	_ =	shalt  }
0x6e: {  	_ =	shalt  }
0x6f: {  	_ =	shalt  }
0x70: {  	_ =	shalt  }
0x71: {  	_ =	shalt  }
0x72: {  	_ =	shalt  }
0x73: {  	_ =	shalt  }
0x74: {  	_ =	shalt  }
0x75: {  	_ =	shalt  }
0x76: {  	_ =	shalt  }
0x77: {  	_ =	shalt  }
0x78: {  	_ =	shalt  }
0x79: {  	_ =	shalt  }
0x7a: {  	_ =	shalt  }
0x7b: {  	_ =	shalt  }
0x7c: {  	_ =	shalt  }
0x7d: {  	_ =	shalt  }
0x7e: {  	_ =	shalt  }
0x7f: {  	_ =	shalt  }
0x80: {  	_ =	shalt  }
0x81: {  	_ =	shalt  }
0x82: {  	_ =	shalt  }
0x83: {  	_ =	shalt  }
0x84: {  	_ =	shalt  }
0x85: {  	_ =	shalt  }
0x86: {  	_ =	shalt  }
0x87: {  	_ =	shalt  }
.Lfunc_end0:
.L_simem_size_0:
called_computation_lowered:
.L_overlay_start_0:
0x88: {  	s2 =	sld [smem:$0x3FD9]  }
0x89: {  	s3 =	sld [smem:$0x3FFE];
	_ =	sdelay $0x1  }
0x8a: {  	s1 =	srdreg.scid  }
0x8b: {  	s0 =	sand.u32 $0x1, s1  }
0x8c: {  	s16 =	sshll.u32 s0, $0xA;
	s2 =	sadd.s32 s3, s2  }
0x8d: {  	s2 =	sadd.s32 s2, s16  }
0x8e: {  	[smem:$0x3FBD] =	sst s2  }
0x8f: {  	_ = 	snop  }
0x90: {  	(tm) =	ssettm $0x1  }
0x91: {  	s17 =	sld [smem:$0x3FFB];
	_ =	sdelay $0x3  }
0x92: {  	_ =	strace s17  }
0x93: {  	s2 =	sld [smem:$0x3FFC];
	_ =	sdelay $0x3  }
0x94: {  	_ =	strace s2  }
0x95: {  	s2 =	sld [smem:$0x3FFD];
	_ =	sdelay $0x3  }
0x96: {  	_ =	strace s2  }
0x97: {  	_ =	strace $0x8FFFFFFF  }
0x98: {  	s18 =	sld [smem:$0x3FDB];
	_ =	sdelay $0x1  }
0x99: {  	s19 =	simm.s32 $_scs_section_size  }
0x9a: {  	s4 =	simm.s32 $_size__tile_overlayer_lowered;
	s5 =	simm.s32 $_tile_overlayer_lowered  }
0x9b: {  	s22 =	simm.s32 $0x1BFF;
	s21 =	sshll.u32 s5, $0x1;
	s2 =	sadd.s32 s19, s18  }
0x9c: {  	s6 =	simm.s32 $0x0;
	s20 =	sshll.u32 s4, $0x1;
	s4 =	sadd.s32 s21, s2  }
0x9d: {  	[timem:s6], [sflag:s22] =	dma.local [hbm:s4], s20  }
0x9e: {  	_ =	swait.ge [sflag:s22], s20  }
0x9f: {  	s3 =	ssub.s32 $0x0, s20;
	[sflag:s22] =	ssyncset.done $0x0  }
0xa0: {  	[sflag:s22] =	ssyncadd.s32 s3;
	_ =	sdelay $0x1  }
0xa1: {  	s23 =	simm.s32 $0x1B8B  }
0xa2: {  	_ =	swait.ge [sflag:s23], $0x1  }
0xa3: {  	[sflag:s23] =	ssyncset.done $0x0  }
0xa4: {  	s25 =	simm.s32 $0x1B8E;
	s24 =	sld [smem:$0x3FFE];
	[sflag:s23] =	ssyncadd.s32 $0xFFFFFFFF  }
0xa5: {  	s26 =	simm.s32 $execute0_lowered;
	[smem:$0x3FD2] =	sst s25  }
0xa6: {  	s4 =	sshll.u32 s26, $0x1;
	_ =	strace $0x80000046;
	[dreg:$0x1] =	wrdreg $0xFFFFFFFF  }
0xa7: {  	s28 =	simm.s32 $_size_execute0_lowered;
	s2 =	sadd.s32 s2, s4;
	[dreg:$0x0] =	wrdreg $0x0  }
0xa8: {  	s4 =	sshll.u32 s28, $0x1;
	[dreg:$0x2] =	wrdreg s2  }
0xa9: {  	[dreg:$0x3] =	wrdreg s4  }
0xaa: {  	[dreg:$0x4] =	wrdreg $0xC0  }
0xab: {  	_ =	task [dreg:s6], $0x5FFFF  }
0xac: {  	[dreg:$0x1] =	wrdreg $0xFFFFFFFF  }
0xad: {  	[dreg:$0x0] =	wrdreg $0x60  }
0xae: {  	[dreg:$0x2] =	wrdreg s24  }
0xaf: {  	[dreg:$0x3] =	wrdreg $0x9  }
0xb0: {  	_ =	task.clear_ibuf [dreg:s6], $0x4FFFF;
	_ =	strace $0x90000046  }
0xb1: {  	s29 =	simm.s32 $0x9;
	_ =	strace $0x80000048  }
0xb2: {  	_ =	swait.ge [sflag:s29], $0x1  }
0xb3: {  	[sflag:s29] =	ssyncadd.s32 $0xFFFFFFFF  }
0xb4: {  	_ =	strace $0x90000048  }
0xb5: {  	_ =	sfence  }
0xb6: {  	s30 =	sld [smem:$0x0];
	_ =	sdelay $0x2  }
0xb7: {  	s31 =	sshll.u32 s1, $0xD;
	s1 =	sshrl.u32 s1, $0x2  }
0xb8: {  	s3 =	sand.u32 $0x4000, s31;
	s1 =	sadd.s32 s1, s30  }
0xb9: {  	s0 =	sor.u32 s3, s0;
	s1 =	sshll.u32 s1, $0x11  }
0xba: {  	s0 =	sor.u32 s1, s0  }
0xbb: {  	s0 =	sadd.s32 $0x8F2B, s0  }
0xbc: {  	[sflag:s0] =	ssyncadd.remote.s32 $0x1  }
0xbd: {  	_ =	sfence.sel $0xFFFF  }
0xbe: {  	[dreg:$0x0] =	wrdreg $0xFFFFFFFF;
	(pc) =	sbr.abs _section_cstart, $3  }
0xbf: {  	[dreg:$0x1] =	wrdreg $0xFFFFFFFF  }
0xc0: {  	_ =	task.clear_ibuf [dreg:s6], $0x2FFFF;
	_ =	strace $0x9FFFFFFF  }
0xc1: {  	(tm) =	ssettm $0x7FFFFFFF  }
tec
execute0_lowered:
.L_overlay_start_1:
0x0: {  	(tag) =	ssettag $0x1  }
0x1: {  	s4 =	rddreg [dreg:$0x0]  }
0x2: {  	s1 =	srdreg.scid;
	s0 =	rddreg [dreg:$0x1]  }
0x3: {  	s2 =	simm.s32 $0x0;
	s9 =	simm.s32 $0x0;
	s3 =	sand.u32 $0x1, s1  }
0x4: {  	s1 =	stileid.u32;
	[smem:$0x7FF] =	sst s2;
	s5 =	sshll.u32 s3, $0x4  }
0x5: {  	s7 =	ssub.s32 $0x2, s3;
	_ =	strace $0x80000047;
	s5 =	sor.u32 s1, s5  }
0x6: {  	s8 =	sshrl.u32 s7, $0x1;
	s6 =	sshll.u32 s5, $0xB;
	s5 =	smul.u32 $0x4E2, s5  }
0x7: {  	s3 =	sadd.s32 $0x13600, s4;
	s7 =	ssub.s32 s7, s8;
	s6 =	sadd.s32 s6, s4  }
0x8: {  	s8 =	simm.s32 $0x4000;
	s5 =	sadd.s32 s5, s4;
	s4 =	sadd.s32 $0x3600, s6  }
0x9: {  	v0 =	vimm.f32 $1.000000000e+00;
	s6 =	smax.u32 s7, $0x1;
	s7 =	simm.s32 $0x1;
	s5 =	sadd.s32 $0x13C00, s5  }
.LBB2_1:
0xa: {  	[tilespmem:s2], [sflag:$0x1] =	stream.linear.gather [hbm4b:s4+s2], $0x3E80, $0x38;
	[tilespmem:$0x6780] =	vst v63  }
0xb: {  	_ =	swait.ge [sflag:s7], $0x3E80  }
0xc: {  	[sflag:s7] =	ssyncset.done $0x0  }
0xd: {  	[sflag:s7] =	ssyncadd.s32 $0xFFFFC180  }
0xe: {  	[tilespmem:s8], [sflag:$0x1] =	stream.linear.gather [hbm4b:s3+s2], $0x2780, $0x38;
	[tilespmem:$0x6780] =	vst v63  }
0xf: {  	_ =	swait.ge [sflag:s7], $0x2780  }
0x10: {  	[sflag:s7] =	ssyncset.done $0x0  }
0x11: {  	s10 =	simm.s32 $0x0;
	[sflag:s7] =	ssyncadd.s32 $0xFFFFD880  }
.LBB2_2:
0x12: {  	s11 =	sshra.s32 s10, $0x2  }
0x13: {  	v1 =	vld [tilespmem:s11+$0x0];
	_ =	sdelay $0x7  }
0x14: {  	[tilespmem:v1+s8+$0x0] =	vst.idx.add.f32.msk $0xffff, v0  }
0x15: {  	v1 =	vld [tilespmem:s11+$0x10];
	_ =	sdelay $0x7  }
0x16: {  	[tilespmem:v1+s8+$0x0] =	vst.idx.add.f32.msk $0xffff, v0  }
0x17: {  	v1 =	vld [tilespmem:s11+$0x20];
	_ =	sdelay $0x7  }
0x18: {  	[tilespmem:v1+s8+$0x0] =	vst.idx.add.f32.msk $0xffff, v0  }
0x19: {  	v1 =	vld [tilespmem:s11+$0x30];
	_ =	sdelay $0x7  }
0x1a: {  	[tilespmem:v1+s8+$0x0] =	vst.idx.add.f32.msk $0xffff, v0  }
0x1b: {  	v1 =	vld [tilespmem:s11+$0x40];
	_ =	sdelay $0x2  }
0x1c: {  	p0 =	sne.s32 s10, $0xF800  }
.Ltmp0:
0x1d: {  	_ = 	snop;
	(pc) =	sbr.rel @p0 .LBB2_2-.Ltmp0, $2  }
0x1e: {  	_ =	sdelay $0x2  }
0x1f: {  	s10 =	sadd.s32 $0x200, s10;
	[tilespmem:v1+s8+$0x0] =	vst.idx.add.f32.msk $0xffff, v0  }
0x20: {  	s9 =	sadd.s32 $0x1, s9  }
0x21: {  	p0 =	sne.s32 s9, s6  }
.Ltmp1:
0x22: {  	_ = 	snop;
	(pc) =	sbr.rel @p0 .LBB2_1-.Ltmp1, $4  }
0x23: {  	[hbm4b:s5+s2] =	stream.linear.scatter [tilespmem:s8], [sflag:$0x1], $0x2710, $0x38;
	[tilespmem:$0x6780] =	vst v63  }
0x24: {  	_ =	swait.ge [sflag:s7], $0x2710  }
0x25: {  	[sflag:s7] =	ssyncset.done $0x0  }
0x26: {  	[sflag:s7] =	ssyncadd.s32 $0xFFFFD8F0  }
0x27: {  	_ =	sfence.sel $0x180000  }
0x28: {  	[bflag:$0x0] =	sbarrier.arrive $0xFFFF  }
0x29: {  	p0 =	sne.s32 s1, $0x0;
	_ =	strace $0x90000047  }
0x2a: {  	s0 =	sadd.s32 @!p0 $0x100000, s0;
	[bflag:$0x2] =	sbarrier.arrive $0xFFFF  }
0x2b: {  	[sflag:s0] =	ssyncadd.tile.s32 @!p0 $0x1;
	_ =	shalt  }
.Lfunc_end2:
_tile_overlayer_lowered:
.L_overlay_start_2:
0x2c: {  	(tag) =	ssettag $0x2  }
0x2d: {  	s0 =	rddreg [dreg:$0x0];
	s2 =	stileid.u32  }
0x2e: {  	s1 =	rddreg [dreg:$0x1];
	p0 =	sne.s32 s2, $0x0  }
0x2f: {  	s3 =	rddreg [dreg:$0x2];
	[bflag:$0x3] =	sbarrier.arrive $0xFFFF;
	s2 =	simm.s32 @!p0 $0x1C01  }
0x30: {  	[timem:s3], [sflag:s2] =	dma.local @!p0 [hbm:s0], s1  }
0x31: {  	s0 =	simm.s32 @!p0 $0x1  }
0x32: {  	_ =	swait.ge @!p0 [sflag:s0], s1  }
0x33: {  	s1 =	ssub.s32 @!p0 $0x0, s1;
	[sflag:s0] =	ssyncset.done @!p0 $0x0  }
0x34: {  	[sflag:s0] =	ssyncadd.s32 @!p0 s1  }
0x35: {  	[bflag:$0x3] =	sbarrier.arrive $0xFFFF  }
0x36: {  	_ =	shalt  }

</sc_bundles>
